<compile_context>
chip_gen: v7x
topology: tpu7x:2x2x1
jax: 0.10.2.dev20260603
libtpu: 0.0.44.dev20260713+nightly
codegen_flags: <defaults>
</compile_context>

<pallas_src>
import functools

import jax
import jax.numpy as jnp
from jax import lax
from jax.experimental import pallas as pl
from jax.experimental.pallas import tpu as pltpu
from jax.experimental.pallas import tpu_sc as plsc

_EPS = 1e-6
_NC = 2
_NS = 16
_NW = _NC * _NS
_L = 16
_D = 128
_E = 320000
_CHUNK = 80


def _sqrt16(x):
    xi = plsc.bitcast(x, jnp.int32)
    yi = jnp.int32(0x5F3759DF) - (xi >> 1)
    y = plsc.bitcast(yi, jnp.float32)
    half_x = 0.5 * x
    for _ in range(3):
        y = y * (1.5 - half_x * y * y)
    return x * y


def _make_kernel():
    mesh = plsc.VectorSubcoreMesh(
        core_axis_name="c", subcore_axis_name="s",
        num_cores=_NC, num_subcores=_NS,
    )
    epw = _E // _NW
    nchunks = epw // _CHUNK

    @functools.partial(
        pl.kernel,
        out_type=jax.ShapeDtypeStruct((_E,), jnp.float32),
        mesh=mesh,
        compiler_params=pltpu.CompilerParams(needs_layout_passes=False),
        scratch_types=[
            pltpu.VMEM((_CHUNK,), jnp.int32),
            pltpu.VMEM((_CHUNK,), jnp.int32),
            pltpu.VMEM((_CHUNK, _D), jnp.float32),
            pltpu.VMEM((_CHUNK, _D), jnp.float32),
            pltpu.VMEM((_CHUNK,), jnp.float32),
            pltpu.SemaphoreType.DMA,
            pltpu.SemaphoreType.DMA,
        ],
    )
    def ep_kernel(h_hbm, src_hbm, dst_hbm, out_hbm,
                  sidx, didx, srows, drows, oscore, sem_s, sem_d):
        wid = lax.axis_index("s") * _NC + lax.axis_index("c")
        base = wid * epw
        lane = lax.iota(jnp.int32, _L)

        def chunk_body(c, carry):
            off = base + c * _CHUNK
            pltpu.sync_copy(src_hbm.at[pl.ds(off, _CHUNK)], sidx)
            pltpu.sync_copy(dst_hbm.at[pl.ds(off, _CHUNK)], didx)
            cp_s = pltpu.async_copy(h_hbm.at[sidx], srows, sem_s)
            cp_d = pltpu.async_copy(h_hbm.at[didx], drows, sem_d)
            cp_s.wait()
            cp_d.wait()
            for g in range(_CHUNK // _L):
                rows = lane + (g * _L)

                def feat_body(fo, acc):
                    for fi in range(16):
                        cols = jnp.full((_L,), fo * 16 + fi, jnp.int32)
                        s = plsc.load_gather(srows, [rows, cols])
                        d = plsc.load_gather(drows, [rows, cols])
                        t = s - d + _EPS
                        acc = acc + t * t
                    return acc

                acc = lax.fori_loop(0, _D // 16, feat_body,
                                    jnp.zeros((_L,), jnp.float32))
                oscore[pl.ds(g * _L, _L)] = _sqrt16(acc)
            pltpu.sync_copy(oscore, out_hbm.at[pl.ds(off, _CHUNK)])
            return carry

        lax.fori_loop(0, nchunks, chunk_body, 0)

    return ep_kernel


_EP_KERNEL = _make_kernel()


def kernel(h, edge_index):
    ei = edge_index.astype(jnp.int32)
    return _EP_KERNEL(h, ei[0], ei[1])

# --- scband reference (transcript-rebuilt; emitter-appended) ---
"""Pipeline reference for scband-euclidean-predictor-58145267253639 (READ-ONLY COPY).

The authoritative reference and input builder live on the scoring server;
editing this copy changes nothing except your own understanding.
"""

import jax, jax.numpy as jnp
import numpy as np

EPS = 1e-6

def setup_inputs(seed: int = 0) -> dict:
    key = jax.random.key(seed)
    k1, k2 = jax.random.split(key)
    h = jax.random.normal(k1, (10000, 128), dtype=jnp.float32)
    edge_index = jax.random.randint(k2, (2, 320000), 0, 10000, dtype=jnp.int64)
    return {"h": h, "edge_index": edge_index}

def reference(h, edge_index):
    # DGL apply_edges with F.pairwise_distance(src_h, dst_h):
    # ||src - dst + eps||_2 per edge (torch pairwise_distance semantics, p=2, eps=1e-6)
    src = jnp.take(h, edge_index[0], axis=0)
    dst = jnp.take(h, edge_index[1], axis=0)
    diff = src - dst + EPS
    score = jnp.sqrt(jnp.sum(diff * diff, axis=-1))
    return score

if __name__ == "__main__":
    import jax
    _d = setup_inputs()
    print(jax.jit(kernel)(*tuple(_d.values())))

</pallas_src>

<mosaic_0001>
#map = affine_map<(d0, d1) -> (0, 0)>
#map1 = affine_map<(d0, d1) -> (0)>
module attributes {stable_mosaic.version = 14 : i64} {
  func.func @ep_kernel(%arg0: i32, %arg1: i32, %arg2: memref<10000x128xf32, #tpu.memory_space<hbm>>, %arg3: memref<320000xi32, #tpu.memory_space<hbm>>, %arg4: memref<320000xi32, #tpu.memory_space<hbm>>, %arg5: memref<320000xf32, #tpu.memory_space<hbm>>, %arg6: memref<80xi32, #tpu.memory_space<vmem>>, %arg7: memref<80xi32, #tpu.memory_space<vmem>>, %arg8: memref<80x128xf32, #tpu.memory_space<vmem>>, %arg9: memref<80x128xf32, #tpu.memory_space<vmem>>, %arg10: memref<80xf32, #tpu.memory_space<vmem>>, %arg11: memref<!tpu.dma_semaphore, #tpu.memory_space<semaphore_mem>>, %arg12: memref<!tpu.dma_semaphore, #tpu.memory_space<semaphore_mem>>) attributes {dimension_semantics = [#tpu.dimension_semantics<core_parallel>, #tpu.dimension_semantics<subcore_parallel>], iteration_bounds = array<i64: 2, 16>, scalar_prefetch = 0 : i64, scratch_operands = 7 : i64, tpu.core_type = #tpu.core_type<sc_vector_subcore>, window_params = [{transform_indices = #map}, {transform_indices = #map1}, {transform_indices = #map1}, {transform_indices = #map1}]} {
    %mul3A = arith.constant 2 : i32
    %mul3A_0 = arith.muli %arg1, %mul3A : i32
    %add3A = arith.addi %mul3A_0, %arg0 : i32
    %mul3A_1 = arith.constant 10000 : i32
    %mul3A_2 = arith.muli %add3A, %mul3A_1 : i32
    %iota3A = tpu.iota {dimensions = array<i32: 0>} : vector<16xi32>
    %scan3A = arith.constant 0 : i32
    %scan3A_3 = arith.constant 0 : i32
    %scan3A_4 = arith.constant 125 : i32
    %scan3A_5 = arith.addi %scan3A_3, %scan3A_4 : i32
    %scan3A_6 = arith.constant 1 : i32
    scf.for %scan3A_8 = %scan3A_3 to %scan3A_5 step %scan3A_6  : i32 {
      %mul3A_9 = arith.constant 80 : i32
      %mul3A_10 = arith.muli %scan3A_8, %mul3A_9 : i32
      %add3A_11 = arith.addi %mul3A_2, %mul3A_10 : i32
      "tpu.region"() ({
        %run_scoped3A = tpu.sem_alloc : memref<!tpu.dma_semaphore, #tpu.memory_space<semaphore_mem>>
        %dma_start3A_232 = tpu.memref_slice %arg3[%add3A_11] : memref<320000xi32, #tpu.memory_space<hbm>> -> memref<80xi32, #tpu.memory_space<hbm>>
        %dma_start3A_233 = tpu.memref_slice %arg3[%add3A_11] : memref<320000xi32, #tpu.memory_space<hbm>> -> memref<80xi32, #tpu.memory_space<hbm>>
        tpu.enqueue_dma source(%dma_start3A_233 : memref<80xi32, #tpu.memory_space<hbm>>) target(%arg6 : memref<80xi32, #tpu.memory_space<vmem>>) target_semaphore(%run_scoped3A : memref<!tpu.dma_semaphore, #tpu.memory_space<semaphore_mem>>)
        %dma_wait3A_234 = tpu.memref_slice %arg3[%add3A_11] : memref<320000xi32, #tpu.memory_space<hbm>> -> memref<80xi32, #tpu.memory_space<hbm>>
        %dma_wait3A_235 = tpu.memref_slice %arg3[%add3A_11] : memref<320000xi32, #tpu.memory_space<hbm>> -> memref<80xi32, #tpu.memory_space<hbm>>
        tpu.wait_dma2 semaphore(%run_scoped3A : memref<!tpu.dma_semaphore, #tpu.memory_space<semaphore_mem>>) src(%dma_wait3A_235 : memref<80xi32, #tpu.memory_space<hbm>>) dst(%arg6 : memref<80xi32, #tpu.memory_space<vmem>>)
        tpu.yield
      }) : () -> ()
      "tpu.region"() ({
        %run_scoped3A = tpu.sem_alloc : memref<!tpu.dma_semaphore, #tpu.memory_space<semaphore_mem>>
        %dma_start3A_232 = tpu.memref_slice %arg4[%add3A_11] : memref<320000xi32, #tpu.memory_space<hbm>> -> memref<80xi32, #tpu.memory_space<hbm>>
        %dma_start3A_233 = tpu.memref_slice %arg4[%add3A_11] : memref<320000xi32, #tpu.memory_space<hbm>> -> memref<80xi32, #tpu.memory_space<hbm>>
        tpu.enqueue_dma source(%dma_start3A_233 : memref<80xi32, #tpu.memory_space<hbm>>) target(%arg7 : memref<80xi32, #tpu.memory_space<vmem>>) target_semaphore(%run_scoped3A : memref<!tpu.dma_semaphore, #tpu.memory_space<semaphore_mem>>)
        %dma_wait3A_234 = tpu.memref_slice %arg4[%add3A_11] : memref<320000xi32, #tpu.memory_space<hbm>> -> memref<80xi32, #tpu.memory_space<hbm>>
        %dma_wait3A_235 = tpu.memref_slice %arg4[%add3A_11] : memref<320000xi32, #tpu.memory_space<hbm>> -> memref<80xi32, #tpu.memory_space<hbm>>
        tpu.wait_dma2 semaphore(%run_scoped3A : memref<!tpu.dma_semaphore, #tpu.memory_space<semaphore_mem>>) src(%dma_wait3A_235 : memref<80xi32, #tpu.memory_space<hbm>>) dst(%arg7 : memref<80xi32, #tpu.memory_space<vmem>>)
        tpu.yield
      }) : () -> ()
      %dma_start3A = arith.constant 0 : i32
      %dma_start3A_12 = arith.constant 0 : i32
      %dma_start3A_13 = tpu.memref_slice %arg2[%dma_start3A, %dma_start3A_12] : memref<10000x128xf32, #tpu.memory_space<hbm>> -> memref<10000x128xf32, #tpu.memory_space<hbm>>
      tpu.enqueue_indirect_dma source(%dma_start3A_13 : memref<10000x128xf32, #tpu.memory_space<hbm>>) target(%arg8 : memref<80x128xf32, #tpu.memory_space<vmem>>) offsets(%arg6 : memref<80xi32, #tpu.memory_space<vmem>>) semaphore(%arg11 : memref<!tpu.dma_semaphore, #tpu.memory_space<semaphore_mem>>)
      %dma_start3A_14 = arith.constant 0 : i32
      %dma_start3A_15 = arith.constant 0 : i32
      %dma_start3A_16 = tpu.memref_slice %arg2[%dma_start3A_14, %dma_start3A_15] : memref<10000x128xf32, #tpu.memory_space<hbm>> -> memref<10000x128xf32, #tpu.memory_space<hbm>>
      tpu.enqueue_indirect_dma source(%dma_start3A_16 : memref<10000x128xf32, #tpu.memory_space<hbm>>) target(%arg9 : memref<80x128xf32, #tpu.memory_space<vmem>>) offsets(%arg7 : memref<80xi32, #tpu.memory_space<vmem>>) semaphore(%arg12 : memref<!tpu.dma_semaphore, #tpu.memory_space<semaphore_mem>>)
      %dma_wait3A = arith.constant 0 : i32
      %dma_wait3A_17 = arith.constant 0 : i32
      %dma_wait3A_18 = tpu.memref_slice %arg2[%dma_wait3A, %dma_wait3A_17] : memref<10000x128xf32, #tpu.memory_space<hbm>> -> memref<10000x128xf32, #tpu.memory_space<hbm>>
      tpu.wait_indirect_dma semaphore(%arg11 : memref<!tpu.dma_semaphore, #tpu.memory_space<semaphore_mem>>) src(%dma_wait3A_18 : memref<10000x128xf32, #tpu.memory_space<hbm>>) dst(%arg8 : memref<80x128xf32, #tpu.memory_space<vmem>>)
      %dma_wait3A_19 = arith.constant 0 : i32
      %dma_wait3A_20 = arith.constant 0 : i32
      %dma_wait3A_21 = tpu.memref_slice %arg2[%dma_wait3A_19, %dma_wait3A_20] : memref<10000x128xf32, #tpu.memory_space<hbm>> -> memref<10000x128xf32, #tpu.memory_space<hbm>>
      tpu.wait_indirect_dma semaphore(%arg12 : memref<!tpu.dma_semaphore, #tpu.memory_space<semaphore_mem>>) src(%dma_wait3A_21 : memref<10000x128xf32, #tpu.memory_space<hbm>>) dst(%arg9 : memref<80x128xf32, #tpu.memory_space<vmem>>)
      %add3A_22 = arith.constant 0 : i32
      %add3A_23 = vector.broadcast %add3A_22 : i32 to vector<16xi32>
      %add3A_24 = arith.addi %iota3A, %add3A_23 : vector<16xi32>
      %broadcast_in_dim3A = arith.constant 0.000000e+00 : f32
      %broadcast_in_dim3A_25 = vector.broadcast %broadcast_in_dim3A : f32 to vector<16xf32>
      %scan3A_26 = arith.constant 0 : i32
      %scan3A_27 = arith.constant 8 : i32
      %scan3A_28 = arith.addi %scan3A_26, %scan3A_27 : i32
      %scan3A_29 = arith.constant 1 : i32
      %scan3A_30 = scf.for %scan3A_232 = %scan3A_26 to %scan3A_28 step %scan3A_29 iter_args(%scan3A_233 = %broadcast_in_dim3A_25) -> (vector<16xf32>)  : i32 {
        %mul3A_234 = arith.constant 16 : i32
        %mul3A_235 = arith.muli %scan3A_232, %mul3A_234 : i32
        %add3A_236 = arith.constant 0 : i32
        %add3A_237 = arith.addi %mul3A_235, %add3A_236 : i32
        %broadcast_in_dim3A_238 = vector.broadcast %add3A_237 : i32 to vector<16xi32>
        %gather3A = tpu.vector_load_idx %arg8[%add3A_24, %broadcast_in_dim3A_238] : memref<80x128xf32, #tpu.memory_space<vmem>>[vector<16xi32>, vector<16xi32>], vector<16xf32>,
        %gather3A_239 = tpu.vector_load_idx %arg9[%add3A_24, %broadcast_in_dim3A_238] : memref<80x128xf32, #tpu.memory_space<vmem>>[vector<16xi32>, vector<16xi32>], vector<16xf32>,
        %sub3A_240 = arith.subf %gather3A, %gather3A_239 : vector<16xf32>
        %add3A_241 = arith.constant 9.99999997E-7 : f32
        %add3A_242 = vector.broadcast %add3A_241 : f32 to vector<16xf32>
        %add3A_243 = arith.addf %sub3A_240, %add3A_242 : vector<16xf32>
        %mul3A_244 = arith.mulf %add3A_243, %add3A_243 : vector<16xf32>
        %add3A_245 = arith.addf %scan3A_233, %mul3A_244 : vector<16xf32>
        %mul3A_246 = arith.constant 16 : i32
        %mul3A_247 = arith.muli %scan3A_232, %mul3A_246 : i32
        %add3A_248 = arith.constant 1 : i32
        %add3A_249 = arith.addi %mul3A_247, %add3A_248 : i32
        %broadcast_in_dim3A_250 = vector.broadcast %add3A_249 : i32 to vector<16xi32>
        %gather3A_251 = tpu.vector_load_idx %arg8[%add3A_24, %broadcast_in_dim3A_250] : memref<80x128xf32, #tpu.memory_space<vmem>>[vector<16xi32>, vector<16xi32>], vector<16xf32>,
        %gather3A_252 = tpu.vector_load_idx %arg9[%add3A_24, %broadcast_in_dim3A_250] : memref<80x128xf32, #tpu.memory_space<vmem>>[vector<16xi32>, vector<16xi32>], vector<16xf32>,
        %sub3A_253 = arith.subf %gather3A_251, %gather3A_252 : vector<16xf32>
        %add3A_254 = arith.constant 9.99999997E-7 : f32
        %add3A_255 = vector.broadcast %add3A_254 : f32 to vector<16xf32>
        %add3A_256 = arith.addf %sub3A_253, %add3A_255 : vector<16xf32>
        %mul3A_257 = arith.mulf %add3A_256, %add3A_256 : vector<16xf32>
        %add3A_258 = arith.addf %add3A_245, %mul3A_257 : vector<16xf32>
        %mul3A_259 = arith.constant 16 : i32
        %mul3A_260 = arith.muli %scan3A_232, %mul3A_259 : i32
        %add3A_261 = arith.constant 2 : i32
        %add3A_262 = arith.addi %mul3A_260, %add3A_261 : i32
        %broadcast_in_dim3A_263 = vector.broadcast %add3A_262 : i32 to vector<16xi32>
        %gather3A_264 = tpu.vector_load_idx %arg8[%add3A_24, %broadcast_in_dim3A_263] : memref<80x128xf32, #tpu.memory_space<vmem>>[vector<16xi32>, vector<16xi32>], vector<16xf32>,
        %gather3A_265 = tpu.vector_load_idx %arg9[%add3A_24, %broadcast_in_dim3A_263] : memref<80x128xf32, #tpu.memory_space<vmem>>[vector<16xi32>, vector<16xi32>], vector<16xf32>,
        %sub3A_266 = arith.subf %gather3A_264, %gather3A_265 : vector<16xf32>
        %add3A_267 = arith.constant 9.99999997E-7 : f32
        %add3A_268 = vector.broadcast %add3A_267 : f32 to vector<16xf32>
        %add3A_269 = arith.addf %sub3A_266, %add3A_268 : vector<16xf32>
        %mul3A_270 = arith.mulf %add3A_269, %add3A_269 : vector<16xf32>
        %add3A_271 = arith.addf %add3A_258, %mul3A_270 : vector<16xf32>
        %mul3A_272 = arith.constant 16 : i32
        %mul3A_273 = arith.muli %scan3A_232, %mul3A_272 : i32
        %add3A_274 = arith.constant 3 : i32
        %add3A_275 = arith.addi %mul3A_273, %add3A_274 : i32
        %broadcast_in_dim3A_276 = vector.broadcast %add3A_275 : i32 to vector<16xi32>
        %gather3A_277 = tpu.vector_load_idx %arg8[%add3A_24, %broadcast_in_dim3A_276] : memref<80x128xf32, #tpu.memory_space<vmem>>[vector<16xi32>, vector<16xi32>], vector<16xf32>,
        %gather3A_278 = tpu.vector_load_idx %arg9[%add3A_24, %broadcast_in_dim3A_276] : memref<80x128xf32, #tpu.memory_space<vmem>>[vector<16xi32>, vector<16xi32>], vector<16xf32>,
        %sub3A_279 = arith.subf %gather3A_277, %gather3A_278 : vector<16xf32>
        %add3A_280 = arith.constant 9.99999997E-7 : f32
        %add3A_281 = vector.broadcast %add3A_280 : f32 to vector<16xf32>
        %add3A_282 = arith.addf %sub3A_279, %add3A_281 : vector<16xf32>
        %mul3A_283 = arith.mulf %add3A_282, %add3A_282 : vector<16xf32>
        %add3A_284 = arith.addf %add3A_271, %mul3A_283 : vector<16xf32>
        %mul3A_285 = arith.constant 16 : i32
        %mul3A_286 = arith.muli %scan3A_232, %mul3A_285 : i32
        %add3A_287 = arith.constant 4 : i32
        %add3A_288 = arith.addi %mul3A_286, %add3A_287 : i32
        %broadcast_in_dim3A_289 = vector.broadcast %add3A_288 : i32 to vector<16xi32>
        %gather3A_290 = tpu.vector_load_idx %arg8[%add3A_24, %broadcast_in_dim3A_289] : memref<80x128xf32, #tpu.memory_space<vmem>>[vector<16xi32>, vector<16xi32>], vector<16xf32>,
        %gather3A_291 = tpu.vector_load_idx %arg9[%add3A_24, %broadcast_in_dim3A_289] : memref<80x128xf32, #tpu.memory_space<vmem>>[vector<16xi32>, vector<16xi32>], vector<16xf32>,
        %sub3A_292 = arith.subf %gather3A_290, %gather3A_291 : vector<16xf32>
        %add3A_293 = arith.constant 9.99999997E-7 : f32
        %add3A_294 = vector.broadcast %add3A_293 : f32 to vector<16xf32>
        %add3A_295 = arith.addf %sub3A_292, %add3A_294 : vector<16xf32>
        %mul3A_296 = arith.mulf %add3A_295, %add3A_295 : vector<16xf32>
        %add3A_297 = arith.addf %add3A_284, %mul3A_296 : vector<16xf32>
        %mul3A_298 = arith.constant 16 : i32
        %mul3A_299 = arith.muli %scan3A_232, %mul3A_298 : i32
        %add3A_300 = arith.constant 5 : i32
        %add3A_301 = arith.addi %mul3A_299, %add3A_300 : i32
        %broadcast_in_dim3A_302 = vector.broadcast %add3A_301 : i32 to vector<16xi32>
        %gather3A_303 = tpu.vector_load_idx %arg8[%add3A_24, %broadcast_in_dim3A_302] : memref<80x128xf32, #tpu.memory_space<vmem>>[vector<16xi32>, vector<16xi32>], vector<16xf32>,
        %gather3A_304 = tpu.vector_load_idx %arg9[%add3A_24, %broadcast_in_dim3A_302] : memref<80x128xf32, #tpu.memory_space<vmem>>[vector<16xi32>, vector<16xi32>], vector<16xf32>,
        %sub3A_305 = arith.subf %gather3A_303, %gather3A_304 : vector<16xf32>
        %add3A_306 = arith.constant 9.99999997E-7 : f32
        %add3A_307 = vector.broadcast %add3A_306 : f32 to vector<16xf32>
        %add3A_308 = arith.addf %sub3A_305, %add3A_307 : vector<16xf32>
        %mul3A_309 = arith.mulf %add3A_308, %add3A_308 : vector<16xf32>
        %add3A_310 = arith.addf %add3A_297, %mul3A_309 : vector<16xf32>
        %mul3A_311 = arith.constant 16 : i32
        %mul3A_312 = arith.muli %scan3A_232, %mul3A_311 : i32
        %add3A_313 = arith.constant 6 : i32
        %add3A_314 = arith.addi %mul3A_312, %add3A_313 : i32
        %broadcast_in_dim3A_315 = vector.broadcast %add3A_314 : i32 to vector<16xi32>
        %gather3A_316 = tpu.vector_load_idx %arg8[%add3A_24, %broadcast_in_dim3A_315] : memref<80x128xf32, #tpu.memory_space<vmem>>[vector<16xi32>, vector<16xi32>], vector<16xf32>,
        %gather3A_317 = tpu.vector_load_idx %arg9[%add3A_24, %broadcast_in_dim3A_315] : memref<80x128xf32, #tpu.memory_space<vmem>>[vector<16xi32>, vector<16xi32>], vector<16xf32>,
        %sub3A_318 = arith.subf %gather3A_316, %gather3A_317 : vector<16xf32>
        %add3A_319 = arith.constant 9.99999997E-7 : f32
        %add3A_320 = vector.broadcast %add3A_319 : f32 to vector<16xf32>
        %add3A_321 = arith.addf %sub3A_318, %add3A_320 : vector<16xf32>
        %mul3A_322 = arith.mulf %add3A_321, %add3A_321 : vector<16xf32>
        %add3A_323 = arith.addf %add3A_310, %mul3A_322 : vector<16xf32>
        %mul3A_324 = arith.constant 16 : i32
        %mul3A_325 = arith.muli %scan3A_232, %mul3A_324 : i32
        %add3A_326 = arith.constant 7 : i32
        %add3A_327 = arith.addi %mul3A_325, %add3A_326 : i32
        %broadcast_in_dim3A_328 = vector.broadcast %add3A_327 : i32 to vector<16xi32>
        %gather3A_329 = tpu.vector_load_idx %arg8[%add3A_24, %broadcast_in_dim3A_328] : memref<80x128xf32, #tpu.memory_space<vmem>>[vector<16xi32>, vector<16xi32>], vector<16xf32>,
        %gather3A_330 = tpu.vector_load_idx %arg9[%add3A_24, %broadcast_in_dim3A_328] : memref<80x128xf32, #tpu.memory_space<vmem>>[vector<16xi32>, vector<16xi32>], vector<16xf32>,
        %sub3A_331 = arith.subf %gather3A_329, %gather3A_330 : vector<16xf32>
        %add3A_332 = arith.constant 9.99999997E-7 : f32
        %add3A_333 = vector.broadcast %add3A_332 : f32 to vector<16xf32>
        %add3A_334 = arith.addf %sub3A_331, %add3A_333 : vector<16xf32>
        %mul3A_335 = arith.mulf %add3A_334, %add3A_334 : vector<16xf32>
        %add3A_336 = arith.addf %add3A_323, %mul3A_335 : vector<16xf32>
        %mul3A_337 = arith.constant 16 : i32
        %mul3A_338 = arith.muli %scan3A_232, %mul3A_337 : i32
        %add3A_339 = arith.constant 8 : i32
        %add3A_340 = arith.addi %mul3A_338, %add3A_339 : i32
        %broadcast_in_dim3A_341 = vector.broadcast %add3A_340 : i32 to vector<16xi32>
        %gather3A_342 = tpu.vector_load_idx %arg8[%add3A_24, %broadcast_in_dim3A_341] : memref<80x128xf32, #tpu.memory_space<vmem>>[vector<16xi32>, vector<16xi32>], vector<16xf32>,
        %gather3A_343 = tpu.vector_load_idx %arg9[%add3A_24, %broadcast_in_dim3A_341] : memref<80x128xf32, #tpu.memory_space<vmem>>[vector<16xi32>, vector<16xi32>], vector<16xf32>,
        %sub3A_344 = arith.subf %gather3A_342, %gather3A_343 : vector<16xf32>
        %add3A_345 = arith.constant 9.99999997E-7 : f32
        %add3A_346 = vector.broadcast %add3A_345 : f32 to vector<16xf32>
        %add3A_347 = arith.addf %sub3A_344, %add3A_346 : vector<16xf32>
        %mul3A_348 = arith.mulf %add3A_347, %add3A_347 : vector<16xf32>
        %add3A_349 = arith.addf %add3A_336, %mul3A_348 : vector<16xf32>
        %mul3A_350 = arith.constant 16 : i32
        %mul3A_351 = arith.muli %scan3A_232, %mul3A_350 : i32
        %add3A_352 = arith.constant 9 : i32
        %add3A_353 = arith.addi %mul3A_351, %add3A_352 : i32
        %broadcast_in_dim3A_354 = vector.broadcast %add3A_353 : i32 to vector<16xi32>
        %gather3A_355 = tpu.vector_load_idx %arg8[%add3A_24, %broadcast_in_dim3A_354] : memref<80x128xf32, #tpu.memory_space<vmem>>[vector<16xi32>, vector<16xi32>], vector<16xf32>,
        %gather3A_356 = tpu.vector_load_idx %arg9[%add3A_24, %broadcast_in_dim3A_354] : memref<80x128xf32, #tpu.memory_space<vmem>>[vector<16xi32>, vector<16xi32>], vector<16xf32>,
        %sub3A_357 = arith.subf %gather3A_355, %gather3A_356 : vector<16xf32>
        %add3A_358 = arith.constant 9.99999997E-7 : f32
        %add3A_359 = vector.broadcast %add3A_358 : f32 to vector<16xf32>
        %add3A_360 = arith.addf %sub3A_357, %add3A_359 : vector<16xf32>
        %mul3A_361 = arith.mulf %add3A_360, %add3A_360 : vector<16xf32>
        %add3A_362 = arith.addf %add3A_349, %mul3A_361 : vector<16xf32>
        %mul3A_363 = arith.constant 16 : i32
        %mul3A_364 = arith.muli %scan3A_232, %mul3A_363 : i32
        %add3A_365 = arith.constant 10 : i32
        %add3A_366 = arith.addi %mul3A_364, %add3A_365 : i32
        %broadcast_in_dim3A_367 = vector.broadcast %add3A_366 : i32 to vector<16xi32>
        %gather3A_368 = tpu.vector_load_idx %arg8[%add3A_24, %broadcast_in_dim3A_367] : memref<80x128xf32, #tpu.memory_space<vmem>>[vector<16xi32>, vector<16xi32>], vector<16xf32>,
        %gather3A_369 = tpu.vector_load_idx %arg9[%add3A_24, %broadcast_in_dim3A_367] : memref<80x128xf32, #tpu.memory_space<vmem>>[vector<16xi32>, vector<16xi32>], vector<16xf32>,
        %sub3A_370 = arith.subf %gather3A_368, %gather3A_369 : vector<16xf32>
        %add3A_371 = arith.constant 9.99999997E-7 : f32
        %add3A_372 = vector.broadcast %add3A_371 : f32 to vector<16xf32>
        %add3A_373 = arith.addf %sub3A_370, %add3A_372 : vector<16xf32>
        %mul3A_374 = arith.mulf %add3A_373, %add3A_373 : vector<16xf32>
        %add3A_375 = arith.addf %add3A_362, %mul3A_374 : vector<16xf32>
        %mul3A_376 = arith.constant 16 : i32
        %mul3A_377 = arith.muli %scan3A_232, %mul3A_376 : i32
        %add3A_378 = arith.constant 11 : i32
        %add3A_379 = arith.addi %mul3A_377, %add3A_378 : i32
        %broadcast_in_dim3A_380 = vector.broadcast %add3A_379 : i32 to vector<16xi32>
        %gather3A_381 = tpu.vector_load_idx %arg8[%add3A_24, %broadcast_in_dim3A_380] : memref<80x128xf32, #tpu.memory_space<vmem>>[vector<16xi32>, vector<16xi32>], vector<16xf32>,
        %gather3A_382 = tpu.vector_load_idx %arg9[%add3A_24, %broadcast_in_dim3A_380] : memref<80x128xf32, #tpu.memory_space<vmem>>[vector<16xi32>, vector<16xi32>], vector<16xf32>,
        %sub3A_383 = arith.subf %gather3A_381, %gather3A_382 : vector<16xf32>
        %add3A_384 = arith.constant 9.99999997E-7 : f32
        %add3A_385 = vector.broadcast %add3A_384 : f32 to vector<16xf32>
        %add3A_386 = arith.addf %sub3A_383, %add3A_385 : vector<16xf32>
        %mul3A_387 = arith.mulf %add3A_386, %add3A_386 : vector<16xf32>
        %add3A_388 = arith.addf %add3A_375, %mul3A_387 : vector<16xf32>
        %mul3A_389 = arith.constant 16 : i32
        %mul3A_390 = arith.muli %scan3A_232, %mul3A_389 : i32
        %add3A_391 = arith.constant 12 : i32
        %add3A_392 = arith.addi %mul3A_390, %add3A_391 : i32
        %broadcast_in_dim3A_393 = vector.broadcast %add3A_392 : i32 to vector<16xi32>
        %gather3A_394 = tpu.vector_load_idx %arg8[%add3A_24, %broadcast_in_dim3A_393] : memref<80x128xf32, #tpu.memory_space<vmem>>[vector<16xi32>, vector<16xi32>], vector<16xf32>,
        %gather3A_395 = tpu.vector_load_idx %arg9[%add3A_24, %broadcast_in_dim3A_393] : memref<80x128xf32, #tpu.memory_space<vmem>>[vector<16xi32>, vector<16xi32>], vector<16xf32>,
        %sub3A_396 = arith.subf %gather3A_394, %gather3A_395 : vector<16xf32>
        %add3A_397 = arith.constant 9.99999997E-7 : f32
        %add3A_398 = vector.broadcast %add3A_397 : f32 to vector<16xf32>
        %add3A_399 = arith.addf %sub3A_396, %add3A_398 : vector<16xf32>
        %mul3A_400 = arith.mulf %add3A_399, %add3A_399 : vector<16xf32>
        %add3A_401 = arith.addf %add3A_388, %mul3A_400 : vector<16xf32>
        %mul3A_402 = arith.constant 16 : i32
        %mul3A_403 = arith.muli %scan3A_232, %mul3A_402 : i32
        %add3A_404 = arith.constant 13 : i32
        %add3A_405 = arith.addi %mul3A_403, %add3A_404 : i32
        %broadcast_in_dim3A_406 = vector.broadcast %add3A_405 : i32 to vector<16xi32>
        %gather3A_407 = tpu.vector_load_idx %arg8[%add3A_24, %broadcast_in_dim3A_406] : memref<80x128xf32, #tpu.memory_space<vmem>>[vector<16xi32>, vector<16xi32>], vector<16xf32>,
        %gather3A_408 = tpu.vector_load_idx %arg9[%add3A_24, %broadcast_in_dim3A_406] : memref<80x128xf32, #tpu.memory_space<vmem>>[vector<16xi32>, vector<16xi32>], vector<16xf32>,
        %sub3A_409 = arith.subf %gather3A_407, %gather3A_408 : vector<16xf32>
        %add3A_410 = arith.constant 9.99999997E-7 : f32
        %add3A_411 = vector.broadcast %add3A_410 : f32 to vector<16xf32>
        %add3A_412 = arith.addf %sub3A_409, %add3A_411 : vector<16xf32>
        %mul3A_413 = arith.mulf %add3A_412, %add3A_412 : vector<16xf32>
        %add3A_414 = arith.addf %add3A_401, %mul3A_413 : vector<16xf32>
        %mul3A_415 = arith.constant 16 : i32
        %mul3A_416 = arith.muli %scan3A_232, %mul3A_415 : i32
        %add3A_417 = arith.constant 14 : i32
        %add3A_418 = arith.addi %mul3A_416, %add3A_417 : i32
        %broadcast_in_dim3A_419 = vector.broadcast %add3A_418 : i32 to vector<16xi32>
        %gather3A_420 = tpu.vector_load_idx %arg8[%add3A_24, %broadcast_in_dim3A_419] : memref<80x128xf32, #tpu.memory_space<vmem>>[vector<16xi32>, vector<16xi32>], vector<16xf32>,
        %gather3A_421 = tpu.vector_load_idx %arg9[%add3A_24, %broadcast_in_dim3A_419] : memref<80x128xf32, #tpu.memory_space<vmem>>[vector<16xi32>, vector<16xi32>], vector<16xf32>,
        %sub3A_422 = arith.subf %gather3A_420, %gather3A_421 : vector<16xf32>
        %add3A_423 = arith.constant 9.99999997E-7 : f32
        %add3A_424 = vector.broadcast %add3A_423 : f32 to vector<16xf32>
        %add3A_425 = arith.addf %sub3A_422, %add3A_424 : vector<16xf32>
        %mul3A_426 = arith.mulf %add3A_425, %add3A_425 : vector<16xf32>
        %add3A_427 = arith.addf %add3A_414, %mul3A_426 : vector<16xf32>
        %mul3A_428 = arith.constant 16 : i32
        %mul3A_429 = arith.muli %scan3A_232, %mul3A_428 : i32
        %add3A_430 = arith.constant 15 : i32
        %add3A_431 = arith.addi %mul3A_429, %add3A_430 : i32
        %broadcast_in_dim3A_432 = vector.broadcast %add3A_431 : i32 to vector<16xi32>
        %gather3A_433 = tpu.vector_load_idx %arg8[%add3A_24, %broadcast_in_dim3A_432] : memref<80x128xf32, #tpu.memory_space<vmem>>[vector<16xi32>, vector<16xi32>], vector<16xf32>,
        %gather3A_434 = tpu.vector_load_idx %arg9[%add3A_24, %broadcast_in_dim3A_432] : memref<80x128xf32, #tpu.memory_space<vmem>>[vector<16xi32>, vector<16xi32>], vector<16xf32>,
        %sub3A_435 = arith.subf %gather3A_433, %gather3A_434 : vector<16xf32>
        %add3A_436 = arith.constant 9.99999997E-7 : f32
        %add3A_437 = vector.broadcast %add3A_436 : f32 to vector<16xf32>
        %add3A_438 = arith.addf %sub3A_435, %add3A_437 : vector<16xf32>
        %mul3A_439 = arith.mulf %add3A_438, %add3A_438 : vector<16xf32>
        %add3A_440 = arith.addf %add3A_427, %mul3A_439 : vector<16xf32>
        scf.yield %add3A_440 : vector<16xf32>
      }
      %scan3A_31 = arith.constant 8 : i32
      %bitcast3A = vector.bitcast %scan3A_30 : vector<16xf32> to vector<16xi32>
      %shift_right_arithmetic3A = arith.constant 1 : i32
      %shift_right_arithmetic3A_32 = vector.broadcast %shift_right_arithmetic3A : i32 to vector<16xi32>
      %shift_right_arithmetic3A_33 = arith.shrsi %bitcast3A, %shift_right_arithmetic3A_32 : vector<16xi32>
      %sub3A = arith.constant 1597463007 : i32
      %sub3A_34 = vector.broadcast %sub3A : i32 to vector<16xi32>
      %sub3A_35 = arith.subi %sub3A_34, %shift_right_arithmetic3A_33 : vector<16xi32>
      %bitcast3A_36 = vector.bitcast %sub3A_35 : vector<16xi32> to vector<16xf32>
      %mul3A_37 = arith.constant 5.000000e-01 : f32
      %mul3A_38 = vector.broadcast %mul3A_37 : f32 to vector<16xf32>
      %mul3A_39 = arith.mulf %mul3A_38, %scan3A_30 : vector<16xf32>
      %mul3A_40 = arith.mulf %mul3A_39, %bitcast3A_36 : vector<16xf32>
      %mul3A_41 = arith.mulf %mul3A_40, %bitcast3A_36 : vector<16xf32>
      %sub3A_42 = arith.constant 1.500000e+00 : f32
      %sub3A_43 = vector.broadcast %sub3A_42 : f32 to vector<16xf32>
      %sub3A_44 = arith.subf %sub3A_43, %mul3A_41 : vector<16xf32>
      %mul3A_45 = arith.mulf %bitcast3A_36, %sub3A_44 : vector<16xf32>
      %mul3A_46 = arith.mulf %mul3A_39, %mul3A_45 : vector<16xf32>
      %mul3A_47 = arith.mulf %mul3A_46, %mul3A_45 : vector<16xf32>
      %sub3A_48 = arith.constant 1.500000e+00 : f32
      %sub3A_49 = vector.broadcast %sub3A_48 : f32 to vector<16xf32>
      %sub3A_50 = arith.subf %sub3A_49, %mul3A_47 : vector<16xf32>
      %mul3A_51 = arith.mulf %mul3A_45, %sub3A_50 : vector<16xf32>
      %mul3A_52 = arith.mulf %mul3A_39, %mul3A_51 : vector<16xf32>
      %mul3A_53 = arith.mulf %mul3A_52, %mul3A_51 : vector<16xf32>
      %sub3A_54 = arith.constant 1.500000e+00 : f32
      %sub3A_55 = vector.broadcast %sub3A_54 : f32 to vector<16xf32>
      %sub3A_56 = arith.subf %sub3A_55, %mul3A_53 : vector<16xf32>
      %mul3A_57 = arith.mulf %mul3A_51, %sub3A_56 : vector<16xf32>
      %mul3A_58 = arith.mulf %scan3A_30, %mul3A_57 : vector<16xf32>
      %swap3A = arith.constant 0 : index
      %swap3A_59 = tpu.vector_load %arg10[%swap3A] {strides = array<i32>} : memref<80xf32, #tpu.memory_space<vmem>>, vector<16xf32>,
      tpu.vector_store %arg10[%swap3A], %mul3A_58 {strides = array<i32>} : memref<80xf32, #tpu.memory_space<vmem>>, vector<16xf32>,
      %add3A_60 = arith.constant 16 : i32
      %add3A_61 = vector.broadcast %add3A_60 : i32 to vector<16xi32>
      %add3A_62 = arith.addi %iota3A, %add3A_61 : vector<16xi32>
      %broadcast_in_dim3A_63 = arith.constant 0.000000e+00 : f32
      %broadcast_in_dim3A_64 = vector.broadcast %broadcast_in_dim3A_63 : f32 to vector<16xf32>
      %scan3A_65 = arith.constant 0 : i32
      %scan3A_66 = arith.constant 8 : i32
      %scan3A_67 = arith.addi %scan3A_65, %scan3A_66 : i32
      %scan3A_68 = arith.constant 1 : i32
      %scan3A_69 = scf.for %scan3A_232 = %scan3A_65 to %scan3A_67 step %scan3A_68 iter_args(%scan3A_233 = %broadcast_in_dim3A_64) -> (vector<16xf32>)  : i32 {
        %mul3A_234 = arith.constant 16 : i32
        %mul3A_235 = arith.muli %scan3A_232, %mul3A_234 : i32
        %add3A_236 = arith.constant 0 : i32
        %add3A_237 = arith.addi %mul3A_235, %add3A_236 : i32
        %broadcast_in_dim3A_238 = vector.broadcast %add3A_237 : i32 to vector<16xi32>
        %gather3A = tpu.vector_load_idx %arg8[%add3A_62, %broadcast_in_dim3A_238] : memref<80x128xf32, #tpu.memory_space<vmem>>[vector<16xi32>, vector<16xi32>], vector<16xf32>,
        %gather3A_239 = tpu.vector_load_idx %arg9[%add3A_62, %broadcast_in_dim3A_238] : memref<80x128xf32, #tpu.memory_space<vmem>>[vector<16xi32>, vector<16xi32>], vector<16xf32>,
        %sub3A_240 = arith.subf %gather3A, %gather3A_239 : vector<16xf32>
        %add3A_241 = arith.constant 9.99999997E-7 : f32
        %add3A_242 = vector.broadcast %add3A_241 : f32 to vector<16xf32>
        %add3A_243 = arith.addf %sub3A_240, %add3A_242 : vector<16xf32>
        %mul3A_244 = arith.mulf %add3A_243, %add3A_243 : vector<16xf32>
        %add3A_245 = arith.addf %scan3A_233, %mul3A_244 : vector<16xf32>
        %mul3A_246 = arith.constant 16 : i32
        %mul3A_247 = arith.muli %scan3A_232, %mul3A_246 : i32
        %add3A_248 = arith.constant 1 : i32
        %add3A_249 = arith.addi %mul3A_247, %add3A_248 : i32
        %broadcast_in_dim3A_250 = vector.broadcast %add3A_249 : i32 to vector<16xi32>
        %gather3A_251 = tpu.vector_load_idx %arg8[%add3A_62, %broadcast_in_dim3A_250] : memref<80x128xf32, #tpu.memory_space<vmem>>[vector<16xi32>, vector<16xi32>], vector<16xf32>,
        %gather3A_252 = tpu.vector_load_idx %arg9[%add3A_62, %broadcast_in_dim3A_250] : memref<80x128xf32, #tpu.memory_space<vmem>>[vector<16xi32>, vector<16xi32>], vector<16xf32>,
        %sub3A_253 = arith.subf %gather3A_251, %gather3A_252 : vector<16xf32>
        %add3A_254 = arith.constant 9.99999997E-7 : f32
        %add3A_255 = vector.broadcast %add3A_254 : f32 to vector<16xf32>
        %add3A_256 = arith.addf %sub3A_253, %add3A_255 : vector<16xf32>
        %mul3A_257 = arith.mulf %add3A_256, %add3A_256 : vector<16xf32>
        %add3A_258 = arith.addf %add3A_245, %mul3A_257 : vector<16xf32>
        %mul3A_259 = arith.constant 16 : i32
        %mul3A_260 = arith.muli %scan3A_232, %mul3A_259 : i32
        %add3A_261 = arith.constant 2 : i32
        %add3A_262 = arith.addi %mul3A_260, %add3A_261 : i32
        %broadcast_in_dim3A_263 = vector.broadcast %add3A_262 : i32 to vector<16xi32>
        %gather3A_264 = tpu.vector_load_idx %arg8[%add3A_62, %broadcast_in_dim3A_263] : memref<80x128xf32, #tpu.memory_space<vmem>>[vector<16xi32>, vector<16xi32>], vector<16xf32>,
        %gather3A_265 = tpu.vector_load_idx %arg9[%add3A_62, %broadcast_in_dim3A_263] : memref<80x128xf32, #tpu.memory_space<vmem>>[vector<16xi32>, vector<16xi32>], vector<16xf32>,
        %sub3A_266 = arith.subf %gather3A_264, %gather3A_265 : vector<16xf32>
        %add3A_267 = arith.constant 9.99999997E-7 : f32
        %add3A_268 = vector.broadcast %add3A_267 : f32 to vector<16xf32>
        %add3A_269 = arith.addf %sub3A_266, %add3A_268 : vector<16xf32>
        %mul3A_270 = arith.mulf %add3A_269, %add3A_269 : vector<16xf32>
        %add3A_271 = arith.addf %add3A_258, %mul3A_270 : vector<16xf32>
        %mul3A_272 = arith.constant 16 : i32
        %mul3A_273 = arith.muli %scan3A_232, %mul3A_272 : i32
        %add3A_274 = arith.constant 3 : i32
        %add3A_275 = arith.addi %mul3A_273, %add3A_274 : i32
        %broadcast_in_dim3A_276 = vector.broadcast %add3A_275 : i32 to vector<16xi32>
        %gather3A_277 = tpu.vector_load_idx %arg8[%add3A_62, %broadcast_in_dim3A_276] : memref<80x128xf32, #tpu.memory_space<vmem>>[vector<16xi32>, vector<16xi32>], vector<16xf32>,
        %gather3A_278 = tpu.vector_load_idx %arg9[%add3A_62, %broadcast_in_dim3A_276] : memref<80x128xf32, #tpu.memory_space<vmem>>[vector<16xi32>, vector<16xi32>], vector<16xf32>,
        %sub3A_279 = arith.subf %gather3A_277, %gather3A_278 : vector<16xf32>
        %add3A_280 = arith.constant 9.99999997E-7 : f32
        %add3A_281 = vector.broadcast %add3A_280 : f32 to vector<16xf32>
        %add3A_282 = arith.addf %sub3A_279, %add3A_281 : vector<16xf32>
        %mul3A_283 = arith.mulf %add3A_282, %add3A_282 : vector<16xf32>
        %add3A_284 = arith.addf %add3A_271, %mul3A_283 : vector<16xf32>
        %mul3A_285 = arith.constant 16 : i32
        %mul3A_286 = arith.muli %scan3A_232, %mul3A_285 : i32
        %add3A_287 = arith.constant 4 : i32
        %add3A_288 = arith.addi %mul3A_286, %add3A_287 : i32
        %broadcast_in_dim3A_289 = vector.broadcast %add3A_288 : i32 to vector<16xi32>
        %gather3A_290 = tpu.vector_load_idx %arg8[%add3A_62, %broadcast_in_dim3A_289] : memref<80x128xf32, #tpu.memory_space<vmem>>[vector<16xi32>, vector<16xi32>], vector<16xf32>,
        %gather3A_291 = tpu.vector_load_idx %arg9[%add3A_62, %broadcast_in_dim3A_289] : memref<80x128xf32, #tpu.memory_space<vmem>>[vector<16xi32>, vector<16xi32>], vector<16xf32>,
        %sub3A_292 = arith.subf %gather3A_290, %gather3A_291 : vector<16xf32>
        %add3A_293 = arith.constant 9.99999997E-7 : f32
        %add3A_294 = vector.broadcast %add3A_293 : f32 to vector<16xf32>
        %add3A_295 = arith.addf %sub3A_292, %add3A_294 : vector<16xf32>
        %mul3A_296 = arith.mulf %add3A_295, %add3A_295 : vector<16xf32>
        %add3A_297 = arith.addf %add3A_284, %mul3A_296 : vector<16xf32>
        %mul3A_298 = arith.constant 16 : i32
        %mul3A_299 = arith.muli %scan3A_232, %mul3A_298 : i32
        %add3A_300 = arith.constant 5 : i32
        %add3A_301 = arith.addi %mul3A_299, %add3A_300 : i32
        %broadcast_in_dim3A_302 = vector.broadcast %add3A_301 : i32 to vector<16xi32>
        %gather3A_303 = tpu.vector_load_idx %arg8[%add3A_62, %broadcast_in_dim3A_302] : memref<80x128xf32, #tpu.memory_space<vmem>>[vector<16xi32>, vector<16xi32>], vector<16xf32>,
        %gather3A_304 = tpu.vector_load_idx %arg9[%add3A_62, %broadcast_in_dim3A_302] : memref<80x128xf32, #tpu.memory_space<vmem>>[vector<16xi32>, vector<16xi32>], vector<16xf32>,
        %sub3A_305 = arith.subf %gather3A_303, %gather3A_304 : vector<16xf32>
        %add3A_306 = arith.constant 9.99999997E-7 : f32
        %add3A_307 = vector.broadcast %add3A_306 : f32 to vector<16xf32>
        %add3A_308 = arith.addf %sub3A_305, %add3A_307 : vector<16xf32>
        %mul3A_309 = arith.mulf %add3A_308, %add3A_308 : vector<16xf32>
        %add3A_310 = arith.addf %add3A_297, %mul3A_309 : vector<16xf32>
        %mul3A_311 = arith.constant 16 : i32
        %mul3A_312 = arith.muli %scan3A_232, %mul3A_311 : i32
        %add3A_313 = arith.constant 6 : i32
        %add3A_314 = arith.addi %mul3A_312, %add3A_313 : i32
        %broadcast_in_dim3A_315 = vector.broadcast %add3A_314 : i32 to vector<16xi32>
        %gather3A_316 = tpu.vector_load_idx %arg8[%add3A_62, %broadcast_in_dim3A_315] : memref<80x128xf32, #tpu.memory_space<vmem>>[vector<16xi32>, vector<16xi32>], vector<16xf32>,
        %gather3A_317 = tpu.vector_load_idx %arg9[%add3A_62, %broadcast_in_dim3A_315] : memref<80x128xf32, #tpu.memory_space<vmem>>[vector<16xi32>, vector<16xi32>], vector<16xf32>,
        %sub3A_318 = arith.subf %gather3A_316, %gather3A_317 : vector<16xf32>
        %add3A_319 = arith.constant 9.99999997E-7 : f32
        %add3A_320 = vector.broadcast %add3A_319 : f32 to vector<16xf32>
        %add3A_321 = arith.addf %sub3A_318, %add3A_320 : vector<16xf32>
        %mul3A_322 = arith.mulf %add3A_321, %add3A_321 : vector<16xf32>
        %add3A_323 = arith.addf %add3A_310, %mul3A_322 : vector<16xf32>
        %mul3A_324 = arith.constant 16 : i32
        %mul3A_325 = arith.muli %scan3A_232, %mul3A_324 : i32
        %add3A_326 = arith.constant 7 : i32
        %add3A_327 = arith.addi %mul3A_325, %add3A_326 : i32
        %broadcast_in_dim3A_328 = vector.broadcast %add3A_327 : i32 to vector<16xi32>
        %gather3A_329 = tpu.vector_load_idx %arg8[%add3A_62, %broadcast_in_dim3A_328] : memref<80x128xf32, #tpu.memory_space<vmem>>[vector<16xi32>, vector<16xi32>], vector<16xf32>,
        %gather3A_330 = tpu.vector_load_idx %arg9[%add3A_62, %broadcast_in_dim3A_328] : memref<80x128xf32, #tpu.memory_space<vmem>>[vector<16xi32>, vector<16xi32>], vector<16xf32>,
        %sub3A_331 = arith.subf %gather3A_329, %gather3A_330 : vector<16xf32>
        %add3A_332 = arith.constant 9.99999997E-7 : f32
        %add3A_333 = vector.broadcast %add3A_332 : f32 to vector<16xf32>
        %add3A_334 = arith.addf %sub3A_331, %add3A_333 : vector<16xf32>
        %mul3A_335 = arith.mulf %add3A_334, %add3A_334 : vector<16xf32>
        %add3A_336 = arith.addf %add3A_323, %mul3A_335 : vector<16xf32>
        %mul3A_337 = arith.constant 16 : i32
        %mul3A_338 = arith.muli %scan3A_232, %mul3A_337 : i32
        %add3A_339 = arith.constant 8 : i32
        %add3A_340 = arith.addi %mul3A_338, %add3A_339 : i32
        %broadcast_in_dim3A_341 = vector.broadcast %add3A_340 : i32 to vector<16xi32>
        %gather3A_342 = tpu.vector_load_idx %arg8[%add3A_62, %broadcast_in_dim3A_341] : memref<80x128xf32, #tpu.memory_space<vmem>>[vector<16xi32>, vector<16xi32>], vector<16xf32>,
        %gather3A_343 = tpu.vector_load_idx %arg9[%add3A_62, %broadcast_in_dim3A_341] : memref<80x128xf32, #tpu.memory_space<vmem>>[vector<16xi32>, vector<16xi32>], vector<16xf32>,
        %sub3A_344 = arith.subf %gather3A_342, %gather3A_343 : vector<16xf32>
        %add3A_345 = arith.constant 9.99999997E-7 : f32
        %add3A_346 = vector.broadcast %add3A_345 : f32 to vector<16xf32>
        %add3A_347 = arith.addf %sub3A_344, %add3A_346 : vector<16xf32>
        %mul3A_348 = arith.mulf %add3A_347, %add3A_347 : vector<16xf32>
        %add3A_349 = arith.addf %add3A_336, %mul3A_348 : vector<16xf32>
        %mul3A_350 = arith.constant 16 : i32
        %mul3A_351 = arith.muli %scan3A_232, %mul3A_350 : i32
        %add3A_352 = arith.constant 9 : i32
        %add3A_353 = arith.addi %mul3A_351, %add3A_352 : i32
        %broadcast_in_dim3A_354 = vector.broadcast %add3A_353 : i32 to vector<16xi32>
        %gather3A_355 = tpu.vector_load_idx %arg8[%add3A_62, %broadcast_in_dim3A_354] : memref<80x128xf32, #tpu.memory_space<vmem>>[vector<16xi32>, vector<16xi32>], vector<16xf32>,
        %gather3A_356 = tpu.vector_load_idx %arg9[%add3A_62, %broadcast_in_dim3A_354] : memref<80x128xf32, #tpu.memory_space<vmem>>[vector<16xi32>, vector<16xi32>], vector<16xf32>,
        %sub3A_357 = arith.subf %gather3A_355, %gather3A_356 : vector<16xf32>
        %add3A_358 = arith.constant 9.99999997E-7 : f32
        %add3A_359 = vector.broadcast %add3A_358 : f32 to vector<16xf32>
        %add3A_360 = arith.addf %sub3A_357, %add3A_359 : vector<16xf32>
        %mul3A_361 = arith.mulf %add3A_360, %add3A_360 : vector<16xf32>
        %add3A_362 = arith.addf %add3A_349, %mul3A_361 : vector<16xf32>
        %mul3A_363 = arith.constant 16 : i32
        %mul3A_364 = arith.muli %scan3A_232, %mul3A_363 : i32
        %add3A_365 = arith.constant 10 : i32
        %add3A_366 = arith.addi %mul3A_364, %add3A_365 : i32
        %broadcast_in_dim3A_367 = vector.broadcast %add3A_366 : i32 to vector<16xi32>
        %gather3A_368 = tpu.vector_load_idx %arg8[%add3A_62, %broadcast_in_dim3A_367] : memref<80x128xf32, #tpu.memory_space<vmem>>[vector<16xi32>, vector<16xi32>], vector<16xf32>,
        %gather3A_369 = tpu.vector_load_idx %arg9[%add3A_62, %broadcast_in_dim3A_367] : memref<80x128xf32, #tpu.memory_space<vmem>>[vector<16xi32>, vector<16xi32>], vector<16xf32>,
        %sub3A_370 = arith.subf %gather3A_368, %gather3A_369 : vector<16xf32>
        %add3A_371 = arith.constant 9.99999997E-7 : f32
        %add3A_372 = vector.broadcast %add3A_371 : f32 to vector<16xf32>
        %add3A_373 = arith.addf %sub3A_370, %add3A_372 : vector<16xf32>
        %mul3A_374 = arith.mulf %add3A_373, %add3A_373 : vector<16xf32>
        %add3A_375 = arith.addf %add3A_362, %mul3A_374 : vector<16xf32>
        %mul3A_376 = arith.constant 16 : i32
        %mul3A_377 = arith.muli %scan3A_232, %mul3A_376 : i32
        %add3A_378 = arith.constant 11 : i32
        %add3A_379 = arith.addi %mul3A_377, %add3A_378 : i32
        %broadcast_in_dim3A_380 = vector.broadcast %add3A_379 : i32 to vector<16xi32>
        %gather3A_381 = tpu.vector_load_idx %arg8[%add3A_62, %broadcast_in_dim3A_380] : memref<80x128xf32, #tpu.memory_space<vmem>>[vector<16xi32>, vector<16xi32>], vector<16xf32>,
        %gather3A_382 = tpu.vector_load_idx %arg9[%add3A_62, %broadcast_in_dim3A_380] : memref<80x128xf32, #tpu.memory_space<vmem>>[vector<16xi32>, vector<16xi32>], vector<16xf32>,
        %sub3A_383 = arith.subf %gather3A_381, %gather3A_382 : vector<16xf32>
        %add3A_384 = arith.constant 9.99999997E-7 : f32
        %add3A_385 = vector.broadcast %add3A_384 : f32 to vector<16xf32>
        %add3A_386 = arith.addf %sub3A_383, %add3A_385 : vector<16xf32>
        %mul3A_387 = arith.mulf %add3A_386, %add3A_386 : vector<16xf32>
        %add3A_388 = arith.addf %add3A_375, %mul3A_387 : vector<16xf32>
        %mul3A_389 = arith.constant 16 : i32
        %mul3A_390 = arith.muli %scan3A_232, %mul3A_389 : i32
        %add3A_391 = arith.constant 12 : i32
        %add3A_392 = arith.addi %mul3A_390, %add3A_391 : i32
        %broadcast_in_dim3A_393 = vector.broadcast %add3A_392 : i32 to vector<16xi32>
        %gather3A_394 = tpu.vector_load_idx %arg8[%add3A_62, %broadcast_in_dim3A_393] : memref<80x128xf32, #tpu.memory_space<vmem>>[vector<16xi32>, vector<16xi32>], vector<16xf32>,
        %gather3A_395 = tpu.vector_load_idx %arg9[%add3A_62, %broadcast_in_dim3A_393] : memref<80x128xf32, #tpu.memory_space<vmem>>[vector<16xi32>, vector<16xi32>], vector<16xf32>,
        %sub3A_396 = arith.subf %gather3A_394, %gather3A_395 : vector<16xf32>
        %add3A_397 = arith.constant 9.99999997E-7 : f32
        %add3A_398 = vector.broadcast %add3A_397 : f32 to vector<16xf32>
        %add3A_399 = arith.addf %sub3A_396, %add3A_398 : vector<16xf32>
        %mul3A_400 = arith.mulf %add3A_399, %add3A_399 : vector<16xf32>
        %add3A_401 = arith.addf %add3A_388, %mul3A_400 : vector<16xf32>
        %mul3A_402 = arith.constant 16 : i32
        %mul3A_403 = arith.muli %scan3A_232, %mul3A_402 : i32
        %add3A_404 = arith.constant 13 : i32
        %add3A_405 = arith.addi %mul3A_403, %add3A_404 : i32
        %broadcast_in_dim3A_406 = vector.broadcast %add3A_405 : i32 to vector<16xi32>
        %gather3A_407 = tpu.vector_load_idx %arg8[%add3A_62, %broadcast_in_dim3A_406] : memref<80x128xf32, #tpu.memory_space<vmem>>[vector<16xi32>, vector<16xi32>], vector<16xf32>,
        %gather3A_408 = tpu.vector_load_idx %arg9[%add3A_62, %broadcast_in_dim3A_406] : memref<80x128xf32, #tpu.memory_space<vmem>>[vector<16xi32>, vector<16xi32>], vector<16xf32>,
        %sub3A_409 = arith.subf %gather3A_407, %gather3A_408 : vector<16xf32>
        %add3A_410 = arith.constant 9.99999997E-7 : f32
        %add3A_411 = vector.broadcast %add3A_410 : f32 to vector<16xf32>
        %add3A_412 = arith.addf %sub3A_409, %add3A_411 : vector<16xf32>
        %mul3A_413 = arith.mulf %add3A_412, %add3A_412 : vector<16xf32>
        %add3A_414 = arith.addf %add3A_401, %mul3A_413 : vector<16xf32>
        %mul3A_415 = arith.constant 16 : i32
        %mul3A_416 = arith.muli %scan3A_232, %mul3A_415 : i32
        %add3A_417 = arith.constant 14 : i32
        %add3A_418 = arith.addi %mul3A_416, %add3A_417 : i32
        %broadcast_in_dim3A_419 = vector.broadcast %add3A_418 : i32 to vector<16xi32>
        %gather3A_420 = tpu.vector_load_idx %arg8[%add3A_62, %broadcast_in_dim3A_419] : memref<80x128xf32, #tpu.memory_space<vmem>>[vector<16xi32>, vector<16xi32>], vector<16xf32>,
        %gather3A_421 = tpu.vector_load_idx %arg9[%add3A_62, %broadcast_in_dim3A_419] : memref<80x128xf32, #tpu.memory_space<vmem>>[vector<16xi32>, vector<16xi32>], vector<16xf32>,
        %sub3A_422 = arith.subf %gather3A_420, %gather3A_421 : vector<16xf32>
        %add3A_423 = arith.constant 9.99999997E-7 : f32
        %add3A_424 = vector.broadcast %add3A_423 : f32 to vector<16xf32>
        %add3A_425 = arith.addf %sub3A_422, %add3A_424 : vector<16xf32>
        %mul3A_426 = arith.mulf %add3A_425, %add3A_425 : vector<16xf32>
        %add3A_427 = arith.addf %add3A_414, %mul3A_426 : vector<16xf32>
        %mul3A_428 = arith.constant 16 : i32
        %mul3A_429 = arith.muli %scan3A_232, %mul3A_428 : i32
        %add3A_430 = arith.constant 15 : i32
        %add3A_431 = arith.addi %mul3A_429, %add3A_430 : i32
        %broadcast_in_dim3A_432 = vector.broadcast %add3A_431 : i32 to vector<16xi32>
        %gather3A_433 = tpu.vector_load_idx %arg8[%add3A_62, %broadcast_in_dim3A_432] : memref<80x128xf32, #tpu.memory_space<vmem>>[vector<16xi32>, vector<16xi32>], vector<16xf32>,
        %gather3A_434 = tpu.vector_load_idx %arg9[%add3A_62, %broadcast_in_dim3A_432] : memref<80x128xf32, #tpu.memory_space<vmem>>[vector<16xi32>, vector<16xi32>], vector<16xf32>,
        %sub3A_435 = arith.subf %gather3A_433, %gather3A_434 : vector<16xf32>
        %add3A_436 = arith.constant 9.99999997E-7 : f32
        %add3A_437 = vector.broadcast %add3A_436 : f32 to vector<16xf32>
        %add3A_438 = arith.addf %sub3A_435, %add3A_437 : vector<16xf32>
        %mul3A_439 = arith.mulf %add3A_438, %add3A_438 : vector<16xf32>
        %add3A_440 = arith.addf %add3A_427, %mul3A_439 : vector<16xf32>
        scf.yield %add3A_440 : vector<16xf32>
      }
      %scan3A_70 = arith.constant 8 : i32
      %bitcast3A_71 = vector.bitcast %scan3A_69 : vector<16xf32> to vector<16xi32>
      %shift_right_arithmetic3A_72 = arith.constant 1 : i32
      %shift_right_arithmetic3A_73 = vector.broadcast %shift_right_arithmetic3A_72 : i32 to vector<16xi32>
      %shift_right_arithmetic3A_74 = arith.shrsi %bitcast3A_71, %shift_right_arithmetic3A_73 : vector<16xi32>
      %sub3A_75 = arith.constant 1597463007 : i32
      %sub3A_76 = vector.broadcast %sub3A_75 : i32 to vector<16xi32>
      %sub3A_77 = arith.subi %sub3A_76, %shift_right_arithmetic3A_74 : vector<16xi32>
      %bitcast3A_78 = vector.bitcast %sub3A_77 : vector<16xi32> to vector<16xf32>
      %mul3A_79 = arith.constant 5.000000e-01 : f32
      %mul3A_80 = vector.broadcast %mul3A_79 : f32 to vector<16xf32>
      %mul3A_81 = arith.mulf %mul3A_80, %scan3A_69 : vector<16xf32>
      %mul3A_82 = arith.mulf %mul3A_81, %bitcast3A_78 : vector<16xf32>
      %mul3A_83 = arith.mulf %mul3A_82, %bitcast3A_78 : vector<16xf32>
      %sub3A_84 = arith.constant 1.500000e+00 : f32
      %sub3A_85 = vector.broadcast %sub3A_84 : f32 to vector<16xf32>
      %sub3A_86 = arith.subf %sub3A_85, %mul3A_83 : vector<16xf32>
      %mul3A_87 = arith.mulf %bitcast3A_78, %sub3A_86 : vector<16xf32>
      %mul3A_88 = arith.mulf %mul3A_81, %mul3A_87 : vector<16xf32>
      %mul3A_89 = arith.mulf %mul3A_88, %mul3A_87 : vector<16xf32>
      %sub3A_90 = arith.constant 1.500000e+00 : f32
      %sub3A_91 = vector.broadcast %sub3A_90 : f32 to vector<16xf32>
      %sub3A_92 = arith.subf %sub3A_91, %mul3A_89 : vector<16xf32>
      %mul3A_93 = arith.mulf %mul3A_87, %sub3A_92 : vector<16xf32>
      %mul3A_94 = arith.mulf %mul3A_81, %mul3A_93 : vector<16xf32>
      %mul3A_95 = arith.mulf %mul3A_94, %mul3A_93 : vector<16xf32>
      %sub3A_96 = arith.constant 1.500000e+00 : f32
      %sub3A_97 = vector.broadcast %sub3A_96 : f32 to vector<16xf32>
      %sub3A_98 = arith.subf %sub3A_97, %mul3A_95 : vector<16xf32>
      %mul3A_99 = arith.mulf %mul3A_93, %sub3A_98 : vector<16xf32>
      %mul3A_100 = arith.mulf %scan3A_69, %mul3A_99 : vector<16xf32>
      %swap3A_101 = arith.constant 16 : index
      %swap3A_102 = tpu.vector_load %arg10[%swap3A_101] {strides = array<i32>} : memref<80xf32, #tpu.memory_space<vmem>>, vector<16xf32>,
      tpu.vector_store %arg10[%swap3A_101], %mul3A_100 {strides = array<i32>} : memref<80xf32, #tpu.memory_space<vmem>>, vector<16xf32>,
      %add3A_103 = arith.constant 32 : i32
      %add3A_104 = vector.broadcast %add3A_103 : i32 to vector<16xi32>
      %add3A_105 = arith.addi %iota3A, %add3A_104 : vector<16xi32>
      %broadcast_in_dim3A_106 = arith.constant 0.000000e+00 : f32
      %broadcast_in_dim3A_107 = vector.broadcast %broadcast_in_dim3A_106 : f32 to vector<16xf32>
      %scan3A_108 = arith.constant 0 : i32
      %scan3A_109 = arith.constant 8 : i32
      %scan3A_110 = arith.addi %scan3A_108, %scan3A_109 : i32
      %scan3A_111 = arith.constant 1 : i32
      %scan3A_112 = scf.for %scan3A_232 = %scan3A_108 to %scan3A_110 step %scan3A_111 iter_args(%scan3A_233 = %broadcast_in_dim3A_107) -> (vector<16xf32>)  : i32 {
        %mul3A_234 = arith.constant 16 : i32
        %mul3A_235 = arith.muli %scan3A_232, %mul3A_234 : i32
        %add3A_236 = arith.constant 0 : i32
        %add3A_237 = arith.addi %mul3A_235, %add3A_236 : i32
        %broadcast_in_dim3A_238 = vector.broadcast %add3A_237 : i32 to vector<16xi32>
        %gather3A = tpu.vector_load_idx %arg8[%add3A_105, %broadcast_in_dim3A_238] : memref<80x128xf32, #tpu.memory_space<vmem>>[vector<16xi32>, vector<16xi32>], vector<16xf32>,
        %gather3A_239 = tpu.vector_load_idx %arg9[%add3A_105, %broadcast_in_dim3A_238] : memref<80x128xf32, #tpu.memory_space<vmem>>[vector<16xi32>, vector<16xi32>], vector<16xf32>,
        %sub3A_240 = arith.subf %gather3A, %gather3A_239 : vector<16xf32>
        %add3A_241 = arith.constant 9.99999997E-7 : f32
        %add3A_242 = vector.broadcast %add3A_241 : f32 to vector<16xf32>
        %add3A_243 = arith.addf %sub3A_240, %add3A_242 : vector<16xf32>
        %mul3A_244 = arith.mulf %add3A_243, %add3A_243 : vector<16xf32>
        %add3A_245 = arith.addf %scan3A_233, %mul3A_244 : vector<16xf32>
        %mul3A_246 = arith.constant 16 : i32
        %mul3A_247 = arith.muli %scan3A_232, %mul3A_246 : i32
        %add3A_248 = arith.constant 1 : i32
        %add3A_249 = arith.addi %mul3A_247, %add3A_248 : i32
        %broadcast_in_dim3A_250 = vector.broadcast %add3A_249 : i32 to vector<16xi32>
        %gather3A_251 = tpu.vector_load_idx %arg8[%add3A_105, %broadcast_in_dim3A_250] : memref<80x128xf32, #tpu.memory_space<vmem>>[vector<16xi32>, vector<16xi32>], vector<16xf32>,
        %gather3A_252 = tpu.vector_load_idx %arg9[%add3A_105, %broadcast_in_dim3A_250] : memref<80x128xf32, #tpu.memory_space<vmem>>[vector<16xi32>, vector<16xi32>], vector<16xf32>,
        %sub3A_253 = arith.subf %gather3A_251, %gather3A_252 : vector<16xf32>
        %add3A_254 = arith.constant 9.99999997E-7 : f32
        %add3A_255 = vector.broadcast %add3A_254 : f32 to vector<16xf32>
        %add3A_256 = arith.addf %sub3A_253, %add3A_255 : vector<16xf32>
        %mul3A_257 = arith.mulf %add3A_256, %add3A_256 : vector<16xf32>
        %add3A_258 = arith.addf %add3A_245, %mul3A_257 : vector<16xf32>
        %mul3A_259 = arith.constant 16 : i32
        %mul3A_260 = arith.muli %scan3A_232, %mul3A_259 : i32
        %add3A_261 = arith.constant 2 : i32
        %add3A_262 = arith.addi %mul3A_260, %add3A_261 : i32
        %broadcast_in_dim3A_263 = vector.broadcast %add3A_262 : i32 to vector<16xi32>
        %gather3A_264 = tpu.vector_load_idx %arg8[%add3A_105, %broadcast_in_dim3A_263] : memref<80x128xf32, #tpu.memory_space<vmem>>[vector<16xi32>, vector<16xi32>], vector<16xf32>,
        %gather3A_265 = tpu.vector_load_idx %arg9[%add3A_105, %broadcast_in_dim3A_263] : memref<80x128xf32, #tpu.memory_space<vmem>>[vector<16xi32>, vector<16xi32>], vector<16xf32>,
        %sub3A_266 = arith.subf %gather3A_264, %gather3A_265 : vector<16xf32>
        %add3A_267 = arith.constant 9.99999997E-7 : f32
        %add3A_268 = vector.broadcast %add3A_267 : f32 to vector<16xf32>
        %add3A_269 = arith.addf %sub3A_266, %add3A_268 : vector<16xf32>
        %mul3A_270 = arith.mulf %add3A_269, %add3A_269 : vector<16xf32>
        %add3A_271 = arith.addf %add3A_258, %mul3A_270 : vector<16xf32>
        %mul3A_272 = arith.constant 16 : i32
        %mul3A_273 = arith.muli %scan3A_232, %mul3A_272 : i32
        %add3A_274 = arith.constant 3 : i32
        %add3A_275 = arith.addi %mul3A_273, %add3A_274 : i32
        %broadcast_in_dim3A_276 = vector.broadcast %add3A_275 : i32 to vector<16xi32>
        %gather3A_277 = tpu.vector_load_idx %arg8[%add3A_105, %broadcast_in_dim3A_276] : memref<80x128xf32, #tpu.memory_space<vmem>>[vector<16xi32>, vector<16xi32>], vector<16xf32>,
        %gather3A_278 = tpu.vector_load_idx %arg9[%add3A_105, %broadcast_in_dim3A_276] : memref<80x128xf32, #tpu.memory_space<vmem>>[vector<16xi32>, vector<16xi32>], vector<16xf32>,
        %sub3A_279 = arith.subf %gather3A_277, %gather3A_278 : vector<16xf32>
        %add3A_280 = arith.constant 9.99999997E-7 : f32
        %add3A_281 = vector.broadcast %add3A_280 : f32 to vector<16xf32>
        %add3A_282 = arith.addf %sub3A_279, %add3A_281 : vector<16xf32>
        %mul3A_283 = arith.mulf %add3A_282, %add3A_282 : vector<16xf32>
        %add3A_284 = arith.addf %add3A_271, %mul3A_283 : vector<16xf32>
        %mul3A_285 = arith.constant 16 : i32
        %mul3A_286 = arith.muli %scan3A_232, %mul3A_285 : i32
        %add3A_287 = arith.constant 4 : i32
        %add3A_288 = arith.addi %mul3A_286, %add3A_287 : i32
        %broadcast_in_dim3A_289 = vector.broadcast %add3A_288 : i32 to vector<16xi32>
        %gather3A_290 = tpu.vector_load_idx %arg8[%add3A_105, %broadcast_in_dim3A_289] : memref<80x128xf32, #tpu.memory_space<vmem>>[vector<16xi32>, vector<16xi32>], vector<16xf32>,
        %gather3A_291 = tpu.vector_load_idx %arg9[%add3A_105, %broadcast_in_dim3A_289] : memref<80x128xf32, #tpu.memory_space<vmem>>[vector<16xi32>, vector<16xi32>], vector<16xf32>,
        %sub3A_292 = arith.subf %gather3A_290, %gather3A_291 : vector<16xf32>
        %add3A_293 = arith.constant 9.99999997E-7 : f32
        %add3A_294 = vector.broadcast %add3A_293 : f32 to vector<16xf32>
        %add3A_295 = arith.addf %sub3A_292, %add3A_294 : vector<16xf32>
        %mul3A_296 = arith.mulf %add3A_295, %add3A_295 : vector<16xf32>
        %add3A_297 = arith.addf %add3A_284, %mul3A_296 : vector<16xf32>
        %mul3A_298 = arith.constant 16 : i32
        %mul3A_299 = arith.muli %scan3A_232, %mul3A_298 : i32
        %add3A_300 = arith.constant 5 : i32
        %add3A_301 = arith.addi %mul3A_299, %add3A_300 : i32
        %broadcast_in_dim3A_302 = vector.broadcast %add3A_301 : i32 to vector<16xi32>
        %gather3A_303 = tpu.vector_load_idx %arg8[%add3A_105, %broadcast_in_dim3A_302] : memref<80x128xf32, #tpu.memory_space<vmem>>[vector<16xi32>, vector<16xi32>], vector<16xf32>,
        %gather3A_304 = tpu.vector_load_idx %arg9[%add3A_105, %broadcast_in_dim3A_302] : memref<80x128xf32, #tpu.memory_space<vmem>>[vector<16xi32>, vector<16xi32>], vector<16xf32>,
        %sub3A_305 = arith.subf %gather3A_303, %gather3A_304 : vector<16xf32>
        %add3A_306 = arith.constant 9.99999997E-7 : f32
        %add3A_307 = vector.broadcast %add3A_306 : f32 to vector<16xf32>
        %add3A_308 = arith.addf %sub3A_305, %add3A_307 : vector<16xf32>
        %mul3A_309 = arith.mulf %add3A_308, %add3A_308 : vector<16xf32>
        %add3A_310 = arith.addf %add3A_297, %mul3A_309 : vector<16xf32>
        %mul3A_311 = arith.constant 16 : i32
        %mul3A_312 = arith.muli %scan3A_232, %mul3A_311 : i32
        %add3A_313 = arith.constant 6 : i32
        %add3A_314 = arith.addi %mul3A_312, %add3A_313 : i32
        %broadcast_in_dim3A_315 = vector.broadcast %add3A_314 : i32 to vector<16xi32>
        %gather3A_316 = tpu.vector_load_idx %arg8[%add3A_105, %broadcast_in_dim3A_315] : memref<80x128xf32, #tpu.memory_space<vmem>>[vector<16xi32>, vector<16xi32>], vector<16xf32>,
        %gather3A_317 = tpu.vector_load_idx %arg9[%add3A_105, %broadcast_in_dim3A_315] : memref<80x128xf32, #tpu.memory_space<vmem>>[vector<16xi32>, vector<16xi32>], vector<16xf32>,
        %sub3A_318 = arith.subf %gather3A_316, %gather3A_317 : vector<16xf32>
        %add3A_319 = arith.constant 9.99999997E-7 : f32
        %add3A_320 = vector.broadcast %add3A_319 : f32 to vector<16xf32>
        %add3A_321 = arith.addf %sub3A_318, %add3A_320 : vector<16xf32>
        %mul3A_322 = arith.mulf %add3A_321, %add3A_321 : vector<16xf32>
        %add3A_323 = arith.addf %add3A_310, %mul3A_322 : vector<16xf32>
        %mul3A_324 = arith.constant 16 : i32
        %mul3A_325 = arith.muli %scan3A_232, %mul3A_324 : i32
        %add3A_326 = arith.constant 7 : i32
        %add3A_327 = arith.addi %mul3A_325, %add3A_326 : i32
        %broadcast_in_dim3A_328 = vector.broadcast %add3A_327 : i32 to vector<16xi32>
        %gather3A_329 = tpu.vector_load_idx %arg8[%add3A_105, %broadcast_in_dim3A_328] : memref<80x128xf32, #tpu.memory_space<vmem>>[vector<16xi32>, vector<16xi32>], vector<16xf32>,
        %gather3A_330 = tpu.vector_load_idx %arg9[%add3A_105, %broadcast_in_dim3A_328] : memref<80x128xf32, #tpu.memory_space<vmem>>[vector<16xi32>, vector<16xi32>], vector<16xf32>,
        %sub3A_331 = arith.subf %gather3A_329, %gather3A_330 : vector<16xf32>
        %add3A_332 = arith.constant 9.99999997E-7 : f32
        %add3A_333 = vector.broadcast %add3A_332 : f32 to vector<16xf32>
        %add3A_334 = arith.addf %sub3A_331, %add3A_333 : vector<16xf32>
        %mul3A_335 = arith.mulf %add3A_334, %add3A_334 : vector<16xf32>
        %add3A_336 = arith.addf %add3A_323, %mul3A_335 : vector<16xf32>
        %mul3A_337 = arith.constant 16 : i32
        %mul3A_338 = arith.muli %scan3A_232, %mul3A_337 : i32
        %add3A_339 = arith.constant 8 : i32
        %add3A_340 = arith.addi %mul3A_338, %add3A_339 : i32
        %broadcast_in_dim3A_341 = vector.broadcast %add3A_340 : i32 to vector<16xi32>
        %gather3A_342 = tpu.vector_load_idx %arg8[%add3A_105, %broadcast_in_dim3A_341] : memref<80x128xf32, #tpu.memory_space<vmem>>[vector<16xi32>, vector<16xi32>], vector<16xf32>,
        %gather3A_343 = tpu.vector_load_idx %arg9[%add3A_105, %broadcast_in_dim3A_341] : memref<80x128xf32, #tpu.memory_space<vmem>>[vector<16xi32>, vector<16xi32>], vector<16xf32>,
        %sub3A_344 = arith.subf %gather3A_342, %gather3A_343 : vector<16xf32>
        %add3A_345 = arith.constant 9.99999997E-7 : f32
        %add3A_346 = vector.broadcast %add3A_345 : f32 to vector<16xf32>
        %add3A_347 = arith.addf %sub3A_344, %add3A_346 : vector<16xf32>
        %mul3A_348 = arith.mulf %add3A_347, %add3A_347 : vector<16xf32>
        %add3A_349 = arith.addf %add3A_336, %mul3A_348 : vector<16xf32>
        %mul3A_350 = arith.constant 16 : i32
        %mul3A_351 = arith.muli %scan3A_232, %mul3A_350 : i32
        %add3A_352 = arith.constant 9 : i32
        %add3A_353 = arith.addi %mul3A_351, %add3A_352 : i32
        %broadcast_in_dim3A_354 = vector.broadcast %add3A_353 : i32 to vector<16xi32>
        %gather3A_355 = tpu.vector_load_idx %arg8[%add3A_105, %broadcast_in_dim3A_354] : memref<80x128xf32, #tpu.memory_space<vmem>>[vector<16xi32>, vector<16xi32>], vector<16xf32>,
        %gather3A_356 = tpu.vector_load_idx %arg9[%add3A_105, %broadcast_in_dim3A_354] : memref<80x128xf32, #tpu.memory_space<vmem>>[vector<16xi32>, vector<16xi32>], vector<16xf32>,
        %sub3A_357 = arith.subf %gather3A_355, %gather3A_356 : vector<16xf32>
        %add3A_358 = arith.constant 9.99999997E-7 : f32
        %add3A_359 = vector.broadcast %add3A_358 : f32 to vector<16xf32>
        %add3A_360 = arith.addf %sub3A_357, %add3A_359 : vector<16xf32>
        %mul3A_361 = arith.mulf %add3A_360, %add3A_360 : vector<16xf32>
        %add3A_362 = arith.addf %add3A_349, %mul3A_361 : vector<16xf32>
        %mul3A_363 = arith.constant 16 : i32
        %mul3A_364 = arith.muli %scan3A_232, %mul3A_363 : i32
        %add3A_365 = arith.constant 10 : i32
        %add3A_366 = arith.addi %mul3A_364, %add3A_365 : i32
        %broadcast_in_dim3A_367 = vector.broadcast %add3A_366 : i32 to vector<16xi32>
        %gather3A_368 = tpu.vector_load_idx %arg8[%add3A_105, %broadcast_in_dim3A_367] : memref<80x128xf32, #tpu.memory_space<vmem>>[vector<16xi32>, vector<16xi32>], vector<16xf32>,
        %gather3A_369 = tpu.vector_load_idx %arg9[%add3A_105, %broadcast_in_dim3A_367] : memref<80x128xf32, #tpu.memory_space<vmem>>[vector<16xi32>, vector<16xi32>], vector<16xf32>,
        %sub3A_370 = arith.subf %gather3A_368, %gather3A_369 : vector<16xf32>
        %add3A_371 = arith.constant 9.99999997E-7 : f32
        %add3A_372 = vector.broadcast %add3A_371 : f32 to vector<16xf32>
        %add3A_373 = arith.addf %sub3A_370, %add3A_372 : vector<16xf32>
        %mul3A_374 = arith.mulf %add3A_373, %add3A_373 : vector<16xf32>
        %add3A_375 = arith.addf %add3A_362, %mul3A_374 : vector<16xf32>
        %mul3A_376 = arith.constant 16 : i32
        %mul3A_377 = arith.muli %scan3A_232, %mul3A_376 : i32
        %add3A_378 = arith.constant 11 : i32
        %add3A_379 = arith.addi %mul3A_377, %add3A_378 : i32
        %broadcast_in_dim3A_380 = vector.broadcast %add3A_379 : i32 to vector<16xi32>
        %gather3A_381 = tpu.vector_load_idx %arg8[%add3A_105, %broadcast_in_dim3A_380] : memref<80x128xf32, #tpu.memory_space<vmem>>[vector<16xi32>, vector<16xi32>], vector<16xf32>,
        %gather3A_382 = tpu.vector_load_idx %arg9[%add3A_105, %broadcast_in_dim3A_380] : memref<80x128xf32, #tpu.memory_space<vmem>>[vector<16xi32>, vector<16xi32>], vector<16xf32>,
        %sub3A_383 = arith.subf %gather3A_381, %gather3A_382 : vector<16xf32>
        %add3A_384 = arith.constant 9.99999997E-7 : f32
        %add3A_385 = vector.broadcast %add3A_384 : f32 to vector<16xf32>
        %add3A_386 = arith.addf %sub3A_383, %add3A_385 : vector<16xf32>
        %mul3A_387 = arith.mulf %add3A_386, %add3A_386 : vector<16xf32>
        %add3A_388 = arith.addf %add3A_375, %mul3A_387 : vector<16xf32>
        %mul3A_389 = arith.constant 16 : i32
        %mul3A_390 = arith.muli %scan3A_232, %mul3A_389 : i32
        %add3A_391 = arith.constant 12 : i32
        %add3A_392 = arith.addi %mul3A_390, %add3A_391 : i32
        %broadcast_in_dim3A_393 = vector.broadcast %add3A_392 : i32 to vector<16xi32>
        %gather3A_394 = tpu.vector_load_idx %arg8[%add3A_105, %broadcast_in_dim3A_393] : memref<80x128xf32, #tpu.memory_space<vmem>>[vector<16xi32>, vector<16xi32>], vector<16xf32>,
        %gather3A_395 = tpu.vector_load_idx %arg9[%add3A_105, %broadcast_in_dim3A_393] : memref<80x128xf32, #tpu.memory_space<vmem>>[vector<16xi32>, vector<16xi32>], vector<16xf32>,
        %sub3A_396 = arith.subf %gather3A_394, %gather3A_395 : vector<16xf32>
        %add3A_397 = arith.constant 9.99999997E-7 : f32
        %add3A_398 = vector.broadcast %add3A_397 : f32 to vector<16xf32>
        %add3A_399 = arith.addf %sub3A_396, %add3A_398 : vector<16xf32>
        %mul3A_400 = arith.mulf %add3A_399, %add3A_399 : vector<16xf32>
        %add3A_401 = arith.addf %add3A_388, %mul3A_400 : vector<16xf32>
        %mul3A_402 = arith.constant 16 : i32
        %mul3A_403 = arith.muli %scan3A_232, %mul3A_402 : i32
        %add3A_404 = arith.constant 13 : i32
        %add3A_405 = arith.addi %mul3A_403, %add3A_404 : i32
        %broadcast_in_dim3A_406 = vector.broadcast %add3A_405 : i32 to vector<16xi32>
        %gather3A_407 = tpu.vector_load_idx %arg8[%add3A_105, %broadcast_in_dim3A_406] : memref<80x128xf32, #tpu.memory_space<vmem>>[vector<16xi32>, vector<16xi32>], vector<16xf32>,
        %gather3A_408 = tpu.vector_load_idx %arg9[%add3A_105, %broadcast_in_dim3A_406] : memref<80x128xf32, #tpu.memory_space<vmem>>[vector<16xi32>, vector<16xi32>], vector<16xf32>,
        %sub3A_409 = arith.subf %gather3A_407, %gather3A_408 : vector<16xf32>
        %add3A_410 = arith.constant 9.99999997E-7 : f32
        %add3A_411 = vector.broadcast %add3A_410 : f32 to vector<16xf32>
        %add3A_412 = arith.addf %sub3A_409, %add3A_411 : vector<16xf32>
        %mul3A_413 = arith.mulf %add3A_412, %add3A_412 : vector<16xf32>
        %add3A_414 = arith.addf %add3A_401, %mul3A_413 : vector<16xf32>
        %mul3A_415 = arith.constant 16 : i32
        %mul3A_416 = arith.muli %scan3A_232, %mul3A_415 : i32
        %add3A_417 = arith.constant 14 : i32
        %add3A_418 = arith.addi %mul3A_416, %add3A_417 : i32
        %broadcast_in_dim3A_419 = vector.broadcast %add3A_418 : i32 to vector<16xi32>
        %gather3A_420 = tpu.vector_load_idx %arg8[%add3A_105, %broadcast_in_dim3A_419] : memref<80x128xf32, #tpu.memory_space<vmem>>[vector<16xi32>, vector<16xi32>], vector<16xf32>,
        %gather3A_421 = tpu.vector_load_idx %arg9[%add3A_105, %broadcast_in_dim3A_419] : memref<80x128xf32, #tpu.memory_space<vmem>>[vector<16xi32>, vector<16xi32>], vector<16xf32>,
        %sub3A_422 = arith.subf %gather3A_420, %gather3A_421 : vector<16xf32>
        %add3A_423 = arith.constant 9.99999997E-7 : f32
        %add3A_424 = vector.broadcast %add3A_423 : f32 to vector<16xf32>
        %add3A_425 = arith.addf %sub3A_422, %add3A_424 : vector<16xf32>
        %mul3A_426 = arith.mulf %add3A_425, %add3A_425 : vector<16xf32>
        %add3A_427 = arith.addf %add3A_414, %mul3A_426 : vector<16xf32>
        %mul3A_428 = arith.constant 16 : i32
        %mul3A_429 = arith.muli %scan3A_232, %mul3A_428 : i32
        %add3A_430 = arith.constant 15 : i32
        %add3A_431 = arith.addi %mul3A_429, %add3A_430 : i32
        %broadcast_in_dim3A_432 = vector.broadcast %add3A_431 : i32 to vector<16xi32>
        %gather3A_433 = tpu.vector_load_idx %arg8[%add3A_105, %broadcast_in_dim3A_432] : memref<80x128xf32, #tpu.memory_space<vmem>>[vector<16xi32>, vector<16xi32>], vector<16xf32>,
        %gather3A_434 = tpu.vector_load_idx %arg9[%add3A_105, %broadcast_in_dim3A_432] : memref<80x128xf32, #tpu.memory_space<vmem>>[vector<16xi32>, vector<16xi32>], vector<16xf32>,
        %sub3A_435 = arith.subf %gather3A_433, %gather3A_434 : vector<16xf32>
        %add3A_436 = arith.constant 9.99999997E-7 : f32
        %add3A_437 = vector.broadcast %add3A_436 : f32 to vector<16xf32>
        %add3A_438 = arith.addf %sub3A_435, %add3A_437 : vector<16xf32>
        %mul3A_439 = arith.mulf %add3A_438, %add3A_438 : vector<16xf32>
        %add3A_440 = arith.addf %add3A_427, %mul3A_439 : vector<16xf32>
        scf.yield %add3A_440 : vector<16xf32>
      }
      %scan3A_113 = arith.constant 8 : i32
      %bitcast3A_114 = vector.bitcast %scan3A_112 : vector<16xf32> to vector<16xi32>
      %shift_right_arithmetic3A_115 = arith.constant 1 : i32
      %shift_right_arithmetic3A_116 = vector.broadcast %shift_right_arithmetic3A_115 : i32 to vector<16xi32>
      %shift_right_arithmetic3A_117 = arith.shrsi %bitcast3A_114, %shift_right_arithmetic3A_116 : vector<16xi32>
      %sub3A_118 = arith.constant 1597463007 : i32
      %sub3A_119 = vector.broadcast %sub3A_118 : i32 to vector<16xi32>
      %sub3A_120 = arith.subi %sub3A_119, %shift_right_arithmetic3A_117 : vector<16xi32>
      %bitcast3A_121 = vector.bitcast %sub3A_120 : vector<16xi32> to vector<16xf32>
      %mul3A_122 = arith.constant 5.000000e-01 : f32
      %mul3A_123 = vector.broadcast %mul3A_122 : f32 to vector<16xf32>
      %mul3A_124 = arith.mulf %mul3A_123, %scan3A_112 : vector<16xf32>
      %mul3A_125 = arith.mulf %mul3A_124, %bitcast3A_121 : vector<16xf32>
      %mul3A_126 = arith.mulf %mul3A_125, %bitcast3A_121 : vector<16xf32>
      %sub3A_127 = arith.constant 1.500000e+00 : f32
      %sub3A_128 = vector.broadcast %sub3A_127 : f32 to vector<16xf32>
      %sub3A_129 = arith.subf %sub3A_128, %mul3A_126 : vector<16xf32>
      %mul3A_130 = arith.mulf %bitcast3A_121, %sub3A_129 : vector<16xf32>
      %mul3A_131 = arith.mulf %mul3A_124, %mul3A_130 : vector<16xf32>
      %mul3A_132 = arith.mulf %mul3A_131, %mul3A_130 : vector<16xf32>
      %sub3A_133 = arith.constant 1.500000e+00 : f32
      %sub3A_134 = vector.broadcast %sub3A_133 : f32 to vector<16xf32>
      %sub3A_135 = arith.subf %sub3A_134, %mul3A_132 : vector<16xf32>
      %mul3A_136 = arith.mulf %mul3A_130, %sub3A_135 : vector<16xf32>
      %mul3A_137 = arith.mulf %mul3A_124, %mul3A_136 : vector<16xf32>
      %mul3A_138 = arith.mulf %mul3A_137, %mul3A_136 : vector<16xf32>
      %sub3A_139 = arith.constant 1.500000e+00 : f32
      %sub3A_140 = vector.broadcast %sub3A_139 : f32 to vector<16xf32>
      %sub3A_141 = arith.subf %sub3A_140, %mul3A_138 : vector<16xf32>
      %mul3A_142 = arith.mulf %mul3A_136, %sub3A_141 : vector<16xf32>
      %mul3A_143 = arith.mulf %scan3A_112, %mul3A_142 : vector<16xf32>
      %swap3A_144 = arith.constant 32 : index
      %swap3A_145 = tpu.vector_load %arg10[%swap3A_144] {strides = array<i32>} : memref<80xf32, #tpu.memory_space<vmem>>, vector<16xf32>,
      tpu.vector_store %arg10[%swap3A_144], %mul3A_143 {strides = array<i32>} : memref<80xf32, #tpu.memory_space<vmem>>, vector<16xf32>,
      %add3A_146 = arith.constant 48 : i32
      %add3A_147 = vector.broadcast %add3A_146 : i32 to vector<16xi32>
      %add3A_148 = arith.addi %iota3A, %add3A_147 : vector<16xi32>
      %broadcast_in_dim3A_149 = arith.constant 0.000000e+00 : f32
      %broadcast_in_dim3A_150 = vector.broadcast %broadcast_in_dim3A_149 : f32 to vector<16xf32>
      %scan3A_151 = arith.constant 0 : i32
      %scan3A_152 = arith.constant 8 : i32
      %scan3A_153 = arith.addi %scan3A_151, %scan3A_152 : i32
      %scan3A_154 = arith.constant 1 : i32
      %scan3A_155 = scf.for %scan3A_232 = %scan3A_151 to %scan3A_153 step %scan3A_154 iter_args(%scan3A_233 = %broadcast_in_dim3A_150) -> (vector<16xf32>)  : i32 {
        %mul3A_234 = arith.constant 16 : i32
        %mul3A_235 = arith.muli %scan3A_232, %mul3A_234 : i32
        %add3A_236 = arith.constant 0 : i32
        %add3A_237 = arith.addi %mul3A_235, %add3A_236 : i32
        %broadcast_in_dim3A_238 = vector.broadcast %add3A_237 : i32 to vector<16xi32>
        %gather3A = tpu.vector_load_idx %arg8[%add3A_148, %broadcast_in_dim3A_238] : memref<80x128xf32, #tpu.memory_space<vmem>>[vector<16xi32>, vector<16xi32>], vector<16xf32>,
        %gather3A_239 = tpu.vector_load_idx %arg9[%add3A_148, %broadcast_in_dim3A_238] : memref<80x128xf32, #tpu.memory_space<vmem>>[vector<16xi32>, vector<16xi32>], vector<16xf32>,
        %sub3A_240 = arith.subf %gather3A, %gather3A_239 : vector<16xf32>
        %add3A_241 = arith.constant 9.99999997E-7 : f32
        %add3A_242 = vector.broadcast %add3A_241 : f32 to vector<16xf32>
        %add3A_243 = arith.addf %sub3A_240, %add3A_242 : vector<16xf32>
        %mul3A_244 = arith.mulf %add3A_243, %add3A_243 : vector<16xf32>
        %add3A_245 = arith.addf %scan3A_233, %mul3A_244 : vector<16xf32>
        %mul3A_246 = arith.constant 16 : i32
        %mul3A_247 = arith.muli %scan3A_232, %mul3A_246 : i32
        %add3A_248 = arith.constant 1 : i32
        %add3A_249 = arith.addi %mul3A_247, %add3A_248 : i32
        %broadcast_in_dim3A_250 = vector.broadcast %add3A_249 : i32 to vector<16xi32>
        %gather3A_251 = tpu.vector_load_idx %arg8[%add3A_148, %broadcast_in_dim3A_250] : memref<80x128xf32, #tpu.memory_space<vmem>>[vector<16xi32>, vector<16xi32>], vector<16xf32>,
        %gather3A_252 = tpu.vector_load_idx %arg9[%add3A_148, %broadcast_in_dim3A_250] : memref<80x128xf32, #tpu.memory_space<vmem>>[vector<16xi32>, vector<16xi32>], vector<16xf32>,
        %sub3A_253 = arith.subf %gather3A_251, %gather3A_252 : vector<16xf32>
        %add3A_254 = arith.constant 9.99999997E-7 : f32
        %add3A_255 = vector.broadcast %add3A_254 : f32 to vector<16xf32>
        %add3A_256 = arith.addf %sub3A_253, %add3A_255 : vector<16xf32>
        %mul3A_257 = arith.mulf %add3A_256, %add3A_256 : vector<16xf32>
        %add3A_258 = arith.addf %add3A_245, %mul3A_257 : vector<16xf32>
        %mul3A_259 = arith.constant 16 : i32
        %mul3A_260 = arith.muli %scan3A_232, %mul3A_259 : i32
        %add3A_261 = arith.constant 2 : i32
        %add3A_262 = arith.addi %mul3A_260, %add3A_261 : i32
        %broadcast_in_dim3A_263 = vector.broadcast %add3A_262 : i32 to vector<16xi32>
        %gather3A_264 = tpu.vector_load_idx %arg8[%add3A_148, %broadcast_in_dim3A_263] : memref<80x128xf32, #tpu.memory_space<vmem>>[vector<16xi32>, vector<16xi32>], vector<16xf32>,
        %gather3A_265 = tpu.vector_load_idx %arg9[%add3A_148, %broadcast_in_dim3A_263] : memref<80x128xf32, #tpu.memory_space<vmem>>[vector<16xi32>, vector<16xi32>], vector<16xf32>,
        %sub3A_266 = arith.subf %gather3A_264, %gather3A_265 : vector<16xf32>
        %add3A_267 = arith.constant 9.99999997E-7 : f32
        %add3A_268 = vector.broadcast %add3A_267 : f32 to vector<16xf32>
        %add3A_269 = arith.addf %sub3A_266, %add3A_268 : vector<16xf32>
        %mul3A_270 = arith.mulf %add3A_269, %add3A_269 : vector<16xf32>
        %add3A_271 = arith.addf %add3A_258, %mul3A_270 : vector<16xf32>
        %mul3A_272 = arith.constant 16 : i32
        %mul3A_273 = arith.muli %scan3A_232, %mul3A_272 : i32
        %add3A_274 = arith.constant 3 : i32
        %add3A_275 = arith.addi %mul3A_273, %add3A_274 : i32
        %broadcast_in_dim3A_276 = vector.broadcast %add3A_275 : i32 to vector<16xi32>
        %gather3A_277 = tpu.vector_load_idx %arg8[%add3A_148, %broadcast_in_dim3A_276] : memref<80x128xf32, #tpu.memory_space<vmem>>[vector<16xi32>, vector<16xi32>], vector<16xf32>,
        %gather3A_278 = tpu.vector_load_idx %arg9[%add3A_148, %broadcast_in_dim3A_276] : memref<80x128xf32, #tpu.memory_space<vmem>>[vector<16xi32>, vector<16xi32>], vector<16xf32>,
        %sub3A_279 = arith.subf %gather3A_277, %gather3A_278 : vector<16xf32>
        %add3A_280 = arith.constant 9.99999997E-7 : f32
        %add3A_281 = vector.broadcast %add3A_280 : f32 to vector<16xf32>
        %add3A_282 = arith.addf %sub3A_279, %add3A_281 : vector<16xf32>
        %mul3A_283 = arith.mulf %add3A_282, %add3A_282 : vector<16xf32>
        %add3A_284 = arith.addf %add3A_271, %mul3A_283 : vector<16xf32>
        %mul3A_285 = arith.constant 16 : i32
        %mul3A_286 = arith.muli %scan3A_232, %mul3A_285 : i32
        %add3A_287 = arith.constant 4 : i32
        %add3A_288 = arith.addi %mul3A_286, %add3A_287 : i32
        %broadcast_in_dim3A_289 = vector.broadcast %add3A_288 : i32 to vector<16xi32>
        %gather3A_290 = tpu.vector_load_idx %arg8[%add3A_148, %broadcast_in_dim3A_289] : memref<80x128xf32, #tpu.memory_space<vmem>>[vector<16xi32>, vector<16xi32>], vector<16xf32>,
        %gather3A_291 = tpu.vector_load_idx %arg9[%add3A_148, %broadcast_in_dim3A_289] : memref<80x128xf32, #tpu.memory_space<vmem>>[vector<16xi32>, vector<16xi32>], vector<16xf32>,
        %sub3A_292 = arith.subf %gather3A_290, %gather3A_291 : vector<16xf32>
        %add3A_293 = arith.constant 9.99999997E-7 : f32
        %add3A_294 = vector.broadcast %add3A_293 : f32 to vector<16xf32>
        %add3A_295 = arith.addf %sub3A_292, %add3A_294 : vector<16xf32>
        %mul3A_296 = arith.mulf %add3A_295, %add3A_295 : vector<16xf32>
        %add3A_297 = arith.addf %add3A_284, %mul3A_296 : vector<16xf32>
        %mul3A_298 = arith.constant 16 : i32
        %mul3A_299 = arith.muli %scan3A_232, %mul3A_298 : i32
        %add3A_300 = arith.constant 5 : i32
        %add3A_301 = arith.addi %mul3A_299, %add3A_300 : i32
        %broadcast_in_dim3A_302 = vector.broadcast %add3A_301 : i32 to vector<16xi32>
        %gather3A_303 = tpu.vector_load_idx %arg8[%add3A_148, %broadcast_in_dim3A_302] : memref<80x128xf32, #tpu.memory_space<vmem>>[vector<16xi32>, vector<16xi32>], vector<16xf32>,
        %gather3A_304 = tpu.vector_load_idx %arg9[%add3A_148, %broadcast_in_dim3A_302] : memref<80x128xf32, #tpu.memory_space<vmem>>[vector<16xi32>, vector<16xi32>], vector<16xf32>,
        %sub3A_305 = arith.subf %gather3A_303, %gather3A_304 : vector<16xf32>
        %add3A_306 = arith.constant 9.99999997E-7 : f32
        %add3A_307 = vector.broadcast %add3A_306 : f32 to vector<16xf32>
        %add3A_308 = arith.addf %sub3A_305, %add3A_307 : vector<16xf32>
        %mul3A_309 = arith.mulf %add3A_308, %add3A_308 : vector<16xf32>
        %add3A_310 = arith.addf %add3A_297, %mul3A_309 : vector<16xf32>
        %mul3A_311 = arith.constant 16 : i32
        %mul3A_312 = arith.muli %scan3A_232, %mul3A_311 : i32
        %add3A_313 = arith.constant 6 : i32
        %add3A_314 = arith.addi %mul3A_312, %add3A_313 : i32
        %broadcast_in_dim3A_315 = vector.broadcast %add3A_314 : i32 to vector<16xi32>
        %gather3A_316 = tpu.vector_load_idx %arg8[%add3A_148, %broadcast_in_dim3A_315] : memref<80x128xf32, #tpu.memory_space<vmem>>[vector<16xi32>, vector<16xi32>], vector<16xf32>,
        %gather3A_317 = tpu.vector_load_idx %arg9[%add3A_148, %broadcast_in_dim3A_315] : memref<80x128xf32, #tpu.memory_space<vmem>>[vector<16xi32>, vector<16xi32>], vector<16xf32>,
        %sub3A_318 = arith.subf %gather3A_316, %gather3A_317 : vector<16xf32>
        %add3A_319 = arith.constant 9.99999997E-7 : f32
        %add3A_320 = vector.broadcast %add3A_319 : f32 to vector<16xf32>
        %add3A_321 = arith.addf %sub3A_318, %add3A_320 : vector<16xf32>
        %mul3A_322 = arith.mulf %add3A_321, %add3A_321 : vector<16xf32>
        %add3A_323 = arith.addf %add3A_310, %mul3A_322 : vector<16xf32>
        %mul3A_324 = arith.constant 16 : i32
        %mul3A_325 = arith.muli %scan3A_232, %mul3A_324 : i32
        %add3A_326 = arith.constant 7 : i32
        %add3A_327 = arith.addi %mul3A_325, %add3A_326 : i32
        %broadcast_in_dim3A_328 = vector.broadcast %add3A_327 : i32 to vector<16xi32>
        %gather3A_329 = tpu.vector_load_idx %arg8[%add3A_148, %broadcast_in_dim3A_328] : memref<80x128xf32, #tpu.memory_space<vmem>>[vector<16xi32>, vector<16xi32>], vector<16xf32>,
        %gather3A_330 = tpu.vector_load_idx %arg9[%add3A_148, %broadcast_in_dim3A_328] : memref<80x128xf32, #tpu.memory_space<vmem>>[vector<16xi32>, vector<16xi32>], vector<16xf32>,
        %sub3A_331 = arith.subf %gather3A_329, %gather3A_330 : vector<16xf32>
        %add3A_332 = arith.constant 9.99999997E-7 : f32
        %add3A_333 = vector.broadcast %add3A_332 : f32 to vector<16xf32>
        %add3A_334 = arith.addf %sub3A_331, %add3A_333 : vector<16xf32>
        %mul3A_335 = arith.mulf %add3A_334, %add3A_334 : vector<16xf32>
        %add3A_336 = arith.addf %add3A_323, %mul3A_335 : vector<16xf32>
        %mul3A_337 = arith.constant 16 : i32
        %mul3A_338 = arith.muli %scan3A_232, %mul3A_337 : i32
        %add3A_339 = arith.constant 8 : i32
        %add3A_340 = arith.addi %mul3A_338, %add3A_339 : i32
        %broadcast_in_dim3A_341 = vector.broadcast %add3A_340 : i32 to vector<16xi32>
        %gather3A_342 = tpu.vector_load_idx %arg8[%add3A_148, %broadcast_in_dim3A_341] : memref<80x128xf32, #tpu.memory_space<vmem>>[vector<16xi32>, vector<16xi32>], vector<16xf32>,
        %gather3A_343 = tpu.vector_load_idx %arg9[%add3A_148, %broadcast_in_dim3A_341] : memref<80x128xf32, #tpu.memory_space<vmem>>[vector<16xi32>, vector<16xi32>], vector<16xf32>,
        %sub3A_344 = arith.subf %gather3A_342, %gather3A_343 : vector<16xf32>
        %add3A_345 = arith.constant 9.99999997E-7 : f32
        %add3A_346 = vector.broadcast %add3A_345 : f32 to vector<16xf32>
        %add3A_347 = arith.addf %sub3A_344, %add3A_346 : vector<16xf32>
        %mul3A_348 = arith.mulf %add3A_347, %add3A_347 : vector<16xf32>
        %add3A_349 = arith.addf %add3A_336, %mul3A_348 : vector<16xf32>
        %mul3A_350 = arith.constant 16 : i32
        %mul3A_351 = arith.muli %scan3A_232, %mul3A_350 : i32
        %add3A_352 = arith.constant 9 : i32
        %add3A_353 = arith.addi %mul3A_351, %add3A_352 : i32
        %broadcast_in_dim3A_354 = vector.broadcast %add3A_353 : i32 to vector<16xi32>
        %gather3A_355 = tpu.vector_load_idx %arg8[%add3A_148, %broadcast_in_dim3A_354] : memref<80x128xf32, #tpu.memory_space<vmem>>[vector<16xi32>, vector<16xi32>], vector<16xf32>,
        %gather3A_356 = tpu.vector_load_idx %arg9[%add3A_148, %broadcast_in_dim3A_354] : memref<80x128xf32, #tpu.memory_space<vmem>>[vector<16xi32>, vector<16xi32>], vector<16xf32>,
        %sub3A_357 = arith.subf %gather3A_355, %gather3A_356 : vector<16xf32>
        %add3A_358 = arith.constant 9.99999997E-7 : f32
        %add3A_359 = vector.broadcast %add3A_358 : f32 to vector<16xf32>
        %add3A_360 = arith.addf %sub3A_357, %add3A_359 : vector<16xf32>
        %mul3A_361 = arith.mulf %add3A_360, %add3A_360 : vector<16xf32>
        %add3A_362 = arith.addf %add3A_349, %mul3A_361 : vector<16xf32>
        %mul3A_363 = arith.constant 16 : i32
        %mul3A_364 = arith.muli %scan3A_232, %mul3A_363 : i32
        %add3A_365 = arith.constant 10 : i32
        %add3A_366 = arith.addi %mul3A_364, %add3A_365 : i32
        %broadcast_in_dim3A_367 = vector.broadcast %add3A_366 : i32 to vector<16xi32>
        %gather3A_368 = tpu.vector_load_idx %arg8[%add3A_148, %broadcast_in_dim3A_367] : memref<80x128xf32, #tpu.memory_space<vmem>>[vector<16xi32>, vector<16xi32>], vector<16xf32>,
        %gather3A_369 = tpu.vector_load_idx %arg9[%add3A_148, %broadcast_in_dim3A_367] : memref<80x128xf32, #tpu.memory_space<vmem>>[vector<16xi32>, vector<16xi32>], vector<16xf32>,
        %sub3A_370 = arith.subf %gather3A_368, %gather3A_369 : vector<16xf32>
        %add3A_371 = arith.constant 9.99999997E-7 : f32
        %add3A_372 = vector.broadcast %add3A_371 : f32 to vector<16xf32>
        %add3A_373 = arith.addf %sub3A_370, %add3A_372 : vector<16xf32>
        %mul3A_374 = arith.mulf %add3A_373, %add3A_373 : vector<16xf32>
        %add3A_375 = arith.addf %add3A_362, %mul3A_374 : vector<16xf32>
        %mul3A_376 = arith.constant 16 : i32
        %mul3A_377 = arith.muli %scan3A_232, %mul3A_376 : i32
        %add3A_378 = arith.constant 11 : i32
        %add3A_379 = arith.addi %mul3A_377, %add3A_378 : i32
        %broadcast_in_dim3A_380 = vector.broadcast %add3A_379 : i32 to vector<16xi32>
        %gather3A_381 = tpu.vector_load_idx %arg8[%add3A_148, %broadcast_in_dim3A_380] : memref<80x128xf32, #tpu.memory_space<vmem>>[vector<16xi32>, vector<16xi32>], vector<16xf32>,
        %gather3A_382 = tpu.vector_load_idx %arg9[%add3A_148, %broadcast_in_dim3A_380] : memref<80x128xf32, #tpu.memory_space<vmem>>[vector<16xi32>, vector<16xi32>], vector<16xf32>,
        %sub3A_383 = arith.subf %gather3A_381, %gather3A_382 : vector<16xf32>
        %add3A_384 = arith.constant 9.99999997E-7 : f32
        %add3A_385 = vector.broadcast %add3A_384 : f32 to vector<16xf32>
        %add3A_386 = arith.addf %sub3A_383, %add3A_385 : vector<16xf32>
        %mul3A_387 = arith.mulf %add3A_386, %add3A_386 : vector<16xf32>
        %add3A_388 = arith.addf %add3A_375, %mul3A_387 : vector<16xf32>
        %mul3A_389 = arith.constant 16 : i32
        %mul3A_390 = arith.muli %scan3A_232, %mul3A_389 : i32
        %add3A_391 = arith.constant 12 : i32
        %add3A_392 = arith.addi %mul3A_390, %add3A_391 : i32
        %broadcast_in_dim3A_393 = vector.broadcast %add3A_392 : i32 to vector<16xi32>
        %gather3A_394 = tpu.vector_load_idx %arg8[%add3A_148, %broadcast_in_dim3A_393] : memref<80x128xf32, #tpu.memory_space<vmem>>[vector<16xi32>, vector<16xi32>], vector<16xf32>,
        %gather3A_395 = tpu.vector_load_idx %arg9[%add3A_148, %broadcast_in_dim3A_393] : memref<80x128xf32, #tpu.memory_space<vmem>>[vector<16xi32>, vector<16xi32>], vector<16xf32>,
        %sub3A_396 = arith.subf %gather3A_394, %gather3A_395 : vector<16xf32>
        %add3A_397 = arith.constant 9.99999997E-7 : f32
        %add3A_398 = vector.broadcast %add3A_397 : f32 to vector<16xf32>
        %add3A_399 = arith.addf %sub3A_396, %add3A_398 : vector<16xf32>
        %mul3A_400 = arith.mulf %add3A_399, %add3A_399 : vector<16xf32>
        %add3A_401 = arith.addf %add3A_388, %mul3A_400 : vector<16xf32>
        %mul3A_402 = arith.constant 16 : i32
        %mul3A_403 = arith.muli %scan3A_232, %mul3A_402 : i32
        %add3A_404 = arith.constant 13 : i32
        %add3A_405 = arith.addi %mul3A_403, %add3A_404 : i32
        %broadcast_in_dim3A_406 = vector.broadcast %add3A_405 : i32 to vector<16xi32>
        %gather3A_407 = tpu.vector_load_idx %arg8[%add3A_148, %broadcast_in_dim3A_406] : memref<80x128xf32, #tpu.memory_space<vmem>>[vector<16xi32>, vector<16xi32>], vector<16xf32>,
        %gather3A_408 = tpu.vector_load_idx %arg9[%add3A_148, %broadcast_in_dim3A_406] : memref<80x128xf32, #tpu.memory_space<vmem>>[vector<16xi32>, vector<16xi32>], vector<16xf32>,
        %sub3A_409 = arith.subf %gather3A_407, %gather3A_408 : vector<16xf32>
        %add3A_410 = arith.constant 9.99999997E-7 : f32
        %add3A_411 = vector.broadcast %add3A_410 : f32 to vector<16xf32>
        %add3A_412 = arith.addf %sub3A_409, %add3A_411 : vector<16xf32>
        %mul3A_413 = arith.mulf %add3A_412, %add3A_412 : vector<16xf32>
        %add3A_414 = arith.addf %add3A_401, %mul3A_413 : vector<16xf32>
        %mul3A_415 = arith.constant 16 : i32
        %mul3A_416 = arith.muli %scan3A_232, %mul3A_415 : i32
        %add3A_417 = arith.constant 14 : i32
        %add3A_418 = arith.addi %mul3A_416, %add3A_417 : i32
        %broadcast_in_dim3A_419 = vector.broadcast %add3A_418 : i32 to vector<16xi32>
        %gather3A_420 = tpu.vector_load_idx %arg8[%add3A_148, %broadcast_in_dim3A_419] : memref<80x128xf32, #tpu.memory_space<vmem>>[vector<16xi32>, vector<16xi32>], vector<16xf32>,
        %gather3A_421 = tpu.vector_load_idx %arg9[%add3A_148, %broadcast_in_dim3A_419] : memref<80x128xf32, #tpu.memory_space<vmem>>[vector<16xi32>, vector<16xi32>], vector<16xf32>,
        %sub3A_422 = arith.subf %gather3A_420, %gather3A_421 : vector<16xf32>
        %add3A_423 = arith.constant 9.99999997E-7 : f32
        %add3A_424 = vector.broadcast %add3A_423 : f32 to vector<16xf32>
        %add3A_425 = arith.addf %sub3A_422, %add3A_424 : vector<16xf32>
        %mul3A_426 = arith.mulf %add3A_425, %add3A_425 : vector<16xf32>
        %add3A_427 = arith.addf %add3A_414, %mul3A_426 : vector<16xf32>
        %mul3A_428 = arith.constant 16 : i32
        %mul3A_429 = arith.muli %scan3A_232, %mul3A_428 : i32
        %add3A_430 = arith.constant 15 : i32
        %add3A_431 = arith.addi %mul3A_429, %add3A_430 : i32
        %broadcast_in_dim3A_432 = vector.broadcast %add3A_431 : i32 to vector<16xi32>
        %gather3A_433 = tpu.vector_load_idx %arg8[%add3A_148, %broadcast_in_dim3A_432] : memref<80x128xf32, #tpu.memory_space<vmem>>[vector<16xi32>, vector<16xi32>], vector<16xf32>,
        %gather3A_434 = tpu.vector_load_idx %arg9[%add3A_148, %broadcast_in_dim3A_432] : memref<80x128xf32, #tpu.memory_space<vmem>>[vector<16xi32>, vector<16xi32>], vector<16xf32>,
        %sub3A_435 = arith.subf %gather3A_433, %gather3A_434 : vector<16xf32>
        %add3A_436 = arith.constant 9.99999997E-7 : f32
        %add3A_437 = vector.broadcast %add3A_436 : f32 to vector<16xf32>
        %add3A_438 = arith.addf %sub3A_435, %add3A_437 : vector<16xf32>
        %mul3A_439 = arith.mulf %add3A_438, %add3A_438 : vector<16xf32>
        %add3A_440 = arith.addf %add3A_427, %mul3A_439 : vector<16xf32>
        scf.yield %add3A_440 : vector<16xf32>
      }
      %scan3A_156 = arith.constant 8 : i32
      %bitcast3A_157 = vector.bitcast %scan3A_155 : vector<16xf32> to vector<16xi32>
      %shift_right_arithmetic3A_158 = arith.constant 1 : i32
      %shift_right_arithmetic3A_159 = vector.broadcast %shift_right_arithmetic3A_158 : i32 to vector<16xi32>
      %shift_right_arithmetic3A_160 = arith.shrsi %bitcast3A_157, %shift_right_arithmetic3A_159 : vector<16xi32>
      %sub3A_161 = arith.constant 1597463007 : i32
      %sub3A_162 = vector.broadcast %sub3A_161 : i32 to vector<16xi32>
      %sub3A_163 = arith.subi %sub3A_162, %shift_right_arithmetic3A_160 : vector<16xi32>
      %bitcast3A_164 = vector.bitcast %sub3A_163 : vector<16xi32> to vector<16xf32>
      %mul3A_165 = arith.constant 5.000000e-01 : f32
      %mul3A_166 = vector.broadcast %mul3A_165 : f32 to vector<16xf32>
      %mul3A_167 = arith.mulf %mul3A_166, %scan3A_155 : vector<16xf32>
      %mul3A_168 = arith.mulf %mul3A_167, %bitcast3A_164 : vector<16xf32>
      %mul3A_169 = arith.mulf %mul3A_168, %bitcast3A_164 : vector<16xf32>
      %sub3A_170 = arith.constant 1.500000e+00 : f32
      %sub3A_171 = vector.broadcast %sub3A_170 : f32 to vector<16xf32>
      %sub3A_172 = arith.subf %sub3A_171, %mul3A_169 : vector<16xf32>
      %mul3A_173 = arith.mulf %bitcast3A_164, %sub3A_172 : vector<16xf32>
      %mul3A_174 = arith.mulf %mul3A_167, %mul3A_173 : vector<16xf32>
      %mul3A_175 = arith.mulf %mul3A_174, %mul3A_173 : vector<16xf32>
      %sub3A_176 = arith.constant 1.500000e+00 : f32
      %sub3A_177 = vector.broadcast %sub3A_176 : f32 to vector<16xf32>
      %sub3A_178 = arith.subf %sub3A_177, %mul3A_175 : vector<16xf32>
      %mul3A_179 = arith.mulf %mul3A_173, %sub3A_178 : vector<16xf32>
      %mul3A_180 = arith.mulf %mul3A_167, %mul3A_179 : vector<16xf32>
      %mul3A_181 = arith.mulf %mul3A_180, %mul3A_179 : vector<16xf32>
      %sub3A_182 = arith.constant 1.500000e+00 : f32
      %sub3A_183 = vector.broadcast %sub3A_182 : f32 to vector<16xf32>
      %sub3A_184 = arith.subf %sub3A_183, %mul3A_181 : vector<16xf32>
      %mul3A_185 = arith.mulf %mul3A_179, %sub3A_184 : vector<16xf32>
      %mul3A_186 = arith.mulf %scan3A_155, %mul3A_185 : vector<16xf32>
      %swap3A_187 = arith.constant 48 : index
      %swap3A_188 = tpu.vector_load %arg10[%swap3A_187] {strides = array<i32>} : memref<80xf32, #tpu.memory_space<vmem>>, vector<16xf32>,
      tpu.vector_store %arg10[%swap3A_187], %mul3A_186 {strides = array<i32>} : memref<80xf32, #tpu.memory_space<vmem>>, vector<16xf32>,
      %add3A_189 = arith.constant 64 : i32
      %add3A_190 = vector.broadcast %add3A_189 : i32 to vector<16xi32>
      %add3A_191 = arith.addi %iota3A, %add3A_190 : vector<16xi32>
      %broadcast_in_dim3A_192 = arith.constant 0.000000e+00 : f32
      %broadcast_in_dim3A_193 = vector.broadcast %broadcast_in_dim3A_192 : f32 to vector<16xf32>
      %scan3A_194 = arith.constant 0 : i32
      %scan3A_195 = arith.constant 8 : i32
      %scan3A_196 = arith.addi %scan3A_194, %scan3A_195 : i32
      %scan3A_197 = arith.constant 1 : i32
      %scan3A_198 = scf.for %scan3A_232 = %scan3A_194 to %scan3A_196 step %scan3A_197 iter_args(%scan3A_233 = %broadcast_in_dim3A_193) -> (vector<16xf32>)  : i32 {
        %mul3A_234 = arith.constant 16 : i32
        %mul3A_235 = arith.muli %scan3A_232, %mul3A_234 : i32
        %add3A_236 = arith.constant 0 : i32
        %add3A_237 = arith.addi %mul3A_235, %add3A_236 : i32
        %broadcast_in_dim3A_238 = vector.broadcast %add3A_237 : i32 to vector<16xi32>
        %gather3A = tpu.vector_load_idx %arg8[%add3A_191, %broadcast_in_dim3A_238] : memref<80x128xf32, #tpu.memory_space<vmem>>[vector<16xi32>, vector<16xi32>], vector<16xf32>,
        %gather3A_239 = tpu.vector_load_idx %arg9[%add3A_191, %broadcast_in_dim3A_238] : memref<80x128xf32, #tpu.memory_space<vmem>>[vector<16xi32>, vector<16xi32>], vector<16xf32>,
        %sub3A_240 = arith.subf %gather3A, %gather3A_239 : vector<16xf32>
        %add3A_241 = arith.constant 9.99999997E-7 : f32
        %add3A_242 = vector.broadcast %add3A_241 : f32 to vector<16xf32>
        %add3A_243 = arith.addf %sub3A_240, %add3A_242 : vector<16xf32>
        %mul3A_244 = arith.mulf %add3A_243, %add3A_243 : vector<16xf32>
        %add3A_245 = arith.addf %scan3A_233, %mul3A_244 : vector<16xf32>
        %mul3A_246 = arith.constant 16 : i32
        %mul3A_247 = arith.muli %scan3A_232, %mul3A_246 : i32
        %add3A_248 = arith.constant 1 : i32
        %add3A_249 = arith.addi %mul3A_247, %add3A_248 : i32
        %broadcast_in_dim3A_250 = vector.broadcast %add3A_249 : i32 to vector<16xi32>
        %gather3A_251 = tpu.vector_load_idx %arg8[%add3A_191, %broadcast_in_dim3A_250] : memref<80x128xf32, #tpu.memory_space<vmem>>[vector<16xi32>, vector<16xi32>], vector<16xf32>,
        %gather3A_252 = tpu.vector_load_idx %arg9[%add3A_191, %broadcast_in_dim3A_250] : memref<80x128xf32, #tpu.memory_space<vmem>>[vector<16xi32>, vector<16xi32>], vector<16xf32>,
        %sub3A_253 = arith.subf %gather3A_251, %gather3A_252 : vector<16xf32>
        %add3A_254 = arith.constant 9.99999997E-7 : f32
        %add3A_255 = vector.broadcast %add3A_254 : f32 to vector<16xf32>
        %add3A_256 = arith.addf %sub3A_253, %add3A_255 : vector<16xf32>
        %mul3A_257 = arith.mulf %add3A_256, %add3A_256 : vector<16xf32>
        %add3A_258 = arith.addf %add3A_245, %mul3A_257 : vector<16xf32>
        %mul3A_259 = arith.constant 16 : i32
        %mul3A_260 = arith.muli %scan3A_232, %mul3A_259 : i32
        %add3A_261 = arith.constant 2 : i32
        %add3A_262 = arith.addi %mul3A_260, %add3A_261 : i32
        %broadcast_in_dim3A_263 = vector.broadcast %add3A_262 : i32 to vector<16xi32>
        %gather3A_264 = tpu.vector_load_idx %arg8[%add3A_191, %broadcast_in_dim3A_263] : memref<80x128xf32, #tpu.memory_space<vmem>>[vector<16xi32>, vector<16xi32>], vector<16xf32>,
        %gather3A_265 = tpu.vector_load_idx %arg9[%add3A_191, %broadcast_in_dim3A_263] : memref<80x128xf32, #tpu.memory_space<vmem>>[vector<16xi32>, vector<16xi32>], vector<16xf32>,
        %sub3A_266 = arith.subf %gather3A_264, %gather3A_265 : vector<16xf32>
        %add3A_267 = arith.constant 9.99999997E-7 : f32
        %add3A_268 = vector.broadcast %add3A_267 : f32 to vector<16xf32>
        %add3A_269 = arith.addf %sub3A_266, %add3A_268 : vector<16xf32>
        %mul3A_270 = arith.mulf %add3A_269, %add3A_269 : vector<16xf32>
        %add3A_271 = arith.addf %add3A_258, %mul3A_270 : vector<16xf32>
        %mul3A_272 = arith.constant 16 : i32
        %mul3A_273 = arith.muli %scan3A_232, %mul3A_272 : i32
        %add3A_274 = arith.constant 3 : i32
        %add3A_275 = arith.addi %mul3A_273, %add3A_274 : i32
        %broadcast_in_dim3A_276 = vector.broadcast %add3A_275 : i32 to vector<16xi32>
        %gather3A_277 = tpu.vector_load_idx %arg8[%add3A_191, %broadcast_in_dim3A_276] : memref<80x128xf32, #tpu.memory_space<vmem>>[vector<16xi32>, vector<16xi32>], vector<16xf32>,
        %gather3A_278 = tpu.vector_load_idx %arg9[%add3A_191, %broadcast_in_dim3A_276] : memref<80x128xf32, #tpu.memory_space<vmem>>[vector<16xi32>, vector<16xi32>], vector<16xf32>,
        %sub3A_279 = arith.subf %gather3A_277, %gather3A_278 : vector<16xf32>
        %add3A_280 = arith.constant 9.99999997E-7 : f32
        %add3A_281 = vector.broadcast %add3A_280 : f32 to vector<16xf32>
        %add3A_282 = arith.addf %sub3A_279, %add3A_281 : vector<16xf32>
        %mul3A_283 = arith.mulf %add3A_282, %add3A_282 : vector<16xf32>
        %add3A_284 = arith.addf %add3A_271, %mul3A_283 : vector<16xf32>
        %mul3A_285 = arith.constant 16 : i32
        %mul3A_286 = arith.muli %scan3A_232, %mul3A_285 : i32
        %add3A_287 = arith.constant 4 : i32
        %add3A_288 = arith.addi %mul3A_286, %add3A_287 : i32
        %broadcast_in_dim3A_289 = vector.broadcast %add3A_288 : i32 to vector<16xi32>
        %gather3A_290 = tpu.vector_load_idx %arg8[%add3A_191, %broadcast_in_dim3A_289] : memref<80x128xf32, #tpu.memory_space<vmem>>[vector<16xi32>, vector<16xi32>], vector<16xf32>,
        %gather3A_291 = tpu.vector_load_idx %arg9[%add3A_191, %broadcast_in_dim3A_289] : memref<80x128xf32, #tpu.memory_space<vmem>>[vector<16xi32>, vector<16xi32>], vector<16xf32>,
        %sub3A_292 = arith.subf %gather3A_290, %gather3A_291 : vector<16xf32>
        %add3A_293 = arith.constant 9.99999997E-7 : f32
        %add3A_294 = vector.broadcast %add3A_293 : f32 to vector<16xf32>
        %add3A_295 = arith.addf %sub3A_292, %add3A_294 : vector<16xf32>
        %mul3A_296 = arith.mulf %add3A_295, %add3A_295 : vector<16xf32>
        %add3A_297 = arith.addf %add3A_284, %mul3A_296 : vector<16xf32>
        %mul3A_298 = arith.constant 16 : i32
        %mul3A_299 = arith.muli %scan3A_232, %mul3A_298 : i32
        %add3A_300 = arith.constant 5 : i32
        %add3A_301 = arith.addi %mul3A_299, %add3A_300 : i32
        %broadcast_in_dim3A_302 = vector.broadcast %add3A_301 : i32 to vector<16xi32>
        %gather3A_303 = tpu.vector_load_idx %arg8[%add3A_191, %broadcast_in_dim3A_302] : memref<80x128xf32, #tpu.memory_space<vmem>>[vector<16xi32>, vector<16xi32>], vector<16xf32>,
        %gather3A_304 = tpu.vector_load_idx %arg9[%add3A_191, %broadcast_in_dim3A_302] : memref<80x128xf32, #tpu.memory_space<vmem>>[vector<16xi32>, vector<16xi32>], vector<16xf32>,
        %sub3A_305 = arith.subf %gather3A_303, %gather3A_304 : vector<16xf32>
        %add3A_306 = arith.constant 9.99999997E-7 : f32
        %add3A_307 = vector.broadcast %add3A_306 : f32 to vector<16xf32>
        %add3A_308 = arith.addf %sub3A_305, %add3A_307 : vector<16xf32>
        %mul3A_309 = arith.mulf %add3A_308, %add3A_308 : vector<16xf32>
        %add3A_310 = arith.addf %add3A_297, %mul3A_309 : vector<16xf32>
        %mul3A_311 = arith.constant 16 : i32
        %mul3A_312 = arith.muli %scan3A_232, %mul3A_311 : i32
        %add3A_313 = arith.constant 6 : i32
        %add3A_314 = arith.addi %mul3A_312, %add3A_313 : i32
        %broadcast_in_dim3A_315 = vector.broadcast %add3A_314 : i32 to vector<16xi32>
        %gather3A_316 = tpu.vector_load_idx %arg8[%add3A_191, %broadcast_in_dim3A_315] : memref<80x128xf32, #tpu.memory_space<vmem>>[vector<16xi32>, vector<16xi32>], vector<16xf32>,
        %gather3A_317 = tpu.vector_load_idx %arg9[%add3A_191, %broadcast_in_dim3A_315] : memref<80x128xf32, #tpu.memory_space<vmem>>[vector<16xi32>, vector<16xi32>], vector<16xf32>,
        %sub3A_318 = arith.subf %gather3A_316, %gather3A_317 : vector<16xf32>
        %add3A_319 = arith.constant 9.99999997E-7 : f32
        %add3A_320 = vector.broadcast %add3A_319 : f32 to vector<16xf32>
        %add3A_321 = arith.addf %sub3A_318, %add3A_320 : vector<16xf32>
        %mul3A_322 = arith.mulf %add3A_321, %add3A_321 : vector<16xf32>
        %add3A_323 = arith.addf %add3A_310, %mul3A_322 : vector<16xf32>
        %mul3A_324 = arith.constant 16 : i32
        %mul3A_325 = arith.muli %scan3A_232, %mul3A_324 : i32
        %add3A_326 = arith.constant 7 : i32
        %add3A_327 = arith.addi %mul3A_325, %add3A_326 : i32
        %broadcast_in_dim3A_328 = vector.broadcast %add3A_327 : i32 to vector<16xi32>
        %gather3A_329 = tpu.vector_load_idx %arg8[%add3A_191, %broadcast_in_dim3A_328] : memref<80x128xf32, #tpu.memory_space<vmem>>[vector<16xi32>, vector<16xi32>], vector<16xf32>,
        %gather3A_330 = tpu.vector_load_idx %arg9[%add3A_191, %broadcast_in_dim3A_328] : memref<80x128xf32, #tpu.memory_space<vmem>>[vector<16xi32>, vector<16xi32>], vector<16xf32>,
        %sub3A_331 = arith.subf %gather3A_329, %gather3A_330 : vector<16xf32>
        %add3A_332 = arith.constant 9.99999997E-7 : f32
        %add3A_333 = vector.broadcast %add3A_332 : f32 to vector<16xf32>
        %add3A_334 = arith.addf %sub3A_331, %add3A_333 : vector<16xf32>
        %mul3A_335 = arith.mulf %add3A_334, %add3A_334 : vector<16xf32>
        %add3A_336 = arith.addf %add3A_323, %mul3A_335 : vector<16xf32>
        %mul3A_337 = arith.constant 16 : i32
        %mul3A_338 = arith.muli %scan3A_232, %mul3A_337 : i32
        %add3A_339 = arith.constant 8 : i32
        %add3A_340 = arith.addi %mul3A_338, %add3A_339 : i32
        %broadcast_in_dim3A_341 = vector.broadcast %add3A_340 : i32 to vector<16xi32>
        %gather3A_342 = tpu.vector_load_idx %arg8[%add3A_191, %broadcast_in_dim3A_341] : memref<80x128xf32, #tpu.memory_space<vmem>>[vector<16xi32>, vector<16xi32>], vector<16xf32>,
        %gather3A_343 = tpu.vector_load_idx %arg9[%add3A_191, %broadcast_in_dim3A_341] : memref<80x128xf32, #tpu.memory_space<vmem>>[vector<16xi32>, vector<16xi32>], vector<16xf32>,
        %sub3A_344 = arith.subf %gather3A_342, %gather3A_343 : vector<16xf32>
        %add3A_345 = arith.constant 9.99999997E-7 : f32
        %add3A_346 = vector.broadcast %add3A_345 : f32 to vector<16xf32>
        %add3A_347 = arith.addf %sub3A_344, %add3A_346 : vector<16xf32>
        %mul3A_348 = arith.mulf %add3A_347, %add3A_347 : vector<16xf32>
        %add3A_349 = arith.addf %add3A_336, %mul3A_348 : vector<16xf32>
        %mul3A_350 = arith.constant 16 : i32
        %mul3A_351 = arith.muli %scan3A_232, %mul3A_350 : i32
        %add3A_352 = arith.constant 9 : i32
        %add3A_353 = arith.addi %mul3A_351, %add3A_352 : i32
        %broadcast_in_dim3A_354 = vector.broadcast %add3A_353 : i32 to vector<16xi32>
        %gather3A_355 = tpu.vector_load_idx %arg8[%add3A_191, %broadcast_in_dim3A_354] : memref<80x128xf32, #tpu.memory_space<vmem>>[vector<16xi32>, vector<16xi32>], vector<16xf32>,
        %gather3A_356 = tpu.vector_load_idx %arg9[%add3A_191, %broadcast_in_dim3A_354] : memref<80x128xf32, #tpu.memory_space<vmem>>[vector<16xi32>, vector<16xi32>], vector<16xf32>,
        %sub3A_357 = arith.subf %gather3A_355, %gather3A_356 : vector<16xf32>
        %add3A_358 = arith.constant 9.99999997E-7 : f32
        %add3A_359 = vector.broadcast %add3A_358 : f32 to vector<16xf32>
        %add3A_360 = arith.addf %sub3A_357, %add3A_359 : vector<16xf32>
        %mul3A_361 = arith.mulf %add3A_360, %add3A_360 : vector<16xf32>
        %add3A_362 = arith.addf %add3A_349, %mul3A_361 : vector<16xf32>
        %mul3A_363 = arith.constant 16 : i32
        %mul3A_364 = arith.muli %scan3A_232, %mul3A_363 : i32
        %add3A_365 = arith.constant 10 : i32
        %add3A_366 = arith.addi %mul3A_364, %add3A_365 : i32
        %broadcast_in_dim3A_367 = vector.broadcast %add3A_366 : i32 to vector<16xi32>
        %gather3A_368 = tpu.vector_load_idx %arg8[%add3A_191, %broadcast_in_dim3A_367] : memref<80x128xf32, #tpu.memory_space<vmem>>[vector<16xi32>, vector<16xi32>], vector<16xf32>,
        %gather3A_369 = tpu.vector_load_idx %arg9[%add3A_191, %broadcast_in_dim3A_367] : memref<80x128xf32, #tpu.memory_space<vmem>>[vector<16xi32>, vector<16xi32>], vector<16xf32>,
        %sub3A_370 = arith.subf %gather3A_368, %gather3A_369 : vector<16xf32>
        %add3A_371 = arith.constant 9.99999997E-7 : f32
        %add3A_372 = vector.broadcast %add3A_371 : f32 to vector<16xf32>
        %add3A_373 = arith.addf %sub3A_370, %add3A_372 : vector<16xf32>
        %mul3A_374 = arith.mulf %add3A_373, %add3A_373 : vector<16xf32>
        %add3A_375 = arith.addf %add3A_362, %mul3A_374 : vector<16xf32>
        %mul3A_376 = arith.constant 16 : i32
        %mul3A_377 = arith.muli %scan3A_232, %mul3A_376 : i32
        %add3A_378 = arith.constant 11 : i32
        %add3A_379 = arith.addi %mul3A_377, %add3A_378 : i32
        %broadcast_in_dim3A_380 = vector.broadcast %add3A_379 : i32 to vector<16xi32>
        %gather3A_381 = tpu.vector_load_idx %arg8[%add3A_191, %broadcast_in_dim3A_380] : memref<80x128xf32, #tpu.memory_space<vmem>>[vector<16xi32>, vector<16xi32>], vector<16xf32>,
        %gather3A_382 = tpu.vector_load_idx %arg9[%add3A_191, %broadcast_in_dim3A_380] : memref<80x128xf32, #tpu.memory_space<vmem>>[vector<16xi32>, vector<16xi32>], vector<16xf32>,
        %sub3A_383 = arith.subf %gather3A_381, %gather3A_382 : vector<16xf32>
        %add3A_384 = arith.constant 9.99999997E-7 : f32
        %add3A_385 = vector.broadcast %add3A_384 : f32 to vector<16xf32>
        %add3A_386 = arith.addf %sub3A_383, %add3A_385 : vector<16xf32>
        %mul3A_387 = arith.mulf %add3A_386, %add3A_386 : vector<16xf32>
        %add3A_388 = arith.addf %add3A_375, %mul3A_387 : vector<16xf32>
        %mul3A_389 = arith.constant 16 : i32
        %mul3A_390 = arith.muli %scan3A_232, %mul3A_389 : i32
        %add3A_391 = arith.constant 12 : i32
        %add3A_392 = arith.addi %mul3A_390, %add3A_391 : i32
        %broadcast_in_dim3A_393 = vector.broadcast %add3A_392 : i32 to vector<16xi32>
        %gather3A_394 = tpu.vector_load_idx %arg8[%add3A_191, %broadcast_in_dim3A_393] : memref<80x128xf32, #tpu.memory_space<vmem>>[vector<16xi32>, vector<16xi32>], vector<16xf32>,
        %gather3A_395 = tpu.vector_load_idx %arg9[%add3A_191, %broadcast_in_dim3A_393] : memref<80x128xf32, #tpu.memory_space<vmem>>[vector<16xi32>, vector<16xi32>], vector<16xf32>,
        %sub3A_396 = arith.subf %gather3A_394, %gather3A_395 : vector<16xf32>
        %add3A_397 = arith.constant 9.99999997E-7 : f32
        %add3A_398 = vector.broadcast %add3A_397 : f32 to vector<16xf32>
        %add3A_399 = arith.addf %sub3A_396, %add3A_398 : vector<16xf32>
        %mul3A_400 = arith.mulf %add3A_399, %add3A_399 : vector<16xf32>
        %add3A_401 = arith.addf %add3A_388, %mul3A_400 : vector<16xf32>
        %mul3A_402 = arith.constant 16 : i32
        %mul3A_403 = arith.muli %scan3A_232, %mul3A_402 : i32
        %add3A_404 = arith.constant 13 : i32
        %add3A_405 = arith.addi %mul3A_403, %add3A_404 : i32
        %broadcast_in_dim3A_406 = vector.broadcast %add3A_405 : i32 to vector<16xi32>
        %gather3A_407 = tpu.vector_load_idx %arg8[%add3A_191, %broadcast_in_dim3A_406] : memref<80x128xf32, #tpu.memory_space<vmem>>[vector<16xi32>, vector<16xi32>], vector<16xf32>,
        %gather3A_408 = tpu.vector_load_idx %arg9[%add3A_191, %broadcast_in_dim3A_406] : memref<80x128xf32, #tpu.memory_space<vmem>>[vector<16xi32>, vector<16xi32>], vector<16xf32>,
        %sub3A_409 = arith.subf %gather3A_407, %gather3A_408 : vector<16xf32>
        %add3A_410 = arith.constant 9.99999997E-7 : f32
        %add3A_411 = vector.broadcast %add3A_410 : f32 to vector<16xf32>
        %add3A_412 = arith.addf %sub3A_409, %add3A_411 : vector<16xf32>
        %mul3A_413 = arith.mulf %add3A_412, %add3A_412 : vector<16xf32>
        %add3A_414 = arith.addf %add3A_401, %mul3A_413 : vector<16xf32>
        %mul3A_415 = arith.constant 16 : i32
        %mul3A_416 = arith.muli %scan3A_232, %mul3A_415 : i32
        %add3A_417 = arith.constant 14 : i32
        %add3A_418 = arith.addi %mul3A_416, %add3A_417 : i32
        %broadcast_in_dim3A_419 = vector.broadcast %add3A_418 : i32 to vector<16xi32>
        %gather3A_420 = tpu.vector_load_idx %arg8[%add3A_191, %broadcast_in_dim3A_419] : memref<80x128xf32, #tpu.memory_space<vmem>>[vector<16xi32>, vector<16xi32>], vector<16xf32>,
        %gather3A_421 = tpu.vector_load_idx %arg9[%add3A_191, %broadcast_in_dim3A_419] : memref<80x128xf32, #tpu.memory_space<vmem>>[vector<16xi32>, vector<16xi32>], vector<16xf32>,
        %sub3A_422 = arith.subf %gather3A_420, %gather3A_421 : vector<16xf32>
        %add3A_423 = arith.constant 9.99999997E-7 : f32
        %add3A_424 = vector.broadcast %add3A_423 : f32 to vector<16xf32>
        %add3A_425 = arith.addf %sub3A_422, %add3A_424 : vector<16xf32>
        %mul3A_426 = arith.mulf %add3A_425, %add3A_425 : vector<16xf32>
        %add3A_427 = arith.addf %add3A_414, %mul3A_426 : vector<16xf32>
        %mul3A_428 = arith.constant 16 : i32
        %mul3A_429 = arith.muli %scan3A_232, %mul3A_428 : i32
        %add3A_430 = arith.constant 15 : i32
        %add3A_431 = arith.addi %mul3A_429, %add3A_430 : i32
        %broadcast_in_dim3A_432 = vector.broadcast %add3A_431 : i32 to vector<16xi32>
        %gather3A_433 = tpu.vector_load_idx %arg8[%add3A_191, %broadcast_in_dim3A_432] : memref<80x128xf32, #tpu.memory_space<vmem>>[vector<16xi32>, vector<16xi32>], vector<16xf32>,
        %gather3A_434 = tpu.vector_load_idx %arg9[%add3A_191, %broadcast_in_dim3A_432] : memref<80x128xf32, #tpu.memory_space<vmem>>[vector<16xi32>, vector<16xi32>], vector<16xf32>,
        %sub3A_435 = arith.subf %gather3A_433, %gather3A_434 : vector<16xf32>
        %add3A_436 = arith.constant 9.99999997E-7 : f32
        %add3A_437 = vector.broadcast %add3A_436 : f32 to vector<16xf32>
        %add3A_438 = arith.addf %sub3A_435, %add3A_437 : vector<16xf32>
        %mul3A_439 = arith.mulf %add3A_438, %add3A_438 : vector<16xf32>
        %add3A_440 = arith.addf %add3A_427, %mul3A_439 : vector<16xf32>
        scf.yield %add3A_440 : vector<16xf32>
      }
      %scan3A_199 = arith.constant 8 : i32
      %bitcast3A_200 = vector.bitcast %scan3A_198 : vector<16xf32> to vector<16xi32>
      %shift_right_arithmetic3A_201 = arith.constant 1 : i32
      %shift_right_arithmetic3A_202 = vector.broadcast %shift_right_arithmetic3A_201 : i32 to vector<16xi32>
      %shift_right_arithmetic3A_203 = arith.shrsi %bitcast3A_200, %shift_right_arithmetic3A_202 : vector<16xi32>
      %sub3A_204 = arith.constant 1597463007 : i32
      %sub3A_205 = vector.broadcast %sub3A_204 : i32 to vector<16xi32>
      %sub3A_206 = arith.subi %sub3A_205, %shift_right_arithmetic3A_203 : vector<16xi32>
      %bitcast3A_207 = vector.bitcast %sub3A_206 : vector<16xi32> to vector<16xf32>
      %mul3A_208 = arith.constant 5.000000e-01 : f32
      %mul3A_209 = vector.broadcast %mul3A_208 : f32 to vector<16xf32>
      %mul3A_210 = arith.mulf %mul3A_209, %scan3A_198 : vector<16xf32>
      %mul3A_211 = arith.mulf %mul3A_210, %bitcast3A_207 : vector<16xf32>
      %mul3A_212 = arith.mulf %mul3A_211, %bitcast3A_207 : vector<16xf32>
      %sub3A_213 = arith.constant 1.500000e+00 : f32
      %sub3A_214 = vector.broadcast %sub3A_213 : f32 to vector<16xf32>
      %sub3A_215 = arith.subf %sub3A_214, %mul3A_212 : vector<16xf32>
      %mul3A_216 = arith.mulf %bitcast3A_207, %sub3A_215 : vector<16xf32>
      %mul3A_217 = arith.mulf %mul3A_210, %mul3A_216 : vector<16xf32>
      %mul3A_218 = arith.mulf %mul3A_217, %mul3A_216 : vector<16xf32>
      %sub3A_219 = arith.constant 1.500000e+00 : f32
      %sub3A_220 = vector.broadcast %sub3A_219 : f32 to vector<16xf32>
      %sub3A_221 = arith.subf %sub3A_220, %mul3A_218 : vector<16xf32>
      %mul3A_222 = arith.mulf %mul3A_216, %sub3A_221 : vector<16xf32>
      %mul3A_223 = arith.mulf %mul3A_210, %mul3A_222 : vector<16xf32>
      %mul3A_224 = arith.mulf %mul3A_223, %mul3A_222 : vector<16xf32>
      %sub3A_225 = arith.constant 1.500000e+00 : f32
      %sub3A_226 = vector.broadcast %sub3A_225 : f32 to vector<16xf32>
      %sub3A_227 = arith.subf %sub3A_226, %mul3A_224 : vector<16xf32>
      %mul3A_228 = arith.mulf %mul3A_222, %sub3A_227 : vector<16xf32>
      %mul3A_229 = arith.mulf %scan3A_198, %mul3A_228 : vector<16xf32>
      %swap3A_230 = arith.constant 64 : index
      %swap3A_231 = tpu.vector_load %arg10[%swap3A_230] {strides = array<i32>} : memref<80xf32, #tpu.memory_space<vmem>>, vector<16xf32>,
      tpu.vector_store %arg10[%swap3A_230], %mul3A_229 {strides = array<i32>} : memref<80xf32, #tpu.memory_space<vmem>>, vector<16xf32>,
      "tpu.region"() ({
        %run_scoped3A = tpu.sem_alloc : memref<!tpu.dma_semaphore, #tpu.memory_space<semaphore_mem>>
        %dma_start3A_232 = tpu.memref_slice %arg5[%add3A_11] : memref<320000xf32, #tpu.memory_space<hbm>> -> memref<80xf32, #tpu.memory_space<hbm>>
        %dma_start3A_233 = tpu.memref_slice %arg5[%add3A_11] : memref<320000xf32, #tpu.memory_space<hbm>> -> memref<80xf32, #tpu.memory_space<hbm>>
        tpu.enqueue_dma source(%arg10 : memref<80xf32, #tpu.memory_space<vmem>>) target(%dma_start3A_233 : memref<80xf32, #tpu.memory_space<hbm>>) target_semaphore(%run_scoped3A : memref<!tpu.dma_semaphore, #tpu.memory_space<semaphore_mem>>)
        %dma_wait3A_234 = tpu.memref_slice %arg5[%add3A_11] : memref<320000xf32, #tpu.memory_space<hbm>> -> memref<80xf32, #tpu.memory_space<hbm>>
        %dma_wait3A_235 = tpu.memref_slice %arg5[%add3A_11] : memref<320000xf32, #tpu.memory_space<hbm>> -> memref<80xf32, #tpu.memory_space<hbm>>
        tpu.wait_dma2 semaphore(%run_scoped3A : memref<!tpu.dma_semaphore, #tpu.memory_space<semaphore_mem>>) src(%arg10 : memref<80xf32, #tpu.memory_space<vmem>>) dst(%dma_wait3A_235 : memref<80xf32, #tpu.memory_space<hbm>>)
        tpu.yield
      }) : () -> ()
    }
    %scan3A_7 = arith.constant 125 : i32
    return
  }
}

</mosaic_0001>

<sc_bundles>
// kernel: kernel.3.cloned.1.call-start
scs
__scs_entry_jumppad:
0x0: {  	(pc) =	sbr.rel $0x88, $3  }
0x1: {  	(tag) =	ssettag $0x0;
	lr =	simm.s32 $0x1  }
0x2: {  	[smem:$0x3F9F] =	sst lr;
	_ =	strace $0xD0000000  }
0x3: {  	_ = 	snop  }
0x4: {  	_ = 	snop  }
0x5: {  	_ = 	snop  }
0x6: {  	_ = 	snop  }
0x7: {  	_ = 	snop  }
__scs_overlays_trampoline_lowered:
0x8: {  	[smem:$0x3FAE] =	sst s0  }
0x9: {  	[smem:$0x3FAF] =	sst s1  }
0xa: {  	[smem:$0x3FB0] =	sst s2  }
0xb: {  	[smem:$0x3FB1] =	sst s3  }
0xc: {  	[smem:$0x3FB2] =	sst s4  }
0xd: {  	[smem:$0x3FB3] =	sst s5  }
0xe: {  	[smem:$0x3FB4] =	sst s6  }
0xf: {  	[smem:$0x3FB5] =	sst s7  }
0x10: {  	[smem:$0x3FB6] =	sst s8  }
0x11: {  	[smem:$0x3FB7] =	sst s9;
	s0 =	simm.s32 @!p0 $0x0  }
0x12: {  	s1 =	sld [smem:$0x3F9D];
	s0 =	simm.s32 @p0 $0x1  }
0x13: {  	[smem:$0x3FB8] =	sst s0;
	s0 =	simm.s32 @!p1 $0x0  }
0x14: {  	s2 =	sld [smem:$0x3F9C];
	s0 =	simm.s32 @p1 $0x1  }
0x15: {  	[smem:$0x3FB9] =	sst s0;
	s0 =	simm.s32 @!p2 $0x0  }
0x16: {  	s3 =	sld [smem:$0x3FDB];
	s0 =	simm.s32 @p2 $0x1  }
0x17: {  	s4 =	simm.s32 $0x1BF5;
	[smem:$0x3FBB] =	sst s0  }
0x18: {  	s0 =	sld [smem:$0x3F9E];
	_ =	swait.ge [sflag:s4], $0x0  }
0x19: {  	s7 =	sld [smem:$0x3F9F]  }
0x1a: {  	s8 =	sadd.s32 $0xFFFFE003, lr  }
0x1b: {  	s9 =	sadd.s32 $0xFFFFFEF7, lr;
	s5 =	simm.s32 $0xFFFFFFFF;
	p2 =	slt.u32 s8, $0xFFFFF086  }
0x1c: {  	p1 =	slt.u32 s9, $0xF7A;
	s5 =	simm.s32 @!p2 $0x0  }
0x1d: {  	s5 =	simm.s32 @p1 $0x1;
	p0 =	seq.s32 s7, s2  }
0x1e: {  	s7 =	smul.u32 @!p0 $0xF7A, s2;
	p2 =	seq.s32 @!p0 s5, $0x0  }
0x1f: {  	s9 =	smul.u32 $0xF7A, s1;
	s8 =	simm.s32 @!p0 $0x1BF5;
	p2 =	por !p2, p0  }
0x20: {  	[sflag:s8] =	ssyncset.s32 @!p0 $0xFFFFF086;
	s6 =	sadd.s32 @!p0 s3, s7;
	s7 =	simm.s32 @!p0 $0x108  }
0x21: {  	s3 =	sadd.s32 s3, s9;
	s6 =	sadd.s32 @!p0 $0x88, s6;
	s7 =	simm.s32 @p2 $0x1082  }
0x22: {  	[simem:s7], [sflag:s8] =	dma.local @!p0 [hbm:s6], $0xF7A  }
0x23: {  	s9 =	sor.u32 $0xD0000000, s2;
	s6 =	simm.s32 $0x108;
	_ =	swait.ge @!p0 [sflag:s8], $0x0  }
0x24: {  	s3 =	sadd.s32 $0x88, s3;
	s6 =	simm.s32 @!p1 $0x1082;
	[sflag:s4] =	ssyncset.s32 $0xFFFFF086  }
0x25: {  	[simem:s6], [sflag:s4] =	dma.local [hbm:s3], $0xF7A  }
0x26: {  	[smem:$0x3F9F] =	sst s1;
	(tag) =	ssettag s2;
	_ =	strace s9  }
0x27: {  	s1 =	sld [smem:$0x3FAF]  }
0x28: {  	s2 =	sld [smem:$0x3FB0]  }
0x29: {  	s4 =	sld [smem:$0x3FB2]  }
0x2a: {  	p0 =	seq.s32 s5, $0x0;
	s5 =	sld [smem:$0x3FB3]  }
0x2b: {  	s6 =	sld [smem:$0x3FB4]  }
0x2c: {  	s7 =	sld [smem:$0x3FB5]  }
0x2d: {  	s3 =	simm.s32 $0x108;
	s8 =	sld [smem:$0x3FB6]  }
0x2e: {  	s3 =	simm.s32 @!p0 $0x1082;
	s9 =	sld [smem:$0x3FB7]  }
0x2f: {  	lr =	sadd.s32 s0, s3;
	s0 =	sld [smem:$0x3FAE]  }
0x30: {  	s3 =	sld [smem:$0x3FB1]  }
0x31: {  	[smem:$0x3FBA] =	sst s10  }
0x32: {  	s10 =	sld [smem:$0x3FB8];
	_ =	sdelay $0x3  }
0x33: {  	p0 =	seq.s32 s10, $0x1;
	s10 =	sld [smem:$0x3FBA];
	_ =	sdelay $0x3  }
0x34: {  	[smem:$0x3FBA] =	sst s10  }
0x35: {  	s10 =	sld [smem:$0x3FB9];
	_ =	sdelay $0x3  }
0x36: {  	p1 =	seq.s32 s10, $0x1;
	s10 =	sld [smem:$0x3FBA];
	_ =	sdelay $0x3  }
0x37: {  	[smem:$0x3FBA] =	sst s10  }
0x38: {  	s10 =	sld [smem:$0x3FBB]  }
0x39: {  	_ = 	snop;
	(pc) =	sbr.ind lr, $3  }
0x3a: {  	_ = 	snop  }
0x3b: {  	_ = 	snop  }
0x3c: {  	p2 =	seq.s32 s10, $0x1;
	s10 =	sld [smem:$0x3FBA]  }
0x3d: {  	_ =	shalt  }
0x3e: {  	_ =	shalt  }
0x3f: {  	_ =	shalt  }
0x40: {  	_ =	shalt  }
0x41: {  	_ =	shalt  }
0x42: {  	_ =	shalt  }
0x43: {  	_ =	shalt  }
0x44: {  	_ =	shalt  }
0x45: {  	_ =	shalt  }
0x46: {  	_ =	shalt  }
0x47: {  	_ =	shalt  }
0x48: {  	_ =	shalt  }
0x49: {  	_ =	shalt  }
0x4a: {  	_ =	shalt  }
0x4b: {  	_ =	shalt  }
0x4c: {  	_ =	shalt  }
0x4d: {  	_ =	shalt  }
0x4e: {  	_ =	shalt  }
0x4f: {  	_ =	shalt  }
0x50: {  	_ =	shalt  }
0x51: {  	_ =	shalt  }
0x52: {  	_ =	shalt  }
0x53: {  	_ =	shalt  }
0x54: {  	_ =	shalt  }
0x55: {  	_ =	shalt  }
0x56: {  	_ =	shalt  }
0x57: {  	_ =	shalt  }
0x58: {  	_ =	shalt  }
0x59: {  	_ =	shalt  }
0x5a: {  	_ =	shalt  }
0x5b: {  	_ =	shalt  }
0x5c: {  	_ =	shalt  }
0x5d: {  	_ =	shalt  }
0x5e: {  	_ =	shalt  }
0x5f: {  	_ =	shalt  }
0x60: {  	_ =	shalt  }
0x61: {  	_ =	shalt  }
0x62: {  	_ =	shalt  }
0x63: {  	_ =	shalt  }
0x64: {  	_ =	shalt  }
0x65: {  	_ =	shalt  }
0x66: {  	_ =	shalt  }
0x67: {  	_ =	shalt  }
0x68: {  	_ =	shalt  }
0x69: {  	_ =	shalt  }
0x6a: {  	_ =	shalt  }
0x6b: {  	_ =	shalt  }
0x6c: {  	_ =	shalt  }
0x6d: {  	_ =	shalt  }
0x6e: {  	_ =	shalt  }
0x6f: {  	_ =	shalt  }
0x70: {  	_ =	shalt  }
0x71: {  	_ =	shalt  }
0x72: {  	_ =	shalt  }
0x73: {  	_ =	shalt  }
0x74: {  	_ =	shalt  }
0x75: {  	_ =	shalt  }
0x76: {  	_ =	shalt  }
0x77: {  	_ =	shalt  }
0x78: {  	_ =	shalt  }
0x79: {  	_ =	shalt  }
0x7a: {  	_ =	shalt  }
0x7b: {  	_ =	shalt  }
0x7c: {  	_ =	shalt  }
0x7d: {  	_ =	shalt  }
0x7e: {  	_ =	shalt  }
0x7f: {  	_ =	shalt  }
0x80: {  	_ =	shalt  }
0x81: {  	_ =	shalt  }
0x82: {  	_ =	shalt  }
0x83: {  	_ =	shalt  }
0x84: {  	_ =	shalt  }
0x85: {  	_ =	shalt  }
0x86: {  	_ =	shalt  }
0x87: {  	_ =	shalt  }
.Lfunc_end0:
.L_simem_size_0:
called_computation_lowered:
.L_overlay_start_0:
0x88: {  	s2 =	sld [smem:$0x3FD9]  }
0x89: {  	s3 =	sld [smem:$0x3FFE];
	_ =	sdelay $0x1  }
0x8a: {  	s1 =	srdreg.scid  }
0x8b: {  	s0 =	sand.u32 $0x1, s1  }
0x8c: {  	s17 =	sshll.u32 s0, $0xA;
	s2 =	sadd.s32 s3, s2  }
0x8d: {  	s2 =	sadd.s32 s2, s17  }
0x8e: {  	[smem:$0x3FC6] =	sst s2  }
0x8f: {  	_ = 	snop  }
0x90: {  	s2 =	sld [smem:$0x3FC9]  }
0x91: {  	s18 =	sld [smem:$0x3FD0];
	(tm) =	ssettm $0x1  }
0x92: {  	s4 =	sld [smem:$0x3FFB];
	_ =	sdelay $0x3  }
0x93: {  	_ =	strace s4  }
0x94: {  	s4 =	sld [smem:$0x3FFC];
	_ =	sdelay $0x3  }
0x95: {  	_ =	strace s4  }
0x96: {  	s4 =	sld [smem:$0x3FFD];
	_ =	sdelay $0x3  }
0x97: {  	_ =	strace s4  }
0x98: {  	_ =	strace $0x8FFFFFFF  }
0x99: {  	s19 =	sld [smem:$0x3FDB];
	_ =	sdelay $0x1  }
0x9a: {  	s5 =	simm.s32 $_scs_section_size  }
0x9b: {  	s6 =	simm.s32 $_size__tile_overlayer_lowered;
	s7 =	simm.s32 $_tile_overlayer_lowered  }
0x9c: {  	s22 =	simm.s32 $0x1BFF;
	s21 =	sshll.u32 s7, $0x1;
	s4 =	sadd.s32 s5, s19  }
0x9d: {  	s8 =	simm.s32 $0x0;
	s20 =	sshll.u32 s6, $0x1;
	s6 =	sadd.s32 s21, s4  }
0x9e: {  	[timem:s8], [sflag:s22] =	dma.local [hbm:s6], s20  }
0x9f: {  	_ =	swait.ge [sflag:s22], s20  }
0xa0: {  	s5 =	ssub.s32 $0x0, s20;
	[sflag:s22] =	ssyncset.done $0x0  }
0xa1: {  	[sflag:s22] =	ssyncadd.s32 s5;
	_ =	sdelay $0x1  }
0xa2: {  	s23 =	simm.s32 $0x1B8B  }
0xa3: {  	_ =	swait.ge [sflag:s23], $0x1  }
0xa4: {  	[sflag:s23] =	ssyncset.done $0x0  }
0xa5: {  	s25 =	simm.s32 $0x1B8E;
	s24 =	sld [smem:$0x3FFE];
	[sflag:s23] =	ssyncadd.s32 $0xFFFFFFFF  }
0xa6: {  	s26 =	simm.s32 $execute0_lowered;
	[smem:$0x3FD2] =	sst s25  }
0xa7: {  	s6 =	sshll.u32 s26, $0x1;
	_ =	strace $0x80000046;
	[dreg:$0x1] =	wrdreg $0xFFFFFFFF  }
0xa8: {  	s28 =	simm.s32 $_size_execute0_lowered;
	s4 =	sadd.s32 s4, s6;
	[dreg:$0x0] =	wrdreg $0x0  }
0xa9: {  	s6 =	sshll.u32 s28, $0x1;
	[dreg:$0x2] =	wrdreg s4  }
0xaa: {  	[dreg:$0x3] =	wrdreg s6  }
0xab: {  	[dreg:$0x4] =	wrdreg $0xC0  }
0xac: {  	_ =	task [dreg:s8], $0x5FFFF  }
0xad: {  	[dreg:$0x1] =	wrdreg $0xFFFFFFFF  }
0xae: {  	[dreg:$0x0] =	wrdreg $0x60  }
0xaf: {  	[dreg:$0x2] =	wrdreg s2  }
0xb0: {  	[dreg:$0x3] =	wrdreg s24  }
0xb1: {  	[dreg:$0x4] =	wrdreg s18  }
0xb2: {  	[dreg:$0x5] =	wrdreg $0x9  }
0xb3: {  	_ =	task.clear_ibuf [dreg:s8], $0x6FFFF;
	_ =	strace $0x90000046  }
0xb4: {  	s29 =	simm.s32 $0x9;
	_ =	strace $0x80000048  }
0xb5: {  	_ =	swait.ge [sflag:s29], $0x1  }
0xb6: {  	[sflag:s29] =	ssyncadd.s32 $0xFFFFFFFF  }
0xb7: {  	_ =	strace $0x90000048  }
0xb8: {  	_ =	sfence  }
0xb9: {  	s30 =	sld [smem:$0x0];
	_ =	sdelay $0x2  }
0xba: {  	s31 =	sshll.u32 s1, $0xD;
	s1 =	sshrl.u32 s1, $0x2  }
0xbb: {  	s3 =	sand.u32 $0x4000, s31;
	s1 =	sadd.s32 s1, s30  }
0xbc: {  	s0 =	sor.u32 s3, s0;
	s1 =	sshll.u32 s1, $0x11  }
0xbd: {  	s0 =	sor.u32 s1, s0  }
0xbe: {  	s0 =	sadd.s32 $0x8F2B, s0  }
0xbf: {  	[sflag:s0] =	ssyncadd.remote.s32 $0x1  }
0xc0: {  	_ =	sfence.sel $0xFFFF  }
0xc1: {  	[dreg:$0x0] =	wrdreg $0xFFFFFFFF;
	(pc) =	sbr.abs _section_cstart, $3  }
0xc2: {  	[dreg:$0x1] =	wrdreg $0xFFFFFFFF  }
0xc3: {  	_ =	task.clear_ibuf [dreg:s8], $0x2FFFF;
	_ =	strace $0x9FFFFFFF  }
0xc4: {  	(tm) =	ssettm $0x7FFFFFFF  }
0xc5: {  	_ =	shalt  }
tec
execute0_lowered:
.L_overlay_start_1:
0x0: {  	(tag) =	ssettag $0x1  }
0x1: {  	s1 =	rddreg [dreg:$0x0]  }
0x2: {  	s2 =	rddreg [dreg:$0x1]  }
0x3: {  	s3 =	rddreg [dreg:$0x2]  }
0x4: {  	s4 =	srdreg.scid;
	s0 =	rddreg [dreg:$0x3];
	s5 =	simm.s32 $0x0  }
0x5: {  	s10 =	simm.s32 $0x80;
	s11 =	simm.s32 $0x50;
	s12 =	simm.s32 $0x100  }
0x6: {  	s13 =	simm.s32 $0x2900;
	s14 =	simm.s32 $0x1;
	s15 =	simm.s32 $0x2  }
0x7: {  	s16 =	simm.s32 $0x5100;
	s17 =	simm.s32 $0x0;
	s6 =	sand.u32 $0x1, s4  }
0x8: {  	v0 =	vlaneseq.u32;
	s4 =	stileid.u32;
	[smem:$0x7FF] =	sst s5;
	s7 =	ssub.s32 $0x2, s6  }
0x9: {  	v0 =	vmul.u32 $0x80, v0;
	s9 =	sshll.u32 s4, $0x1;
	_ =	strace $0x80000047;
	s8 =	sshrl.u32 s7, $0x1  }
0xa: {  	s31 =	sor.u32 s6, s9;
	s6 =	sadd.s32 $0x9E00, s2;
	s8 =	ssub.s32 s7, s8  }
0xb: {  	s9 =	simm.s32 $0x3;
	v1 =	vor.u32 $0x800, v0;
	s7 =	smul.u32 $0x2710, s31;
	s8 =	smax.u32 s8, $0x1  }
.LBB2_1:
0xc: {  	s18 =	simm.s32 $0x0  }
.LBB2_2:
0xd: {  	s19 =	smul.u32 $0x50, s18;
	_ =	sdelay $0x1  }
0xe: {  	s19 =	sadd.s32 s7, s19  }
0xf: {  	s19 =	sshrl.u32 s19, $0x3  }
0x10: {  	s20 =	sadd.s32 s6, s19  }
0x11: {  	[tilespmem:s5], [sflag:$0x3] =	stream.linear.gather [hbm4b:s20+s5], $0x50, $0x38;
	[tilespmem:$0x5180] =	vst v63  }
0x12: {  	_ =	swait.ge [sflag:s9], $0x50  }
0x13: {  	[sflag:s9] =	ssyncset.done $0x0  }
0x14: {  	s31 =	sadd.s32 s2, s19;
	[sflag:s9] =	ssyncadd.s32 $0xFFFFFFB0  }
0x15: {  	[tilespmem:s10], [sflag:$0x3] =	stream.linear.gather [hbm4b:s31+s5], $0x50, $0x38;
	[tilespmem:$0x5180] =	vst v63  }
0x16: {  	_ =	swait.ge [sflag:s9], $0x50  }
0x17: {  	[sflag:s9] =	ssyncset.done $0x0  }
0x18: {  	s22 =	simm.s32 $0x0;
	[sflag:s9] =	ssyncadd.s32 $0xFFFFFFB0  }
0x19: {  	v3 =	vmov s22;
	[tilespmem:s12], [sflag:$0x1] =	stream.indirect.gather [hbm4b:s1+s11], $0x80, s5, s11, $0xb8;
	[tilespmem:$0x5180] =	vst v63  }
0x1a: {  	s21 =	simm.s32 $0x3;
	s23 =	simm.s32 $0x1;
	v3 =	vand.u32 $0x70, v3  }
0x1b: {  	v4 =	vmov s23;
	v3 =	vbroadcast v3, $0x0;
	[tilespmem:s13], [sflag:$0x2] =	stream.indirect.gather [hbm4b:s1+s11], $0x80, s10, s11, $0xb8;
	[tilespmem:$0x5180] =	vst v63  }
0x1c: {  	v2 =	vmov s21;
	s21 =	simm.s32 $0x2;
	v4 =	vand.u32 $0x71, v4;
	_ =	swait.ge [sflag:s14], $0x2800  }
0x1d: {  	v5 =	vmov s21;
	v4 =	vbroadcast v4, $0x0;
	v3 =	vor.u32 v0, v3;
	[sflag:s14] =	ssyncset.done $0x0  }
0x1e: {  	v6 =	vimm.f32 $0.0e+00;
	s24 =	simm.s32 $0xF;
	v5 =	vand.u32 $0x72, v5;
	[sflag:s14] =	ssyncadd.s32 $0xFFFFD800  }
0x1f: {  	s25 =	simm.s32 $0x4;
	s26 =	simm.s32 $0xE;
	v7 =	vmov s24;
	v5 =	vbroadcast v5, $0x0;
	v4 =	vor.u32 v0, v4;
	_ =	swait.ge [sflag:s15], $0x2800  }
0x20: {  	s28 =	simm.s32 $0xD;
	v8 =	vmov s25;
	v9 =	vmov s26;
	v2 =	vand.u32 $0x73, v2;
	[sflag:s15] =	ssyncset.done $0x0  }
0x21: {  	s29 =	simm.s32 $0x5;
	s30 =	simm.s32 $0xB;
	v11 =	vmov s28;
	v2 =	vbroadcast v2, $0x0;
	v5 =	vor.u32 v0, v5;
	[sflag:s15] =	ssyncadd.s32 $0xFFFFD800  }
0x22: {  	v12 =	vmov s29;
	v14 =	vmov s30;
	v8 =	vand.u32 $0x74, v8;
	v13 =	vld.idx.msk [tilespmem:v3+s12+$0x0], $0xffff  }
0x23: {  	s22 =	simm.s32 $0x6;
	s23 =	simm.s32 $0x9;
	s24 =	simm.s32 $0xA;
	v12 =	vand.u32 $0x75, v12;
	v8 =	vbroadcast v8, $0x0;
	v2 =	vor.u32 v0, v2;
	v3 =	vld.idx.msk [tilespmem:v3+s13+$0x0], $0xffff  }
0x24: {  	s25 =	simm.s32 $0x7;
	v16 =	vmov s22;
	v18 =	vmov s23;
	v19 =	vmov s24;
	v17 =	vld.idx.msk [tilespmem:v4+s12+$0x0], $0xffff  }
0x25: {  	s26 =	simm.s32 $0x8;
	v20 =	vmov s25;
	v12 =	vbroadcast v12, $0x0;
	v8 =	vor.u32 v0, v8;
	v4 =	vld.idx.msk [tilespmem:v4+s13+$0x0], $0xffff  }
0x26: {  	v22 =	vmov s26;
	v9 =	vand.u32 $0x7E, v9;
	v16 =	vand.u32 $0x76, v16;
	v21 =	vld.idx.msk [tilespmem:v5+s12+$0x0], $0xffff  }
0x27: {  	v20 =	vand.u32 $0x77, v20;
	v16 =	vbroadcast v16, $0x0;
	v12 =	vor.u32 v0, v12;
	v5 =	vld.idx.msk [tilespmem:v5+s13+$0x0], $0xffff  }
0x28: {  	v11 =	vand.u32 $0x7D, v11;
	v14 =	vand.u32 $0x7B, v14;
	v20 =	vbroadcast v20, $0x0;
	v10 =	vld.idx.msk [tilespmem:v2+s12+$0x0], $0xffff  }
0x29: {  	v55 =	vand.u32 $0x79, v18;
	v16 =	vor.u32 v0, v16;
	v2 =	vld.idx.msk [tilespmem:v2+s13+$0x0], $0xffff;
	v3 =	vsub.f32 v13, v3  }
0x2a: {  	v19 =	vand.u32 $0x7A, v19;
	v20 =	vor.u32 v0, v20;
	v54 =	vld.idx.msk [tilespmem:v8+s12+$0x0], $0xffff;
	v13 =	vand.u32 $0x78, v22  }
0x2b: {  	v8 =	vld.idx.msk [tilespmem:v8+s13+$0x0], $0xffff;
	v4 =	vsub.f32 v17, v4;
	v13 =	vbroadcast v13, $0x0;
	v3 =	vadd.f32 $9.999999970e-07, v3  }
0x2c: {  	v14 =	vbroadcast v14, $0x0;
	v56 =	vld.idx.msk [tilespmem:v12+s12+$0x0], $0xffff;
	v17 =	vbroadcast v55, $0x0;
	v5 =	vsub.f32 v21, v5  }
0x2d: {  	v12 =	vld.idx.msk [tilespmem:v12+s13+$0x0], $0xffff;
	v4 =	vadd.f32 $9.999999970e-07, v4;
	v13 =	vor.u32 v0, v13;
	v3 =	vmul.f32 v3, v3  }
0x2e: {  	v58 =	vbroadcast v19, $0x0;
	v57 =	vld.idx.msk [tilespmem:v16+s12+$0x0], $0xffff;
	v2 =	vsub.f32 v10, v2;
	v10 =	vor.u32 v0, v17  }
0x2f: {  	s31 =	simm.s32 $0xC;
	v16 =	vld.idx.msk [tilespmem:v16+s13+$0x0], $0xffff;
	v5 =	vadd.f32 $9.999999970e-07, v5;
	v4 =	vmul.f32 v4, v4;
	v3 =	vadd.f32 v3, v6  }
0x30: {  	v14 =	vor.u32 v0, v14;
	v15 =	vmov s31;
	v59 =	vld.idx.msk [tilespmem:v20+s13+$0x0], $0xffff;
	v8 =	vsub.f32 v54, v8  }
0x31: {  	v2 =	vadd.f32 $9.999999970e-07, v2;
	v6 =	vld.idx.msk [tilespmem:v20+s12+$0x0], $0xffff;
	v3 =	vadd.f32 v4, v3;
	v4 =	vmul.f32 v5, v5  }
0x32: {  	v15 =	vand.u32 $0x7C, v15;
	v12 =	vsub.f32 v56, v12;
	v17 =	vor.u32 v0, v58;
	v5 =	vld.idx.msk [tilespmem:v13+s12+$0x0], $0xffff  }
0x33: {  	v2 =	vmul.f32 v2, v2;
	v13 =	vld.idx.msk [tilespmem:v13+s13+$0x0], $0xffff;
	v3 =	vadd.f32 v4, v3;
	v4 =	vadd.f32 $9.999999970e-07, v8  }
0x34: {  	v7 =	vand.u32 $0x7F, v7;
	v15 =	vbroadcast v15, $0x0;
	v16 =	vsub.f32 v57, v16;
	v8 =	vld.idx.msk [tilespmem:v10+s12+$0x0], $0xffff  }
0x35: {  	v10 =	vld.idx.msk [tilespmem:v10+s13+$0x0], $0xffff;
	v2 =	vadd.f32 v2, v3;
	v3 =	vmul.f32 v4, v4;
	v4 =	vadd.f32 $9.999999970e-07, v12  }
0x36: {  	v11 =	vbroadcast v11, $0x0;
	v15 =	vor.u32 v0, v15;
	v6 =	vsub.f32 v6, v59  }
0x37: {  	v60 =	vld.idx.msk [tilespmem:v14+s12+$0x0], $0xffff;
	v2 =	vadd.f32 v3, v2;
	v3 =	vmul.f32 v4, v4;
	v4 =	vadd.f32 $9.999999970e-07, v16  }
0x38: {  	v9 =	vbroadcast v9, $0x0;
	v11 =	vor.u32 v0, v11;
	v12 =	vld.idx.msk [tilespmem:v17+s12+$0x0], $0xffff;
	v5 =	vsub.f32 v5, v13  }
0x39: {  	v17 =	vld.idx.msk [tilespmem:v17+s13+$0x0], $0xffff;
	v2 =	vadd.f32 v3, v2;
	v3 =	vmul.f32 v4, v4;
	v4 =	vadd.f32 $9.999999970e-07, v6  }
0x3a: {  	v9 =	vor.u32 v0, v9;
	v13 =	vld.idx.msk [tilespmem:v14+s13+$0x0], $0xffff;
	v8 =	vsub.f32 v8, v10;
	v6 =	vbroadcast v7, $0x0  }
0x3b: {  	v10 =	vld.idx.msk [tilespmem:v15+s13+$0x0], $0xffff;
	v5 =	vadd.f32 $9.999999970e-07, v5;
	v3 =	vadd.f32 v3, v2;
	v4 =	vmul.f32 v4, v4  }
0x3c: {  	v7 =	vld.idx.msk [tilespmem:v15+s12+$0x0], $0xffff;
	v6 =	vor.u32 v0, v6  }
0x3d: {  	s29 =	simm.s32 $0x13;
	s30 =	simm.s32 $0x10;
	v15 =	vld.idx.msk [tilespmem:v11+s12+$0x0], $0xffff;
	v5 =	vmul.f32 v5, v5;
	v8 =	vadd.f32 $9.999999970e-07, v8;
	v4 =	vadd.f32 v4, v3  }
0x3e: {  	v61 =	vmov s29;
	v63 =	vmov s30;
	s20 =	simm.s32 $0x1F;
	v11 =	vld.idx.msk [tilespmem:v11+s13+$0x0], $0xffff;
	v12 =	vsub.f32 v12, v17  }
0x3f: {  	v62 =	vld.idx.msk [tilespmem:v9+s13+$0x0], $0xffff;
	v14 =	vmov s20;
	v4 =	vadd.f32 v5, v4;
	v5 =	vmul.f32 v8, v8  }
0x40: {  	s31 =	simm.s32 $0x11;
	v2 =	vand.u32 $0x7F, v14;
	v14 =	vld.idx.msk [tilespmem:v9+s12+$0x0], $0xffff;
	v13 =	vsub.f32 v60, v13;
	v8 =	vadd.f32 $9.999999970e-07, v12  }
0x41: {  	v17 =	vand.u32 $0x73, v61;
	v9 =	vmov s31;
	v12 =	vadd.f32 v5, v4;
	v5 =	vld.idx.msk [tilespmem:v6+s12+$0x0], $0xffff  }
0x42: {  	s28 =	simm.s32 $0x12;
	v13 =	vadd.f32 $9.999999970e-07, v13;
	v10 =	vsub.f32 v7, v10;
	v8 =	vmul.f32 v8, v8;
	v6 =	vld.idx.msk [tilespmem:v6+s13+$0x0], $0xffff  }
0x43: {  	v3 =	vmov s28;
	v7 =	vsub.f32 v15, v11;
	v4 =	vand.u32 $0x71, v9  }
0x44: {  	v9 =	vadd.f32 v8, v12;
	v12 =	vmul.f32 v13, v13;
	v13 =	vadd.f32 $9.999999970e-07, v10  }
0x45: {  	s21 =	simm.s32 $0x2F;
	v11 =	vbroadcast v17, $0x0;
	v10 =	vand.u32 $0x70, v63;
	v8 =	vsub.f32 v14, v62  }
.LBB2_3:
0x46: {  	p0 =	sne.s32 s21, $0x7F;
	v9 =	vadd.f32 v12, v9;
	v12 =	vmul.f32 v13, v13;
	v7 =	vadd.f32 $9.999999970e-07, v7  }
0x47: {  	v10 =	vbroadcast v10, $0x0;
	v5 =	vsub.f32 v5, v6;
	v11 =	vor.u32 v0, v11  }
0x48: {  	v8 =	vadd.f32 $9.999999970e-07, v8;
	v6 =	vadd.f32 v12, v9;
	v7 =	vmul.f32 v7, v7  }
0x49: {  	v4 =	vbroadcast v4, $0x0;
	v3 =	vand.u32 $0x72, v3;
	v9 =	vor.u32 v0, v10  }
0x4a: {  	s22 =	sadd.s32 $0xFFFFFFFF, s20;
	v5 =	vadd.f32 $9.999999970e-07, v5;
	v6 =	vadd.f32 v7, v6;
	v7 =	vmul.f32 v8, v8  }
0x4b: {  	s23 =	sadd.s32 $0xFFFFFFF5, s20;
	v3 =	vbroadcast v3, $0x0;
	v4 =	vor.u32 v0, v4;
	v8 =	vmov s22  }
0x4c: {  	v10 =	vmov s23;
	s22 =	sadd.s32 $0xFFFFFFFE, s20;
	v5 =	vmul.f32 v5, v5;
	v6 =	vadd.f32 v7, v6  }
0x4d: {  	s23 =	sadd.s32 $0xFFFFFFF6, s20;
	v3 =	vor.u32 v0, v3;
	v10 =	vand.u32 $0x74, v10;
	v12 =	vmov s22;
	v7 =	vld.idx.msk [tilespmem:v11+s12+$0x0], $0xffff  }
0x4e: {  	v14 =	vmov s23;
	s23 =	sadd.s32 $0xFFFFFFFD, s20;
	v10 =	vbroadcast v10, $0x0;
	s22 =	sadd.s32 $0xFFFFFFFC, s20;
	v13 =	vld.idx.msk [tilespmem:v9+s12+$0x0], $0xffff;
	v5 =	vadd.f32 v5, v6  }
0x4f: {  	s24 =	sadd.s32 $0xFFFFFFF7, s20;
	v15 =	vmov s23;
	v6 =	vld.idx.msk [tilespmem:v9+s13+$0x0], $0xffff;
	v9 =	vand.u32 $0x75, v14;
	v14 =	vmov s22  }
0x50: {  	v17 =	vmov s24;
	s23 =	sadd.s32 $0xFFFFFFFB, s20;
	v10 =	vor.u32 v0, v10;
	s22 =	sadd.s32 $0xFFFFFFFA, s20;
	v16 =	vld.idx.msk [tilespmem:v4+s12+$0x0], $0xffff;
	v9 =	vbroadcast v9, $0x0  }
0x51: {  	s24 =	sadd.s32 $0xFFFFFFF8, s20;
	v17 =	vand.u32 $0x76, v17;
	v19 =	vmov s23;
	v18 =	vmov s22;
	v4 =	vld.idx.msk [tilespmem:v4+s13+$0x0], $0xffff  }
0x52: {  	v21 =	vmov s24;
	v17 =	vbroadcast v17, $0x0;
	s22 =	sadd.s32 $0xFFFFFFF9, s20;
	s20 =	smov.u32 s21;
	v20 =	vld.idx.msk [tilespmem:v3+s12+$0x0], $0xffff;
	v9 =	vor.u32 v0, v9  }
0x53: {  	v21 =	vand.u32 $0x77, v21;
	v8 =	vand.u32 $0x7E, v8;
	v22 =	vmov s22;
	v3 =	vld.idx.msk [tilespmem:v3+s13+$0x0], $0xffff  }
0x54: {  	v21 =	vbroadcast v21, $0x0;
	v17 =	vor.u32 v0, v17;
	v12 =	vand.u32 $0x7D, v12;
	v11 =	vld.idx.msk [tilespmem:v11+s13+$0x0], $0xffff  }
0x55: {  	v15 =	vand.u32 $0x7C, v15;
	v22 =	vand.u32 $0x78, v22;
	v6 =	vsub.f32 v13, v6;
	v13 =	vld.idx.msk [tilespmem:v10+s12+$0x0], $0xffff  }
0x56: {  	v21 =	vor.u32 v0, v21;
	v14 =	vand.u32 $0x7B, v14;
	v22 =	vbroadcast v22, $0x0;
	v10 =	vld.idx.msk [tilespmem:v10+s13+$0x0], $0xffff  }
0x57: {  	v18 =	vand.u32 $0x79, v18;
	v6 =	vadd.f32 $9.999999970e-07, v6;
	v4 =	vsub.f32 v16, v4;
	v16 =	vld.idx.msk [tilespmem:v9+s12+$0x0], $0xffff  }
0x58: {  	v19 =	vand.u32 $0x7A, v19;
	v18 =	vbroadcast v18, $0x0;
	v22 =	vor.u32 v0, v22;
	v9 =	vld.idx.msk [tilespmem:v9+s13+$0x0], $0xffff  }
0x59: {  	v6 =	vmul.f32 v6, v6;
	v4 =	vadd.f32 $9.999999970e-07, v4;
	v3 =	vsub.f32 v20, v3;
	v20 =	vld.idx.msk [tilespmem:v17+s12+$0x0], $0xffff  }
0x5a: {  	v7 =	vsub.f32 v7, v11;
	v11 =	vld.idx.msk [tilespmem:v17+s13+$0x0], $0xffff;
	v17 =	vor.u32 v0, v18;
	v18 =	vbroadcast v19, $0x0  }
0x5b: {  	v5 =	vadd.f32 v6, v5;
	v4 =	vmul.f32 v4, v4;
	v3 =	vadd.f32 $9.999999970e-07, v3;
	v6 =	vld.idx.msk [tilespmem:v21+s12+$0x0], $0xffff  }
0x5c: {  	v14 =	vbroadcast v14, $0x0;
	v10 =	vsub.f32 v13, v10;
	v13 =	vld.idx.msk [tilespmem:v21+s13+$0x0], $0xffff;
	v18 =	vor.u32 v0, v18  }
0x5d: {  	v4 =	vadd.f32 v4, v5;
	v3 =	vmul.f32 v3, v3;
	v5 =	vadd.f32 $9.999999970e-07, v7;
	v7 =	vld.idx.msk [tilespmem:v22+s12+$0x0], $0xffff  }
0x5e: {  	v15 =	vbroadcast v15, $0x0;
	v14 =	vor.u32 v0, v14;
	v9 =	vsub.f32 v16, v9;
	v16 =	vld.idx.msk [tilespmem:v22+s13+$0x0], $0xffff  }
0x5f: {  	v3 =	vadd.f32 v3, v4;
	v4 =	vmul.f32 v5, v5;
	v5 =	vadd.f32 $9.999999970e-07, v10;
	v10 =	vld.idx.msk [tilespmem:v17+s12+$0x0], $0xffff  }
0x60: {  	v12 =	vbroadcast v12, $0x0;
	v15 =	vor.u32 v0, v15;
	v11 =	vsub.f32 v20, v11;
	v17 =	vld.idx.msk [tilespmem:v17+s13+$0x0], $0xffff  }
0x61: {  	v3 =	vadd.f32 v4, v3;
	v4 =	vmul.f32 v5, v5;
	v5 =	vadd.f32 $9.999999970e-07, v9;
	v9 =	vld.idx.msk [tilespmem:v18+s12+$0x0], $0xffff  }
0x62: {  	v8 =	vbroadcast v8, $0x0;
	v12 =	vor.u32 v0, v12;
	v6 =	vsub.f32 v6, v13;
	v13 =	vld.idx.msk [tilespmem:v18+s13+$0x0], $0xffff  }
0x63: {  	v3 =	vadd.f32 v4, v3;
	v4 =	vmul.f32 v5, v5;
	v5 =	vadd.f32 $9.999999970e-07, v11;
	v11 =	vld.idx.msk [tilespmem:v14+s12+$0x0], $0xffff  }
0x64: {  	v2 =	vbroadcast v2, $0x0;
	v8 =	vor.u32 v0, v8;
	v7 =	vsub.f32 v7, v16;
	v14 =	vld.idx.msk [tilespmem:v14+s13+$0x0], $0xffff  }
0x65: {  	v3 =	vadd.f32 v4, v3;
	v4 =	vmul.f32 v5, v5;
	v5 =	vadd.f32 $9.999999970e-07, v6;
	v6 =	vld.idx.msk [tilespmem:v15+s12+$0x0], $0xffff  }
0x66: {  	v16 =	vmov s21;
	v10 =	vsub.f32 v10, v17;
	v17 =	vor.u32 v0, v2;
	v15 =	vld.idx.msk [tilespmem:v15+s13+$0x0], $0xffff  }
0x67: {  	v3 =	vadd.f32 v4, v3;
	v4 =	vmul.f32 v5, v5;
	v5 =	vadd.f32 $9.999999970e-07, v7;
	v7 =	vld.idx.msk [tilespmem:v12+s12+$0x0], $0xffff  }
0x68: {  	v2 =	vand.u32 $0x7F, v16;
	v9 =	vsub.f32 v9, v13;
	v12 =	vld.idx.msk [tilespmem:v12+s13+$0x0], $0xffff  }
0x69: {  	s23 =	sadd.s32 $0xFFFFFFF4, s21;
	s22 =	sadd.s32 $0xFFFFFFF3, s21;
	v10 =	vadd.f32 $9.999999970e-07, v10;
	v4 =	vadd.f32 v4, v3;
	v5 =	vmul.f32 v5, v5;
	v16 =	vld.idx.msk [tilespmem:v8+s12+$0x0], $0xffff  }
0x6a: {  	v13 =	vmov s23;
	v3 =	vmov s22;
	v11 =	vsub.f32 v11, v14;
	v8 =	vld.idx.msk [tilespmem:v8+s13+$0x0], $0xffff  }
0x6b: {  	s23 =	sadd.s32 $0xFFFFFFF2, s21;
	s22 =	sadd.s32 $0xFFFFFFF1, s21;
	v10 =	vmul.f32 v10, v10;
	v9 =	vadd.f32 $9.999999970e-07, v9;
	v4 =	vadd.f32 v5, v4;
	v5 =	vld.idx.msk [tilespmem:v17+s12+$0x0], $0xffff  }
.Ltmp0:
0x6c: {  	v18 =	vmov s23;
	v14 =	vmov s22;
	v15 =	vsub.f32 v6, v15;
	v6 =	vld.idx.msk [tilespmem:v17+s13+$0x0], $0xffff;
	(pc) =	sbr.rel @p0 .LBB2_3-.Ltmp0, $4  }
0x6d: {  	v9 =	vmul.f32 v9, v9;
	v11 =	vadd.f32 $9.999999970e-07, v11;
	v10 =	vadd.f32 v10, v4  }
0x6e: {  	v4 =	vand.u32 $0x71, v18;
	v17 =	vand.u32 $0x73, v13;
	v7 =	vsub.f32 v7, v12  }
0x6f: {  	v12 =	vmul.f32 v11, v11;
	v13 =	vadd.f32 $9.999999970e-07, v15;
	v9 =	vadd.f32 v9, v10  }
0x70: {  	s21 =	sadd.s32 $0x10, s21;
	v11 =	vbroadcast v17, $0x0;
	v10 =	vand.u32 $0x70, v14;
	v8 =	vsub.f32 v16, v8  }
0x71: {  	v9 =	vadd.f32 v12, v9;
	v12 =	vmul.f32 v13, v13;
	v7 =	vadd.f32 $9.999999970e-07, v7  }
0x72: {  	v10 =	vbroadcast v10, $0x0;
	v5 =	vsub.f32 v5, v6;
	v4 =	vbroadcast v4, $0x0  }
0x73: {  	v3 =	vand.u32 $0x72, v3;
	v11 =	vor.u32 v0, v11;
	v8 =	vadd.f32 $9.999999970e-07, v8  }
0x74: {  	s31 =	sadd.s32 $0xFFFFFFF6, s20;
	v6 =	vadd.f32 v12, v9;
	v7 =	vmul.f32 v7, v7;
	v4 =	vor.u32 v0, v4  }
0x75: {  	v3 =	vbroadcast v3, $0x0;
	v13 =	vmov s31;
	v9 =	vor.u32 v0, v10  }
0x76: {  	s22 =	sadd.s32 $0xFFFFFFF5, s20;
	s24 =	sadd.s32 $0xFFFFFFFD, s20;
	s23 =	sadd.s32 $0xFFFFFFF7, s20;
	v5 =	vadd.f32 $9.999999970e-07, v5;
	v6 =	vadd.f32 v7, v6;
	v7 =	vmul.f32 v8, v8  }
0x77: {  	v15 =	vmov s24;
	v16 =	vmov s23;
	v10 =	vmov s22  }
0x78: {  	s25 =	sadd.s32 $0xFFFFFFFA, s20;
	s26 =	sadd.s32 $0xFFFFFFFB, s20;
	v3 =	vor.u32 v0, v3;
	v5 =	vmul.f32 v5, v5;
	v6 =	vadd.f32 v7, v6  }
0x79: {  	s28 =	sadd.s32 $0xFFFFFFF8, s20;
	v18 =	vmov s25;
	v19 =	vmov s26;
	v7 =	vand.u32 $0x74, v10;
	v17 =	vld.idx.msk [tilespmem:v4+s12+$0x0], $0xffff  }
0x7a: {  	s29 =	sadd.s32 $0xFFFFFFF9, s20;
	v20 =	vmov s28;
	v7 =	vbroadcast v7, $0x0;
	v5 =	vadd.f32 v5, v6;
	v6 =	vld.idx.msk [tilespmem:v9+s12+$0x0], $0xffff  }
0x7b: {  	v22 =	vmov s29;
	v13 =	vand.u32 $0x75, v13;
	v16 =	vand.u32 $0x76, v16;
	v9 =	vld.idx.msk [tilespmem:v9+s13+$0x0], $0xffff  }
0x7c: {  	v20 =	vand.u32 $0x77, v20;
	v13 =	vbroadcast v13, $0x0;
	v4 =	vld.idx.msk [tilespmem:v4+s13+$0x0], $0xffff;
	v7 =	vor.u32 v0, v7  }
0x7d: {  	v15 =	vand.u32 $0x7C, v15;
	v41 =	vand.u32 $0x79, v18;
	v19 =	vand.u32 $0x7A, v19;
	v21 =	vld.idx.msk [tilespmem:v3+s12+$0x0], $0xffff  }
0x7e: {  	s22 =	sadd.s32 $0xFFFFFFFC, s20;
	v16 =	vbroadcast v16, $0x0;
	v20 =	vbroadcast v20, $0x0;
	v13 =	vor.u32 v0, v13;
	v3 =	vld.idx.msk [tilespmem:v3+s13+$0x0], $0xffff  }
0x7f: {  	s21 =	sadd.s32 $0xFFFFFFFF, s20;
	v14 =	vmov s22;
	v44 =	vbroadcast v19, $0x0;
	v15 =	vbroadcast v15, $0x0;
	v12 =	vld.idx.msk [tilespmem:v11+s12+$0x0], $0xffff  }
0x80: {  	v8 =	vmov s21;
	v16 =	vor.u32 v0, v16;
	v11 =	vld.idx.msk [tilespmem:v11+s13+$0x0], $0xffff;
	v6 =	vsub.f32 v6, v9  }
0x81: {  	v14 =	vand.u32 $0x7B, v14;
	v20 =	vor.u32 v0, v20;
	v9 =	vand.u32 $0x78, v22;
	v40 =	vld.idx.msk [tilespmem:v7+s12+$0x0], $0xffff  }
0x82: {  	v4 =	vsub.f32 v17, v4;
	v9 =	vbroadcast v9, $0x0;
	v7 =	vld.idx.msk [tilespmem:v7+s13+$0x0], $0xffff;
	v6 =	vadd.f32 $9.999999970e-07, v6  }
0x83: {  	v8 =	vand.u32 $0x7E, v8;
	v42 =	vld.idx.msk [tilespmem:v13+s12+$0x0], $0xffff;
	v17 =	vbroadcast v41, $0x0;
	v3 =	vsub.f32 v21, v3  }
0x84: {  	v13 =	vld.idx.msk [tilespmem:v13+s13+$0x0], $0xffff;
	v4 =	vadd.f32 $9.999999970e-07, v4;
	v9 =	vor.u32 v0, v9;
	v6 =	vmul.f32 v6, v6  }
0x85: {  	v14 =	vbroadcast v14, $0x0;
	v43 =	vld.idx.msk [tilespmem:v16+s12+$0x0], $0xffff;
	v11 =	vsub.f32 v12, v11;
	v12 =	vor.u32 v0, v17  }
0x86: {  	s30 =	sadd.s32 $0xFFFFFFFE, s20;
	v16 =	vld.idx.msk [tilespmem:v16+s13+$0x0], $0xffff;
	v3 =	vadd.f32 $9.999999970e-07, v3;
	v4 =	vmul.f32 v4, v4;
	v5 =	vadd.f32 v6, v5  }
0x87: {  	v10 =	vmov s30;
	v45 =	vld.idx.msk [tilespmem:v20+s13+$0x0], $0xffff;
	v17 =	vor.u32 v0, v44;
	v7 =	vsub.f32 v40, v7  }
0x88: {  	v3 =	vmul.f32 v3, v3;
	v6 =	vld.idx.msk [tilespmem:v20+s12+$0x0], $0xffff;
	v4 =	vadd.f32 v4, v5;
	v5 =	vadd.f32 $9.999999970e-07, v11  }
0x89: {  	v10 =	vand.u32 $0x7D, v10;
	v14 =	vor.u32 v0, v14;
	v13 =	vsub.f32 v42, v13;
	v11 =	vld.idx.msk [tilespmem:v9+s12+$0x0], $0xffff  }
0x8a: {  	v9 =	vld.idx.msk [tilespmem:v9+s13+$0x0], $0xffff;
	v3 =	vadd.f32 v3, v4;
	v4 =	vmul.f32 v5, v5;
	v5 =	vadd.f32 $9.999999970e-07, v7  }
0x8b: {  	v15 =	vor.u32 v0, v15;
	v10 =	vbroadcast v10, $0x0;
	v16 =	vsub.f32 v43, v16;
	v7 =	vld.idx.msk [tilespmem:v12+s12+$0x0], $0xffff  }
0x8c: {  	v12 =	vld.idx.msk [tilespmem:v12+s13+$0x0], $0xffff;
	v3 =	vadd.f32 v4, v3;
	v4 =	vmul.f32 v5, v5;
	v5 =	vadd.f32 $9.999999970e-07, v13  }
0x8d: {  	v8 =	vbroadcast v8, $0x0;
	v10 =	vor.u32 v0, v10;
	v6 =	vsub.f32 v6, v45;
	v13 =	vld.idx.msk [tilespmem:v17+s12+$0x0], $0xffff  }
0x8e: {  	v17 =	vld.idx.msk [tilespmem:v17+s13+$0x0], $0xffff;
	v3 =	vadd.f32 v4, v3;
	v4 =	vmul.f32 v5, v5;
	v5 =	vadd.f32 $9.999999970e-07, v16  }
0x8f: {  	v2 =	vbroadcast v2, $0x0;
	v8 =	vor.u32 v0, v8;
	v46 =	vld.idx.msk [tilespmem:v14+s12+$0x0], $0xffff;
	v9 =	vsub.f32 v11, v9  }
0x90: {  	v11 =	vld.idx.msk [tilespmem:v14+s13+$0x0], $0xffff;
	v3 =	vadd.f32 v4, v3;
	v4 =	vmul.f32 v5, v5;
	v5 =	vadd.f32 $9.999999970e-07, v6  }
0x91: {  	v2 =	vor.u32 v0, v2;
	v7 =	vsub.f32 v7, v12;
	v12 =	vld.idx.msk [tilespmem:v15+s13+$0x0], $0xffff  }
0x92: {  	v6 =	vld.idx.msk [tilespmem:v15+s12+$0x0], $0xffff;
	v3 =	vadd.f32 v4, v3;
	v4 =	vmul.f32 v5, v5;
	v5 =	vadd.f32 $9.999999970e-07, v9  }
0x93: {  	v13 =	vsub.f32 v13, v17;
	v9 =	vld.idx.msk [tilespmem:v10+s12+$0x0], $0xffff  }
0x94: {  	v10 =	vld.idx.msk [tilespmem:v10+s13+$0x0], $0xffff;
	v3 =	vadd.f32 v4, v3;
	v4 =	vmul.f32 v5, v5;
	v5 =	vadd.f32 $9.999999970e-07, v7  }
0x95: {  	v11 =	vsub.f32 v46, v11;
	v7 =	vld.idx.msk [tilespmem:v8+s12+$0x0], $0xffff  }
0x96: {  	v8 =	vld.idx.msk [tilespmem:v8+s13+$0x0], $0xffff;
	v3 =	vadd.f32 v4, v3;
	v4 =	vmul.f32 v5, v5;
	v5 =	vadd.f32 $9.999999970e-07, v13  }
0x97: {  	v6 =	vsub.f32 v6, v12;
	v13 =	vld.idx.msk [tilespmem:v2+s12+$0x0], $0xffff  }
0x98: {  	v2 =	vld.idx.msk [tilespmem:v2+s13+$0x0], $0xffff;
	v3 =	vadd.f32 v4, v3;
	v4 =	vmul.f32 v5, v5;
	v5 =	vadd.f32 $9.999999970e-07, v11  }
0x99: {  	v9 =	vsub.f32 v9, v10  }
0x9a: {  	v3 =	vadd.f32 v4, v3;
	v4 =	vmul.f32 v5, v5;
	v5 =	vadd.f32 $9.999999970e-07, v6  }
0x9b: {  	v6 =	vsub.f32 v7, v8  }
0x9c: {  	v3 =	vadd.f32 v4, v3;
	v4 =	vmul.f32 v5, v5;
	v5 =	vadd.f32 $9.999999970e-07, v9  }
0x9d: {  	v2 =	vsub.f32 v13, v2  }
0x9e: {  	v3 =	vadd.f32 v4, v3;
	v4 =	vmul.f32 v5, v5;
	v5 =	vadd.f32 $9.999999970e-07, v6;
	_ =	sdelay $0x1  }
0x9f: {  	v2 =	vadd.f32 $9.999999970e-07, v2;
	v3 =	vadd.f32 v4, v3;
	v4 =	vmul.f32 v5, v5;
	_ =	sdelay $0x1  }
0xa0: {  	v2 =	vmul.f32 v2, v2;
	v3 =	vadd.f32 v4, v3;
	_ =	sdelay $0x1  }
0xa1: {  	v2 =	vadd.f32 v2, v3;
	_ =	sdelay $0x1  }
0xa2: {  	v3 =	vshra.s32 v2, $0x1;
	v4 =	vmul.f32 $5.000000000e-01, v2  }
0xa3: {  	v3 =	vsub.s32 $0x5F3759DF, v3  }
0xa4: {  	v5 =	vmul.f32 v3, v4;
	_ =	sdelay $0x1  }
0xa5: {  	v5 =	vmul.f32 v3, v5;
	_ =	sdelay $0x1  }
0xa6: {  	v5 =	vsub.f32 $1.500000000e+00, v5;
	_ =	sdelay $0x1  }
0xa7: {  	v3 =	vmul.f32 v3, v5;
	_ =	sdelay $0x1  }
0xa8: {  	v5 =	vmul.f32 v3, v4;
	_ =	sdelay $0x1  }
0xa9: {  	v5 =	vmul.f32 v5, v3;
	_ =	sdelay $0x1  }
0xaa: {  	v5 =	vsub.f32 $1.500000000e+00, v5;
	_ =	sdelay $0x1  }
0xab: {  	v3 =	vmul.f32 v5, v3;
	_ =	sdelay $0x1  }
0xac: {  	v4 =	vmul.f32 v3, v4;
	_ =	sdelay $0x1  }
0xad: {  	s31 =	simm.s32 $0x0;
	v4 =	vmul.f32 v4, v3  }
0xae: {  	s29 =	simm.s32 $0xB;
	v6 =	vmov s31  }
0xaf: {  	s22 =	simm.s32 $0x2;
	v14 =	vmov s29;
	v6 =	vand.u32 $0x70, v6;
	v4 =	vsub.f32 $1.500000000e+00, v4  }
0xb0: {  	s21 =	simm.s32 $0x1;
	v14 =	vand.u32 $0x7B, v14;
	v7 =	vmov s22;
	v6 =	vbroadcast v6, $0x0  }
0xb1: {  	v7 =	vand.u32 $0x72, v7;
	v3 =	vmul.f32 v4, v3;
	v4 =	vmov s21  }
0xb2: {  	v7 =	vbroadcast v7, $0x0;
	v6 =	vor.u32 v1, v6;
	v4 =	vand.u32 $0x71, v4  }
0xb3: {  	s30 =	simm.s32 $0x3;
	v14 =	vbroadcast v14, $0x0;
	v4 =	vbroadcast v4, $0x0  }
0xb4: {  	s28 =	simm.s32 $0x5;
	v7 =	vor.u32 v1, v7;
	v5 =	vmov s30;
	v2 =	vmul.f32 v3, v2  }
0xb5: {  	s24 =	simm.s32 $0x4;
	v12 =	vmov s28;
	v5 =	vand.u32 $0x73, v5;
	v4 =	vor.u32 v1, v4  }
0xb6: {  	v12 =	vand.u32 $0x75, v12;
	v9 =	vmov s24;
	v5 =	vbroadcast v5, $0x0;
	[tilespmem:$0x5100] =	vst v2  }
0xb7: {  	s26 =	simm.s32 $0xD;
	v14 =	vor.u32 v1, v14;
	v12 =	vbroadcast v12, $0x0;
	v9 =	vand.u32 $0x74, v9;
	v13 =	vld.idx.msk [tilespmem:v6+s12+$0x0], $0xffff  }
0xb8: {  	v11 =	vmov s26;
	s26 =	simm.s32 $0x8;
	v9 =	vbroadcast v9, $0x0;
	v5 =	vor.u32 v1, v5;
	v6 =	vld.idx.msk [tilespmem:v6+s13+$0x0], $0xffff  }
0xb9: {  	s25 =	simm.s32 $0xE;
	v12 =	vor.u32 v1, v12;
	v53 =	vmov s26;
	v11 =	vand.u32 $0x7D, v11;
	s31 =	simm.s32 $0x6;
	v52 =	vld.idx.msk [tilespmem:v7+s12+$0x0], $0xffff  }
0xba: {  	s23 =	simm.s32 $0xF;
	v47 =	vmov s31;
	v9 =	vor.u32 v1, v9;
	v2 =	vmov s25;
	s25 =	simm.s32 $0x7;
	v48 =	vld.idx.msk [tilespmem:v4+s12+$0x0], $0xffff  }
0xbb: {  	v8 =	vmov s23;
	s23 =	simm.s32 $0x9;
	v16 =	vand.u32 $0x76, v47;
	v51 =	vmov s25;
	v4 =	vld.idx.msk [tilespmem:v4+s13+$0x0], $0xffff  }
0xbc: {  	v49 =	vmov s23;
	v16 =	vbroadcast v16, $0x0;
	v7 =	vld.idx.msk [tilespmem:v7+s13+$0x0], $0xffff;
	v20 =	vand.u32 $0x77, v51  }
0xbd: {  	v11 =	vbroadcast v11, $0x0;
	s24 =	simm.s32 $0xA;
	v55 =	vand.u32 $0x79, v49;
	v10 =	vld.idx.msk [tilespmem:v5+s12+$0x0], $0xffff;
	v20 =	vbroadcast v20, $0x0  }
0xbe: {  	v50 =	vmov s24;
	v16 =	vor.u32 v1, v16;
	v5 =	vld.idx.msk [tilespmem:v5+s13+$0x0], $0xffff;
	v6 =	vsub.f32 v13, v6  }
0xbf: {  	v17 =	vbroadcast v55, $0x0;
	v54 =	vld.idx.msk [tilespmem:v9+s12+$0x0], $0xffff;
	v20 =	vor.u32 v1, v20;
	v13 =	vand.u32 $0x78, v53  }
0xc0: {  	s30 =	simm.s32 $0xC;
	v9 =	vld.idx.msk [tilespmem:v9+s13+$0x0], $0xffff;
	v13 =	vbroadcast v13, $0x0;
	v6 =	vadd.f32 $9.999999970e-07, v6;
	v4 =	vsub.f32 v48, v4  }
0xc1: {  	v19 =	vand.u32 $0x7A, v50;
	v15 =	vmov s30;
	v56 =	vld.idx.msk [tilespmem:v12+s12+$0x0], $0xffff;
	v7 =	vsub.f32 v52, v7  }
0xc2: {  	v12 =	vld.idx.msk [tilespmem:v12+s13+$0x0], $0xffff;
	v13 =	vor.u32 v1, v13;
	v6 =	vmul.f32 v6, v6;
	v4 =	vadd.f32 $9.999999970e-07, v4  }
0xc3: {  	v3 =	vimm.f32 $0.0e+00;
	v57 =	vld.idx.msk [tilespmem:v16+s12+$0x0], $0xffff;
	v5 =	vsub.f32 v10, v5;
	v10 =	vor.u32 v1, v17  }
0xc4: {  	v16 =	vld.idx.msk [tilespmem:v16+s13+$0x0], $0xffff;
	v3 =	vadd.f32 v6, v3;
	v6 =	vadd.f32 $9.999999970e-07, v7;
	v4 =	vmul.f32 v4, v4  }
0xc5: {  	v58 =	vbroadcast v19, $0x0;
	v15 =	vand.u32 $0x7C, v15;
	v9 =	vsub.f32 v54, v9;
	v59 =	vld.idx.msk [tilespmem:v20+s13+$0x0], $0xffff  }
0xc6: {  	v5 =	vadd.f32 $9.999999970e-07, v5;
	v7 =	vld.idx.msk [tilespmem:v20+s12+$0x0], $0xffff;
	v3 =	vadd.f32 v4, v3;
	v4 =	vmul.f32 v6, v6  }
0xc7: {  	v15 =	vbroadcast v15, $0x0;
	v17 =	vor.u32 v1, v58;
	v12 =	vsub.f32 v56, v12;
	v6 =	vld.idx.msk [tilespmem:v13+s12+$0x0], $0xffff  }
0xc8: {  	v13 =	vld.idx.msk [tilespmem:v13+s13+$0x0], $0xffff;
	v3 =	vadd.f32 v4, v3;
	v4 =	vmul.f32 v5, v5;
	v5 =	vadd.f32 $9.999999970e-07, v9  }
0xc9: {  	v15 =	vor.u32 v1, v15;
	v2 =	vand.u32 $0x7E, v2;
	v16 =	vsub.f32 v57, v16;
	v9 =	vld.idx.msk [tilespmem:v10+s12+$0x0], $0xffff  }
0xca: {  	v10 =	vld.idx.msk [tilespmem:v10+s13+$0x0], $0xffff;
	v3 =	vadd.f32 v4, v3;
	v4 =	vmul.f32 v5, v5;
	v5 =	vadd.f32 $9.999999970e-07, v12  }
0xcb: {  	v11 =	vor.u32 v1, v11;
	v60 =	vld.idx.msk [tilespmem:v14+s12+$0x0], $0xffff;
	v2 =	vbroadcast v2, $0x0;
	v7 =	vsub.f32 v7, v59  }
0xcc: {  	v12 =	vld.idx.msk [tilespmem:v17+s12+$0x0], $0xffff;
	v3 =	vadd.f32 v4, v3;
	v4 =	vmul.f32 v5, v5;
	v5 =	vadd.f32 $9.999999970e-07, v16  }
0xcd: {  	v8 =	vand.u32 $0x7F, v8;
	v17 =	vld.idx.msk [tilespmem:v17+s13+$0x0], $0xffff;
	v6 =	vsub.f32 v6, v13;
	v13 =	vor.u32 v1, v2  }
0xce: {  	v14 =	vld.idx.msk [tilespmem:v14+s13+$0x0], $0xffff;
	v2 =	vadd.f32 v4, v3;
	v3 =	vmul.f32 v5, v5;
	v4 =	vadd.f32 $9.999999970e-07, v7  }
0xcf: {  	s20 =	simm.s32 $0x1F;
	v9 =	vsub.f32 v9, v10;
	v10 =	vld.idx.msk [tilespmem:v15+s13+$0x0], $0xffff;
	v6 =	vadd.f32 $9.999999970e-07, v6;
	v5 =	vbroadcast v8, $0x0  }
0xd0: {  	v7 =	vld.idx.msk [tilespmem:v15+s12+$0x0], $0xffff;
	v8 =	vmov s20;
	v3 =	vadd.f32 v3, v2;
	v4 =	vmul.f32 v4, v4  }
0xd1: {  	v6 =	vmul.f32 v6, v6;
	v9 =	vadd.f32 $9.999999970e-07, v9;
	v15 =	vor.u32 v1, v5;
	v5 =	vld.idx.msk [tilespmem:v11+s12+$0x0], $0xffff  }
0xd2: {  	v2 =	vand.u32 $0x7F, v8;
	v8 =	vsub.f32 v12, v17;
	v11 =	vld.idx.msk [tilespmem:v11+s13+$0x0], $0xffff;
	v4 =	vadd.f32 v4, v3;
	_ =	sdelay $0x1  }
0xd3: {  	v8 =	vadd.f32 $9.999999970e-07, v8;
	v4 =	vadd.f32 v6, v4;
	v6 =	vmul.f32 v9, v9  }
0xd4: {  	s29 =	simm.s32 $0x13;
	v14 =	vsub.f32 v60, v14;
	v61 =	vld.idx.msk [tilespmem:v13+s12+$0x0], $0xffff  }
0xd5: {  	s31 =	simm.s32 $0x11;
	v12 =	vmov s29;
	v62 =	vld.idx.msk [tilespmem:v13+s13+$0x0], $0xffff;
	v8 =	vmul.f32 v8, v8;
	v6 =	vadd.f32 v6, v4  }
0xd6: {  	v10 =	vsub.f32 v7, v10;
	v9 =	vmov s31;
	v7 =	vsub.f32 v5, v11;
	v5 =	vld.idx.msk [tilespmem:v15+s12+$0x0], $0xffff  }
0xd7: {  	s30 =	simm.s32 $0x10;
	v13 =	vadd.f32 $9.999999970e-07, v14;
	v4 =	vand.u32 $0x71, v9;
	v9 =	vadd.f32 v8, v6;
	v6 =	vld.idx.msk [tilespmem:v15+s13+$0x0], $0xffff  }
0xd8: {  	s28 =	simm.s32 $0x12;
	v63 =	vmov s30;
	v14 =	vand.u32 $0x73, v12  }
0xd9: {  	v3 =	vmov s28;
	v12 =	vmul.f32 v13, v13;
	v13 =	vadd.f32 $9.999999970e-07, v10  }
0xda: {  	s21 =	simm.s32 $0x2F;
	v10 =	vand.u32 $0x70, v63;
	v11 =	vbroadcast v14, $0x0;
	v8 =	vsub.f32 v61, v62  }
.LBB2_5:
0xdb: {  	p0 =	sne.s32 s21, $0x7F;
	v9 =	vadd.f32 v12, v9;
	v12 =	vmul.f32 v13, v13;
	v7 =	vadd.f32 $9.999999970e-07, v7  }
0xdc: {  	v10 =	vbroadcast v10, $0x0;
	v5 =	vsub.f32 v5, v6;
	v11 =	vor.u32 v1, v11  }
0xdd: {  	v8 =	vadd.f32 $9.999999970e-07, v8;
	v6 =	vadd.f32 v12, v9;
	v7 =	vmul.f32 v7, v7  }
0xde: {  	v4 =	vbroadcast v4, $0x0;
	v3 =	vand.u32 $0x72, v3;
	v9 =	vor.u32 v1, v10  }
0xdf: {  	s22 =	sadd.s32 $0xFFFFFFFF, s20;
	v5 =	vadd.f32 $9.999999970e-07, v5;
	v6 =	vadd.f32 v7, v6;
	v7 =	vmul.f32 v8, v8  }
0xe0: {  	s23 =	sadd.s32 $0xFFFFFFF5, s20;
	v3 =	vbroadcast v3, $0x0;
	v4 =	vor.u32 v1, v4;
	v8 =	vmov s22  }
0xe1: {  	v10 =	vmov s23;
	s22 =	sadd.s32 $0xFFFFFFFE, s20;
	v5 =	vmul.f32 v5, v5;
	v6 =	vadd.f32 v7, v6  }
0xe2: {  	s23 =	sadd.s32 $0xFFFFFFF6, s20;
	v3 =	vor.u32 v1, v3;
	v10 =	vand.u32 $0x74, v10;
	v12 =	vmov s22;
	v7 =	vld.idx.msk [tilespmem:v11+s12+$0x0], $0xffff  }
0xe3: {  	v14 =	vmov s23;
	s23 =	sadd.s32 $0xFFFFFFFD, s20;
	v10 =	vbroadcast v10, $0x0;
	s22 =	sadd.s32 $0xFFFFFFFC, s20;
	v13 =	vld.idx.msk [tilespmem:v9+s12+$0x0], $0xffff;
	v5 =	vadd.f32 v5, v6  }
0xe4: {  	s24 =	sadd.s32 $0xFFFFFFF7, s20;
	v15 =	vmov s23;
	v6 =	vld.idx.msk [tilespmem:v9+s13+$0x0], $0xffff;
	v9 =	vand.u32 $0x75, v14;
	v14 =	vmov s22  }
0xe5: {  	v17 =	vmov s24;
	s23 =	sadd.s32 $0xFFFFFFFB, s20;
	v10 =	vor.u32 v1, v10;
	s22 =	sadd.s32 $0xFFFFFFFA, s20;
	v16 =	vld.idx.msk [tilespmem:v4+s12+$0x0], $0xffff;
	v9 =	vbroadcast v9, $0x0  }
0xe6: {  	s24 =	sadd.s32 $0xFFFFFFF8, s20;
	v17 =	vand.u32 $0x76, v17;
	v19 =	vmov s23;
	v18 =	vmov s22;
	v4 =	vld.idx.msk [tilespmem:v4+s13+$0x0], $0xffff  }
0xe7: {  	v21 =	vmov s24;
	v17 =	vbroadcast v17, $0x0;
	s22 =	sadd.s32 $0xFFFFFFF9, s20;
	s20 =	smov.u32 s21;
	v20 =	vld.idx.msk [tilespmem:v3+s12+$0x0], $0xffff;
	v9 =	vor.u32 v1, v9  }
0xe8: {  	v21 =	vand.u32 $0x77, v21;
	v8 =	vand.u32 $0x7E, v8;
	v22 =	vmov s22;
	v3 =	vld.idx.msk [tilespmem:v3+s13+$0x0], $0xffff  }
0xe9: {  	v21 =	vbroadcast v21, $0x0;
	v17 =	vor.u32 v1, v17;
	v12 =	vand.u32 $0x7D, v12;
	v11 =	vld.idx.msk [tilespmem:v11+s13+$0x0], $0xffff  }
0xea: {  	v15 =	vand.u32 $0x7C, v15;
	v22 =	vand.u32 $0x78, v22;
	v6 =	vsub.f32 v13, v6;
	v13 =	vld.idx.msk [tilespmem:v10+s12+$0x0], $0xffff  }
0xeb: {  	v21 =	vor.u32 v1, v21;
	v14 =	vand.u32 $0x7B, v14;
	v22 =	vbroadcast v22, $0x0;
	v10 =	vld.idx.msk [tilespmem:v10+s13+$0x0], $0xffff  }
0xec: {  	v18 =	vand.u32 $0x79, v18;
	v6 =	vadd.f32 $9.999999970e-07, v6;
	v4 =	vsub.f32 v16, v4;
	v16 =	vld.idx.msk [tilespmem:v9+s12+$0x0], $0xffff  }
0xed: {  	v19 =	vand.u32 $0x7A, v19;
	v18 =	vbroadcast v18, $0x0;
	v22 =	vor.u32 v1, v22;
	v9 =	vld.idx.msk [tilespmem:v9+s13+$0x0], $0xffff  }
0xee: {  	v6 =	vmul.f32 v6, v6;
	v4 =	vadd.f32 $9.999999970e-07, v4;
	v3 =	vsub.f32 v20, v3;
	v20 =	vld.idx.msk [tilespmem:v17+s12+$0x0], $0xffff  }
0xef: {  	v7 =	vsub.f32 v7, v11;
	v11 =	vld.idx.msk [tilespmem:v17+s13+$0x0], $0xffff;
	v17 =	vor.u32 v1, v18;
	v18 =	vbroadcast v19, $0x0  }
0xf0: {  	v5 =	vadd.f32 v6, v5;
	v4 =	vmul.f32 v4, v4;
	v3 =	vadd.f32 $9.999999970e-07, v3;
	v6 =	vld.idx.msk [tilespmem:v21+s12+$0x0], $0xffff  }
0xf1: {  	v14 =	vbroadcast v14, $0x0;
	v10 =	vsub.f32 v13, v10;
	v13 =	vld.idx.msk [tilespmem:v21+s13+$0x0], $0xffff;
	v18 =	vor.u32 v1, v18  }
0xf2: {  	v4 =	vadd.f32 v4, v5;
	v3 =	vmul.f32 v3, v3;
	v5 =	vadd.f32 $9.999999970e-07, v7;
	v7 =	vld.idx.msk [tilespmem:v22+s12+$0x0], $0xffff  }
0xf3: {  	v15 =	vbroadcast v15, $0x0;
	v14 =	vor.u32 v1, v14;
	v9 =	vsub.f32 v16, v9;
	v16 =	vld.idx.msk [tilespmem:v22+s13+$0x0], $0xffff  }
0xf4: {  	v3 =	vadd.f32 v3, v4;
	v4 =	vmul.f32 v5, v5;
	v5 =	vadd.f32 $9.999999970e-07, v10;
	v10 =	vld.idx.msk [tilespmem:v17+s12+$0x0], $0xffff  }
0xf5: {  	v12 =	vbroadcast v12, $0x0;
	v15 =	vor.u32 v1, v15;
	v11 =	vsub.f32 v20, v11;
	v17 =	vld.idx.msk [tilespmem:v17+s13+$0x0], $0xffff  }
0xf6: {  	v3 =	vadd.f32 v4, v3;
	v4 =	vmul.f32 v5, v5;
	v5 =	vadd.f32 $9.999999970e-07, v9;
	v9 =	vld.idx.msk [tilespmem:v18+s12+$0x0], $0xffff  }
0xf7: {  	v8 =	vbroadcast v8, $0x0;
	v12 =	vor.u32 v1, v12;
	v6 =	vsub.f32 v6, v13;
	v13 =	vld.idx.msk [tilespmem:v18+s13+$0x0], $0xffff  }
0xf8: {  	v3 =	vadd.f32 v4, v3;
	v4 =	vmul.f32 v5, v5;
	v5 =	vadd.f32 $9.999999970e-07, v11;
	v11 =	vld.idx.msk [tilespmem:v14+s12+$0x0], $0xffff  }
0xf9: {  	v2 =	vbroadcast v2, $0x0;
	v8 =	vor.u32 v1, v8;
	v7 =	vsub.f32 v7, v16;
	v14 =	vld.idx.msk [tilespmem:v14+s13+$0x0], $0xffff  }
0xfa: {  	v3 =	vadd.f32 v4, v3;
	v4 =	vmul.f32 v5, v5;
	v5 =	vadd.f32 $9.999999970e-07, v6;
	v6 =	vld.idx.msk [tilespmem:v15+s12+$0x0], $0xffff  }
0xfb: {  	v16 =	vmov s21;
	v10 =	vsub.f32 v10, v17;
	v17 =	vor.u32 v1, v2;
	v15 =	vld.idx.msk [tilespmem:v15+s13+$0x0], $0xffff  }
0xfc: {  	v3 =	vadd.f32 v4, v3;
	v4 =	vmul.f32 v5, v5;
	v5 =	vadd.f32 $9.999999970e-07, v7;
	v7 =	vld.idx.msk [tilespmem:v12+s12+$0x0], $0xffff  }
0xfd: {  	v2 =	vand.u32 $0x7F, v16;
	v9 =	vsub.f32 v9, v13;
	v12 =	vld.idx.msk [tilespmem:v12+s13+$0x0], $0xffff  }
0xfe: {  	s23 =	sadd.s32 $0xFFFFFFF4, s21;
	s22 =	sadd.s32 $0xFFFFFFF3, s21;
	v10 =	vadd.f32 $9.999999970e-07, v10;
	v4 =	vadd.f32 v4, v3;
	v5 =	vmul.f32 v5, v5;
	v16 =	vld.idx.msk [tilespmem:v8+s12+$0x0], $0xffff  }
0xff: {  	v13 =	vmov s23;
	v3 =	vmov s22;
	v11 =	vsub.f32 v11, v14;
	v8 =	vld.idx.msk [tilespmem:v8+s13+$0x0], $0xffff  }
0x100: {  	s23 =	sadd.s32 $0xFFFFFFF2, s21;
	s22 =	sadd.s32 $0xFFFFFFF1, s21;
	v10 =	vmul.f32 v10, v10;
	v9 =	vadd.f32 $9.999999970e-07, v9;
	v4 =	vadd.f32 v5, v4;
	v5 =	vld.idx.msk [tilespmem:v17+s12+$0x0], $0xffff  }
.Ltmp1:
0x101: {  	v18 =	vmov s23;
	v14 =	vmov s22;
	v15 =	vsub.f32 v6, v15;
	v6 =	vld.idx.msk [tilespmem:v17+s13+$0x0], $0xffff;
	(pc) =	sbr.rel @p0 .LBB2_5-.Ltmp1, $4  }
0x102: {  	v9 =	vmul.f32 v9, v9;
	v11 =	vadd.f32 $9.999999970e-07, v11;
	v10 =	vadd.f32 v10, v4  }
0x103: {  	v4 =	vand.u32 $0x71, v18;
	v17 =	vand.u32 $0x73, v13;
	v7 =	vsub.f32 v7, v12  }
0x104: {  	v12 =	vmul.f32 v11, v11;
	v13 =	vadd.f32 $9.999999970e-07, v15;
	v9 =	vadd.f32 v9, v10  }
0x105: {  	s21 =	sadd.s32 $0x10, s21;
	v11 =	vbroadcast v17, $0x0;
	v10 =	vand.u32 $0x70, v14;
	v8 =	vsub.f32 v16, v8  }
0x106: {  	v9 =	vadd.f32 v12, v9;
	v12 =	vmul.f32 v13, v13;
	v7 =	vadd.f32 $9.999999970e-07, v7  }
0x107: {  	v10 =	vbroadcast v10, $0x0;
	v5 =	vsub.f32 v5, v6;
	v4 =	vbroadcast v4, $0x0  }
0x108: {  	v3 =	vand.u32 $0x72, v3;
	v11 =	vor.u32 v1, v11;
	v8 =	vadd.f32 $9.999999970e-07, v8  }
0x109: {  	s31 =	sadd.s32 $0xFFFFFFF6, s20;
	v6 =	vadd.f32 v12, v9;
	v7 =	vmul.f32 v7, v7;
	v4 =	vor.u32 v1, v4  }
0x10a: {  	v3 =	vbroadcast v3, $0x0;
	v13 =	vmov s31;
	v9 =	vor.u32 v1, v10  }
0x10b: {  	s22 =	sadd.s32 $0xFFFFFFF5, s20;
	s24 =	sadd.s32 $0xFFFFFFFD, s20;
	s23 =	sadd.s32 $0xFFFFFFF7, s20;
	v5 =	vadd.f32 $9.999999970e-07, v5;
	v6 =	vadd.f32 v7, v6;
	v7 =	vmul.f32 v8, v8  }
0x10c: {  	v15 =	vmov s24;
	v16 =	vmov s23;
	v10 =	vmov s22  }
0x10d: {  	s25 =	sadd.s32 $0xFFFFFFFA, s20;
	s26 =	sadd.s32 $0xFFFFFFFB, s20;
	v3 =	vor.u32 v1, v3;
	v5 =	vmul.f32 v5, v5;
	v6 =	vadd.f32 v7, v6  }
0x10e: {  	s28 =	sadd.s32 $0xFFFFFFF8, s20;
	v18 =	vmov s25;
	v19 =	vmov s26;
	v7 =	vand.u32 $0x74, v10;
	v17 =	vld.idx.msk [tilespmem:v4+s12+$0x0], $0xffff  }
0x10f: {  	s29 =	sadd.s32 $0xFFFFFFF9, s20;
	v20 =	vmov s28;
	v7 =	vbroadcast v7, $0x0;
	v5 =	vadd.f32 v5, v6;
	v6 =	vld.idx.msk [tilespmem:v9+s12+$0x0], $0xffff  }
0x110: {  	v22 =	vmov s29;
	v13 =	vand.u32 $0x75, v13;
	v16 =	vand.u32 $0x76, v16;
	v9 =	vld.idx.msk [tilespmem:v9+s13+$0x0], $0xffff  }
0x111: {  	v20 =	vand.u32 $0x77, v20;
	v13 =	vbroadcast v13, $0x0;
	v4 =	vld.idx.msk [tilespmem:v4+s13+$0x0], $0xffff;
	v7 =	vor.u32 v1, v7  }
0x112: {  	v15 =	vand.u32 $0x7C, v15;
	v40 =	vand.u32 $0x79, v18;
	v19 =	vand.u32 $0x7A, v19;
	v21 =	vld.idx.msk [tilespmem:v3+s12+$0x0], $0xffff  }
0x113: {  	s22 =	sadd.s32 $0xFFFFFFFC, s20;
	v16 =	vbroadcast v16, $0x0;
	v20 =	vbroadcast v20, $0x0;
	v13 =	vor.u32 v1, v13;
	v3 =	vld.idx.msk [tilespmem:v3+s13+$0x0], $0xffff  }
0x114: {  	s21 =	sadd.s32 $0xFFFFFFFF, s20;
	v14 =	vmov s22;
	v43 =	vbroadcast v19, $0x0;
	v15 =	vbroadcast v15, $0x0;
	v12 =	vld.idx.msk [tilespmem:v11+s12+$0x0], $0xffff  }
0x115: {  	v8 =	vmov s21;
	v16 =	vor.u32 v1, v16;
	v11 =	vld.idx.msk [tilespmem:v11+s13+$0x0], $0xffff;
	v6 =	vsub.f32 v6, v9  }
0x116: {  	v14 =	vand.u32 $0x7B, v14;
	v20 =	vor.u32 v1, v20;
	v9 =	vand.u32 $0x78, v22;
	v39 =	vld.idx.msk [tilespmem:v7+s12+$0x0], $0xffff  }
0x117: {  	v4 =	vsub.f32 v17, v4;
	v9 =	vbroadcast v9, $0x0;
	v7 =	vld.idx.msk [tilespmem:v7+s13+$0x0], $0xffff;
	v6 =	vadd.f32 $9.999999970e-07, v6  }
0x118: {  	v8 =	vand.u32 $0x7E, v8;
	v41 =	vld.idx.msk [tilespmem:v13+s12+$0x0], $0xffff;
	v17 =	vbroadcast v40, $0x0;
	v3 =	vsub.f32 v21, v3  }
0x119: {  	v13 =	vld.idx.msk [tilespmem:v13+s13+$0x0], $0xffff;
	v4 =	vadd.f32 $9.999999970e-07, v4;
	v9 =	vor.u32 v1, v9;
	v6 =	vmul.f32 v6, v6  }
0x11a: {  	v14 =	vbroadcast v14, $0x0;
	v42 =	vld.idx.msk [tilespmem:v16+s12+$0x0], $0xffff;
	v11 =	vsub.f32 v12, v11;
	v12 =	vor.u32 v1, v17  }
0x11b: {  	s30 =	sadd.s32 $0xFFFFFFFE, s20;
	v16 =	vld.idx.msk [tilespmem:v16+s13+$0x0], $0xffff;
	v3 =	vadd.f32 $9.999999970e-07, v3;
	v4 =	vmul.f32 v4, v4;
	v5 =	vadd.f32 v6, v5  }
0x11c: {  	v10 =	vmov s30;
	v44 =	vld.idx.msk [tilespmem:v20+s13+$0x0], $0xffff;
	v17 =	vor.u32 v1, v43;
	v7 =	vsub.f32 v39, v7  }
0x11d: {  	v3 =	vmul.f32 v3, v3;
	v6 =	vld.idx.msk [tilespmem:v20+s12+$0x0], $0xffff;
	v4 =	vadd.f32 v4, v5;
	v5 =	vadd.f32 $9.999999970e-07, v11  }
0x11e: {  	v10 =	vand.u32 $0x7D, v10;
	v14 =	vor.u32 v1, v14;
	v13 =	vsub.f32 v41, v13;
	v11 =	vld.idx.msk [tilespmem:v9+s12+$0x0], $0xffff  }
0x11f: {  	v9 =	vld.idx.msk [tilespmem:v9+s13+$0x0], $0xffff;
	v3 =	vadd.f32 v3, v4;
	v4 =	vmul.f32 v5, v5;
	v5 =	vadd.f32 $9.999999970e-07, v7  }
0x120: {  	v15 =	vor.u32 v1, v15;
	v10 =	vbroadcast v10, $0x0;
	v16 =	vsub.f32 v42, v16;
	v7 =	vld.idx.msk [tilespmem:v12+s12+$0x0], $0xffff  }
0x121: {  	v12 =	vld.idx.msk [tilespmem:v12+s13+$0x0], $0xffff;
	v3 =	vadd.f32 v4, v3;
	v4 =	vmul.f32 v5, v5;
	v5 =	vadd.f32 $9.999999970e-07, v13  }
0x122: {  	v8 =	vbroadcast v8, $0x0;
	v10 =	vor.u32 v1, v10;
	v6 =	vsub.f32 v6, v44;
	v13 =	vld.idx.msk [tilespmem:v17+s12+$0x0], $0xffff  }
0x123: {  	v17 =	vld.idx.msk [tilespmem:v17+s13+$0x0], $0xffff;
	v3 =	vadd.f32 v4, v3;
	v4 =	vmul.f32 v5, v5;
	v5 =	vadd.f32 $9.999999970e-07, v16  }
0x124: {  	v2 =	vbroadcast v2, $0x0;
	v8 =	vor.u32 v1, v8;
	v45 =	vld.idx.msk [tilespmem:v14+s12+$0x0], $0xffff;
	v9 =	vsub.f32 v11, v9  }
0x125: {  	v11 =	vld.idx.msk [tilespmem:v14+s13+$0x0], $0xffff;
	v3 =	vadd.f32 v4, v3;
	v4 =	vmul.f32 v5, v5;
	v5 =	vadd.f32 $9.999999970e-07, v6  }
0x126: {  	v2 =	vor.u32 v1, v2;
	v7 =	vsub.f32 v7, v12;
	v12 =	vld.idx.msk [tilespmem:v15+s13+$0x0], $0xffff  }
0x127: {  	v6 =	vld.idx.msk [tilespmem:v15+s12+$0x0], $0xffff;
	v3 =	vadd.f32 v4, v3;
	v4 =	vmul.f32 v5, v5;
	v5 =	vadd.f32 $9.999999970e-07, v9  }
0x128: {  	v13 =	vsub.f32 v13, v17;
	v9 =	vld.idx.msk [tilespmem:v10+s12+$0x0], $0xffff  }
0x129: {  	v10 =	vld.idx.msk [tilespmem:v10+s13+$0x0], $0xffff;
	v3 =	vadd.f32 v4, v3;
	v4 =	vmul.f32 v5, v5;
	v5 =	vadd.f32 $9.999999970e-07, v7  }
0x12a: {  	v11 =	vsub.f32 v45, v11;
	v7 =	vld.idx.msk [tilespmem:v8+s12+$0x0], $0xffff  }
0x12b: {  	v8 =	vld.idx.msk [tilespmem:v8+s13+$0x0], $0xffff;
	v3 =	vadd.f32 v4, v3;
	v4 =	vmul.f32 v5, v5;
	v5 =	vadd.f32 $9.999999970e-07, v13  }
0x12c: {  	v6 =	vsub.f32 v6, v12;
	v13 =	vld.idx.msk [tilespmem:v2+s12+$0x0], $0xffff  }
0x12d: {  	v2 =	vld.idx.msk [tilespmem:v2+s13+$0x0], $0xffff;
	v3 =	vadd.f32 v4, v3;
	v4 =	vmul.f32 v5, v5;
	v5 =	vadd.f32 $9.999999970e-07, v11  }
0x12e: {  	v9 =	vsub.f32 v9, v10  }
0x12f: {  	v3 =	vadd.f32 v4, v3;
	v4 =	vmul.f32 v5, v5;
	v5 =	vadd.f32 $9.999999970e-07, v6  }
0x130: {  	v6 =	vsub.f32 v7, v8  }
0x131: {  	v3 =	vadd.f32 v4, v3;
	v4 =	vmul.f32 v5, v5;
	v5 =	vadd.f32 $9.999999970e-07, v9  }
0x132: {  	v2 =	vsub.f32 v13, v2  }
0x133: {  	v3 =	vadd.f32 v4, v3;
	v4 =	vmul.f32 v5, v5;
	v5 =	vadd.f32 $9.999999970e-07, v6;
	_ =	sdelay $0x1  }
0x134: {  	v2 =	vadd.f32 $9.999999970e-07, v2;
	v3 =	vadd.f32 v4, v3;
	v4 =	vmul.f32 v5, v5;
	_ =	sdelay $0x1  }
0x135: {  	v2 =	vmul.f32 v2, v2;
	v3 =	vadd.f32 v4, v3;
	_ =	sdelay $0x1  }
0x136: {  	v3 =	vadd.f32 v2, v3;
	_ =	sdelay $0x1  }
0x137: {  	v2 =	vshra.s32 v3, $0x1;
	v4 =	vmul.f32 $5.000000000e-01, v3  }
0x138: {  	v2 =	vsub.s32 $0x5F3759DF, v2  }
0x139: {  	v5 =	vmul.f32 v2, v4;
	_ =	sdelay $0x1  }
0x13a: {  	v5 =	vmul.f32 v2, v5;
	_ =	sdelay $0x1  }
0x13b: {  	v5 =	vsub.f32 $1.500000000e+00, v5;
	_ =	sdelay $0x1  }
0x13c: {  	v2 =	vmul.f32 v2, v5;
	_ =	sdelay $0x1  }
0x13d: {  	v5 =	vmul.f32 v2, v4;
	_ =	sdelay $0x1  }
0x13e: {  	v5 =	vmul.f32 v5, v2;
	_ =	sdelay $0x1  }
0x13f: {  	v5 =	vsub.f32 $1.500000000e+00, v5;
	_ =	sdelay $0x1  }
0x140: {  	v2 =	vmul.f32 v5, v2;
	_ =	sdelay $0x1  }
0x141: {  	v4 =	vmul.f32 v2, v4;
	_ =	sdelay $0x1  }
0x142: {  	s31 =	simm.s32 $0x0;
	v4 =	vmul.f32 v4, v2  }
0x143: {  	s29 =	simm.s32 $0xB;
	v6 =	vmov s31  }
0x144: {  	s22 =	simm.s32 $0x2;
	s21 =	simm.s32 $0x1;
	v15 =	vmov s29;
	v6 =	vand.u32 $0x70, v6;
	v4 =	vsub.f32 $1.500000000e+00, v4  }
0x145: {  	v7 =	vmov s21;
	v8 =	vmov s22;
	v6 =	vbroadcast v6, $0x0  }
0x146: {  	v7 =	vand.u32 $0x71, v7;
	v4 =	vmul.f32 v4, v2;
	v2 =	vor.u32 $0x1000, v0  }
0x147: {  	s26 =	simm.s32 $0xD;
	v8 =	vand.u32 $0x72, v8;
	v7 =	vbroadcast v7, $0x0;
	v6 =	vor.u32 v2, v6  }
0x148: {  	s30 =	simm.s32 $0x3;
	v15 =	vand.u32 $0x7B, v15;
	v12 =	vmov s26;
	v8 =	vbroadcast v8, $0x0  }
0x149: {  	s26 =	simm.s32 $0x8;
	v5 =	vmov s30;
	v7 =	vor.u32 v2, v7;
	v3 =	vmul.f32 v4, v3  }
0x14a: {  	s24 =	simm.s32 $0x4;
	v15 =	vbroadcast v15, $0x0;
	v23 =	vmov s26;
	v5 =	vand.u32 $0x73, v5  }
0x14b: {  	s28 =	simm.s32 $0x5;
	v10 =	vmov s24;
	v5 =	vbroadcast v5, $0x0;
	v8 =	vor.u32 v2, v8;
	[tilespmem:$0x5110] =	vst v3  }
0x14c: {  	v12 =	vand.u32 $0x7D, v12;
	v10 =	vand.u32 $0x74, v10;
	v13 =	vmov s28;
	v14 =	vld.idx.msk [tilespmem:v6+s12+$0x0], $0xffff  }
0x14d: {  	s24 =	simm.s32 $0xA;
	v10 =	vbroadcast v10, $0x0;
	v13 =	vand.u32 $0x75, v13;
	v5 =	vor.u32 v2, v5;
	v6 =	vld.idx.msk [tilespmem:v6+s13+$0x0], $0xffff  }
0x14e: {  	s25 =	simm.s32 $0xE;
	v12 =	vbroadcast v12, $0x0;
	v50 =	vmov s24;
	v13 =	vbroadcast v13, $0x0;
	s31 =	simm.s32 $0x6;
	v48 =	vld.idx.msk [tilespmem:v7+s12+$0x0], $0xffff  }
0x14f: {  	v47 =	vmov s31;
	v10 =	vor.u32 v2, v10;
	v3 =	vmov s25;
	s25 =	simm.s32 $0x7;
	v7 =	vld.idx.msk [tilespmem:v7+s13+$0x0], $0xffff  }
0x150: {  	v20 =	vand.u32 $0x7A, v50;
	v17 =	vand.u32 $0x76, v47;
	v51 =	vmov s25;
	v52 =	vld.idx.msk [tilespmem:v8+s12+$0x0], $0xffff  }
0x151: {  	s23 =	simm.s32 $0xF;
	v17 =	vbroadcast v17, $0x0;
	v13 =	vor.u32 v2, v13;
	v21 =	vand.u32 $0x77, v51;
	v8 =	vld.idx.msk [tilespmem:v8+s13+$0x0], $0xffff  }
0x152: {  	v57 =	vbroadcast v20, $0x0;
	v9 =	vmov s23;
	s23 =	simm.s32 $0x9;
	v11 =	vld.idx.msk [tilespmem:v5+s12+$0x0], $0xffff;
	v21 =	vbroadcast v21, $0x0  }
0x153: {  	v49 =	vmov s23;
	v17 =	vor.u32 v2, v17;
	v5 =	vld.idx.msk [tilespmem:v5+s13+$0x0], $0xffff;
	v6 =	vsub.f32 v14, v6  }
0x154: {  	v54 =	vand.u32 $0x79, v49;
	v53 =	vld.idx.msk [tilespmem:v10+s12+$0x0], $0xffff;
	v21 =	vor.u32 v2, v21;
	v14 =	vand.u32 $0x78, v23  }
0x155: {  	s30 =	simm.s32 $0xC;
	v10 =	vld.idx.msk [tilespmem:v10+s13+$0x0], $0xffff;
	v7 =	vsub.f32 v48, v7;
	v14 =	vbroadcast v14, $0x0;
	v6 =	vadd.f32 $9.999999970e-07, v6  }
0x156: {  	v18 =	vbroadcast v54, $0x0;
	v46 =	vmov s30;
	v55 =	vld.idx.msk [tilespmem:v13+s12+$0x0], $0xffff;
	v8 =	vsub.f32 v52, v8  }
0x157: {  	v13 =	vld.idx.msk [tilespmem:v13+s13+$0x0], $0xffff;
	v7 =	vadd.f32 $9.999999970e-07, v7;
	v14 =	vor.u32 v2, v14;
	v6 =	vmul.f32 v6, v6  }
0x158: {  	v4 =	vimm.f32 $0.0e+00;
	v56 =	vld.idx.msk [tilespmem:v17+s12+$0x0], $0xffff;
	v5 =	vsub.f32 v11, v5;
	v11 =	vor.u32 v2, v18  }
0x159: {  	v17 =	vld.idx.msk [tilespmem:v17+s13+$0x0], $0xffff;
	v4 =	vadd.f32 v6, v4;
	v6 =	vmul.f32 v7, v7;
	v7 =	vadd.f32 $9.999999970e-07, v8  }
0x15a: {  	v16 =	vand.u32 $0x7C, v46;
	v15 =	vor.u32 v2, v15;
	v10 =	vsub.f32 v53, v10;
	v58 =	vld.idx.msk [tilespmem:v21+s13+$0x0], $0xffff  }
0x15b: {  	v5 =	vadd.f32 $9.999999970e-07, v5;
	v8 =	vld.idx.msk [tilespmem:v21+s12+$0x0], $0xffff;
	v4 =	vadd.f32 v6, v4;
	v6 =	vmul.f32 v7, v7  }
0x15c: {  	v16 =	vbroadcast v16, $0x0;
	v18 =	vor.u32 v2, v57;
	v13 =	vsub.f32 v55, v13;
	v7 =	vld.idx.msk [tilespmem:v14+s12+$0x0], $0xffff  }
0x15d: {  	v5 =	vmul.f32 v5, v5;
	v14 =	vld.idx.msk [tilespmem:v14+s13+$0x0], $0xffff;
	v4 =	vadd.f32 v6, v4;
	v6 =	vadd.f32 $9.999999970e-07, v10  }
0x15e: {  	v16 =	vor.u32 v2, v16;
	v3 =	vand.u32 $0x7E, v3;
	v17 =	vsub.f32 v56, v17;
	v10 =	vld.idx.msk [tilespmem:v11+s12+$0x0], $0xffff  }
0x15f: {  	v11 =	vld.idx.msk [tilespmem:v11+s13+$0x0], $0xffff;
	v4 =	vadd.f32 v5, v4;
	v5 =	vmul.f32 v6, v6;
	v6 =	vadd.f32 $9.999999970e-07, v13  }
0x160: {  	v12 =	vor.u32 v2, v12;
	v3 =	vbroadcast v3, $0x0;
	v59 =	vld.idx.msk [tilespmem:v15+s12+$0x0], $0xffff;
	v8 =	vsub.f32 v8, v58  }
0x161: {  	v13 =	vld.idx.msk [tilespmem:v18+s12+$0x0], $0xffff;
	v4 =	vadd.f32 v5, v4;
	v5 =	vmul.f32 v6, v6;
	v6 =	vadd.f32 $9.999999970e-07, v17  }
0x162: {  	v9 =	vand.u32 $0x7F, v9;
	v18 =	vld.idx.msk [tilespmem:v18+s13+$0x0], $0xffff;
	v7 =	vsub.f32 v7, v14;
	v14 =	vor.u32 v2, v3  }
0x163: {  	v15 =	vld.idx.msk [tilespmem:v15+s13+$0x0], $0xffff;
	v3 =	vadd.f32 v5, v4;
	v4 =	vmul.f32 v6, v6;
	v5 =	vadd.f32 $9.999999970e-07, v8  }
0x164: {  	s20 =	simm.s32 $0x1F;
	v10 =	vsub.f32 v10, v11;
	v11 =	vld.idx.msk [tilespmem:v16+s13+$0x0], $0xffff;
	v7 =	vadd.f32 $9.999999970e-07, v7;
	v6 =	vbroadcast v9, $0x0  }
0x165: {  	v8 =	vld.idx.msk [tilespmem:v16+s12+$0x0], $0xffff;
	v9 =	vmov s20;
	v4 =	vadd.f32 v4, v3;
	v5 =	vmul.f32 v5, v5  }
0x166: {  	v7 =	vmul.f32 v7, v7;
	v10 =	vadd.f32 $9.999999970e-07, v10;
	v60 =	vor.u32 v2, v6;
	v6 =	vld.idx.msk [tilespmem:v12+s12+$0x0], $0xffff  }
0x167: {  	v3 =	vand.u32 $0x7F, v9;
	v9 =	vsub.f32 v13, v18;
	v12 =	vld.idx.msk [tilespmem:v12+s13+$0x0], $0xffff;
	v5 =	vadd.f32 v5, v4;
	_ =	sdelay $0x1  }
0x168: {  	v9 =	vadd.f32 $9.999999970e-07, v9;
	v5 =	vadd.f32 v7, v5;
	v7 =	vmul.f32 v10, v10  }
0x169: {  	s29 =	simm.s32 $0x13;
	v15 =	vsub.f32 v59, v15;
	v61 =	vld.idx.msk [tilespmem:v14+s12+$0x0], $0xffff  }
0x16a: {  	s31 =	simm.s32 $0x11;
	v13 =	vmov s29;
	v62 =	vld.idx.msk [tilespmem:v14+s13+$0x0], $0xffff;
	v9 =	vmul.f32 v9, v9;
	v7 =	vadd.f32 v7, v5  }
0x16b: {  	v11 =	vsub.f32 v8, v11;
	v10 =	vmov s31;
	v8 =	vsub.f32 v6, v12;
	v6 =	vld.idx.msk [tilespmem:v60+s12+$0x0], $0xffff  }
0x16c: {  	s30 =	simm.s32 $0x10;
	v14 =	vadd.f32 $9.999999970e-07, v15;
	v5 =	vand.u32 $0x71, v10;
	v10 =	vadd.f32 v9, v7;
	v7 =	vld.idx.msk [tilespmem:v60+s13+$0x0], $0xffff  }
0x16d: {  	s28 =	simm.s32 $0x12;
	v63 =	vmov s30;
	v15 =	vand.u32 $0x73, v13  }
0x16e: {  	v4 =	vmov s28;
	v13 =	vmul.f32 v14, v14;
	v14 =	vadd.f32 $9.999999970e-07, v11  }
0x16f: {  	s21 =	simm.s32 $0x2F;
	v11 =	vand.u32 $0x70, v63;
	v12 =	vbroadcast v15, $0x0;
	v9 =	vsub.f32 v61, v62  }
.LBB2_7:
0x170: {  	p0 =	sne.s32 s21, $0x7F;
	v10 =	vadd.f32 v13, v10;
	v13 =	vmul.f32 v14, v14;
	v8 =	vadd.f32 $9.999999970e-07, v8  }
0x171: {  	v11 =	vbroadcast v11, $0x0;
	v6 =	vsub.f32 v6, v7;
	v12 =	vor.u32 v2, v12  }
0x172: {  	v9 =	vadd.f32 $9.999999970e-07, v9;
	v7 =	vadd.f32 v13, v10;
	v8 =	vmul.f32 v8, v8  }
0x173: {  	v5 =	vbroadcast v5, $0x0;
	v4 =	vand.u32 $0x72, v4;
	v10 =	vor.u32 v2, v11  }
0x174: {  	s22 =	sadd.s32 $0xFFFFFFFF, s20;
	v6 =	vadd.f32 $9.999999970e-07, v6;
	v7 =	vadd.f32 v8, v7;
	v8 =	vmul.f32 v9, v9  }
0x175: {  	s23 =	sadd.s32 $0xFFFFFFF5, s20;
	v4 =	vbroadcast v4, $0x0;
	v5 =	vor.u32 v2, v5;
	v9 =	vmov s22  }
0x176: {  	v11 =	vmov s23;
	s22 =	sadd.s32 $0xFFFFFFFE, s20;
	v6 =	vmul.f32 v6, v6;
	v7 =	vadd.f32 v8, v7  }
0x177: {  	s23 =	sadd.s32 $0xFFFFFFF6, s20;
	v4 =	vor.u32 v2, v4;
	v11 =	vand.u32 $0x74, v11;
	v13 =	vmov s22;
	v8 =	vld.idx.msk [tilespmem:v12+s12+$0x0], $0xffff  }
0x178: {  	v15 =	vmov s23;
	s23 =	sadd.s32 $0xFFFFFFFD, s20;
	v11 =	vbroadcast v11, $0x0;
	s22 =	sadd.s32 $0xFFFFFFFC, s20;
	v14 =	vld.idx.msk [tilespmem:v10+s12+$0x0], $0xffff;
	v6 =	vadd.f32 v6, v7  }
0x179: {  	s24 =	sadd.s32 $0xFFFFFFF7, s20;
	v16 =	vmov s23;
	v7 =	vld.idx.msk [tilespmem:v10+s13+$0x0], $0xffff;
	v10 =	vand.u32 $0x75, v15;
	v15 =	vmov s22  }
0x17a: {  	v18 =	vmov s24;
	s23 =	sadd.s32 $0xFFFFFFFB, s20;
	v11 =	vor.u32 v2, v11;
	s22 =	sadd.s32 $0xFFFFFFFA, s20;
	v17 =	vld.idx.msk [tilespmem:v5+s12+$0x0], $0xffff;
	v10 =	vbroadcast v10, $0x0  }
0x17b: {  	s24 =	sadd.s32 $0xFFFFFFF8, s20;
	v18 =	vand.u32 $0x76, v18;
	v20 =	vmov s23;
	v19 =	vmov s22;
	v5 =	vld.idx.msk [tilespmem:v5+s13+$0x0], $0xffff  }
0x17c: {  	v22 =	vmov s24;
	v18 =	vbroadcast v18, $0x0;
	s22 =	sadd.s32 $0xFFFFFFF9, s20;
	s20 =	smov.u32 s21;
	v21 =	vld.idx.msk [tilespmem:v4+s12+$0x0], $0xffff;
	v10 =	vor.u32 v2, v10  }
0x17d: {  	v22 =	vand.u32 $0x77, v22;
	v9 =	vand.u32 $0x7E, v9;
	v23 =	vmov s22;
	v4 =	vld.idx.msk [tilespmem:v4+s13+$0x0], $0xffff  }
0x17e: {  	v22 =	vbroadcast v22, $0x0;
	v18 =	vor.u32 v2, v18;
	v13 =	vand.u32 $0x7D, v13;
	v12 =	vld.idx.msk [tilespmem:v12+s13+$0x0], $0xffff  }
0x17f: {  	v16 =	vand.u32 $0x7C, v16;
	v23 =	vand.u32 $0x78, v23;
	v7 =	vsub.f32 v14, v7;
	v14 =	vld.idx.msk [tilespmem:v11+s12+$0x0], $0xffff  }
0x180: {  	v22 =	vor.u32 v2, v22;
	v15 =	vand.u32 $0x7B, v15;
	v23 =	vbroadcast v23, $0x0;
	v11 =	vld.idx.msk [tilespmem:v11+s13+$0x0], $0xffff  }
0x181: {  	v19 =	vand.u32 $0x79, v19;
	v7 =	vadd.f32 $9.999999970e-07, v7;
	v5 =	vsub.f32 v17, v5;
	v17 =	vld.idx.msk [tilespmem:v10+s12+$0x0], $0xffff  }
0x182: {  	v20 =	vand.u32 $0x7A, v20;
	v19 =	vbroadcast v19, $0x0;
	v23 =	vor.u32 v2, v23;
	v10 =	vld.idx.msk [tilespmem:v10+s13+$0x0], $0xffff  }
0x183: {  	v7 =	vmul.f32 v7, v7;
	v5 =	vadd.f32 $9.999999970e-07, v5;
	v4 =	vsub.f32 v21, v4;
	v21 =	vld.idx.msk [tilespmem:v18+s12+$0x0], $0xffff  }
0x184: {  	v8 =	vsub.f32 v8, v12;
	v12 =	vld.idx.msk [tilespmem:v18+s13+$0x0], $0xffff;
	v18 =	vor.u32 v2, v19;
	v19 =	vbroadcast v20, $0x0  }
0x185: {  	v6 =	vadd.f32 v7, v6;
	v5 =	vmul.f32 v5, v5;
	v4 =	vadd.f32 $9.999999970e-07, v4;
	v7 =	vld.idx.msk [tilespmem:v22+s12+$0x0], $0xffff  }
0x186: {  	v15 =	vbroadcast v15, $0x0;
	v11 =	vsub.f32 v14, v11;
	v14 =	vld.idx.msk [tilespmem:v22+s13+$0x0], $0xffff;
	v19 =	vor.u32 v2, v19  }
0x187: {  	v5 =	vadd.f32 v5, v6;
	v4 =	vmul.f32 v4, v4;
	v6 =	vadd.f32 $9.999999970e-07, v8;
	v8 =	vld.idx.msk [tilespmem:v23+s12+$0x0], $0xffff  }
0x188: {  	v16 =	vbroadcast v16, $0x0;
	v15 =	vor.u32 v2, v15;
	v10 =	vsub.f32 v17, v10;
	v17 =	vld.idx.msk [tilespmem:v23+s13+$0x0], $0xffff  }
0x189: {  	v4 =	vadd.f32 v4, v5;
	v5 =	vmul.f32 v6, v6;
	v6 =	vadd.f32 $9.999999970e-07, v11;
	v11 =	vld.idx.msk [tilespmem:v18+s12+$0x0], $0xffff  }
0x18a: {  	v13 =	vbroadcast v13, $0x0;
	v16 =	vor.u32 v2, v16;
	v12 =	vsub.f32 v21, v12;
	v18 =	vld.idx.msk [tilespmem:v18+s13+$0x0], $0xffff  }
0x18b: {  	v4 =	vadd.f32 v5, v4;
	v5 =	vmul.f32 v6, v6;
	v6 =	vadd.f32 $9.999999970e-07, v10;
	v10 =	vld.idx.msk [tilespmem:v19+s12+$0x0], $0xffff  }
0x18c: {  	v9 =	vbroadcast v9, $0x0;
	v13 =	vor.u32 v2, v13;
	v7 =	vsub.f32 v7, v14;
	v14 =	vld.idx.msk [tilespmem:v19+s13+$0x0], $0xffff  }
0x18d: {  	v4 =	vadd.f32 v5, v4;
	v5 =	vmul.f32 v6, v6;
	v6 =	vadd.f32 $9.999999970e-07, v12;
	v12 =	vld.idx.msk [tilespmem:v15+s12+$0x0], $0xffff  }
0x18e: {  	v3 =	vbroadcast v3, $0x0;
	v9 =	vor.u32 v2, v9;
	v8 =	vsub.f32 v8, v17;
	v15 =	vld.idx.msk [tilespmem:v15+s13+$0x0], $0xffff  }
0x18f: {  	v4 =	vadd.f32 v5, v4;
	v5 =	vmul.f32 v6, v6;
	v6 =	vadd.f32 $9.999999970e-07, v7;
	v7 =	vld.idx.msk [tilespmem:v16+s12+$0x0], $0xffff  }
0x190: {  	v17 =	vmov s21;
	v11 =	vsub.f32 v11, v18;
	v18 =	vor.u32 v2, v3;
	v16 =	vld.idx.msk [tilespmem:v16+s13+$0x0], $0xffff  }
0x191: {  	v4 =	vadd.f32 v5, v4;
	v5 =	vmul.f32 v6, v6;
	v6 =	vadd.f32 $9.999999970e-07, v8;
	v8 =	vld.idx.msk [tilespmem:v13+s12+$0x0], $0xffff  }
0x192: {  	v3 =	vand.u32 $0x7F, v17;
	v10 =	vsub.f32 v10, v14;
	v13 =	vld.idx.msk [tilespmem:v13+s13+$0x0], $0xffff  }
0x193: {  	s23 =	sadd.s32 $0xFFFFFFF4, s21;
	s22 =	sadd.s32 $0xFFFFFFF3, s21;
	v11 =	vadd.f32 $9.999999970e-07, v11;
	v5 =	vadd.f32 v5, v4;
	v6 =	vmul.f32 v6, v6;
	v17 =	vld.idx.msk [tilespmem:v9+s12+$0x0], $0xffff  }
0x194: {  	v14 =	vmov s23;
	v4 =	vmov s22;
	v12 =	vsub.f32 v12, v15;
	v9 =	vld.idx.msk [tilespmem:v9+s13+$0x0], $0xffff  }
0x195: {  	s23 =	sadd.s32 $0xFFFFFFF2, s21;
	s22 =	sadd.s32 $0xFFFFFFF1, s21;
	v11 =	vmul.f32 v11, v11;
	v10 =	vadd.f32 $9.999999970e-07, v10;
	v5 =	vadd.f32 v6, v5;
	v6 =	vld.idx.msk [tilespmem:v18+s12+$0x0], $0xffff  }
.Ltmp2:
0x196: {  	v19 =	vmov s23;
	v15 =	vmov s22;
	v16 =	vsub.f32 v7, v16;
	v7 =	vld.idx.msk [tilespmem:v18+s13+$0x0], $0xffff;
	(pc) =	sbr.rel @p0 .LBB2_7-.Ltmp2, $4  }
0x197: {  	v10 =	vmul.f32 v10, v10;
	v12 =	vadd.f32 $9.999999970e-07, v12;
	v11 =	vadd.f32 v11, v5  }
0x198: {  	v5 =	vand.u32 $0x71, v19;
	v18 =	vand.u32 $0x73, v14;
	v8 =	vsub.f32 v8, v13  }
0x199: {  	v13 =	vmul.f32 v12, v12;
	v14 =	vadd.f32 $9.999999970e-07, v16;
	v10 =	vadd.f32 v10, v11  }
0x19a: {  	s21 =	sadd.s32 $0x10, s21;
	v12 =	vbroadcast v18, $0x0;
	v11 =	vand.u32 $0x70, v15;
	v9 =	vsub.f32 v17, v9  }
0x19b: {  	v10 =	vadd.f32 v13, v10;
	v13 =	vmul.f32 v14, v14;
	v8 =	vadd.f32 $9.999999970e-07, v8  }
0x19c: {  	v11 =	vbroadcast v11, $0x0;
	v6 =	vsub.f32 v6, v7;
	v5 =	vbroadcast v5, $0x0  }
0x19d: {  	v4 =	vand.u32 $0x72, v4;
	v12 =	vor.u32 v2, v12;
	v9 =	vadd.f32 $9.999999970e-07, v9  }
0x19e: {  	s31 =	sadd.s32 $0xFFFFFFF6, s20;
	v7 =	vadd.f32 v13, v10;
	v8 =	vmul.f32 v8, v8;
	v5 =	vor.u32 v2, v5  }
0x19f: {  	v4 =	vbroadcast v4, $0x0;
	v14 =	vmov s31;
	v10 =	vor.u32 v2, v11  }
0x1a0: {  	s22 =	sadd.s32 $0xFFFFFFF5, s20;
	s24 =	sadd.s32 $0xFFFFFFFD, s20;
	s23 =	sadd.s32 $0xFFFFFFF7, s20;
	v6 =	vadd.f32 $9.999999970e-07, v6;
	v7 =	vadd.f32 v8, v7;
	v8 =	vmul.f32 v9, v9  }
0x1a1: {  	v16 =	vmov s24;
	v17 =	vmov s23;
	v11 =	vmov s22  }
0x1a2: {  	s25 =	sadd.s32 $0xFFFFFFFA, s20;
	s26 =	sadd.s32 $0xFFFFFFFB, s20;
	v4 =	vor.u32 v2, v4;
	v6 =	vmul.f32 v6, v6;
	v7 =	vadd.f32 v8, v7  }
0x1a3: {  	s28 =	sadd.s32 $0xFFFFFFF8, s20;
	v19 =	vmov s25;
	v20 =	vmov s26;
	v8 =	vand.u32 $0x74, v11;
	v18 =	vld.idx.msk [tilespmem:v5+s12+$0x0], $0xffff  }
0x1a4: {  	s29 =	sadd.s32 $0xFFFFFFF9, s20;
	v21 =	vmov s28;
	v8 =	vbroadcast v8, $0x0;
	v6 =	vadd.f32 v6, v7;
	v7 =	vld.idx.msk [tilespmem:v10+s12+$0x0], $0xffff  }
0x1a5: {  	v23 =	vmov s29;
	v14 =	vand.u32 $0x75, v14;
	v17 =	vand.u32 $0x76, v17;
	v10 =	vld.idx.msk [tilespmem:v10+s13+$0x0], $0xffff  }
0x1a6: {  	v21 =	vand.u32 $0x77, v21;
	v14 =	vbroadcast v14, $0x0;
	v5 =	vld.idx.msk [tilespmem:v5+s13+$0x0], $0xffff;
	v8 =	vor.u32 v2, v8  }
0x1a7: {  	v16 =	vand.u32 $0x7C, v16;
	v39 =	vand.u32 $0x79, v19;
	v20 =	vand.u32 $0x7A, v20;
	v22 =	vld.idx.msk [tilespmem:v4+s12+$0x0], $0xffff  }
0x1a8: {  	s22 =	sadd.s32 $0xFFFFFFFC, s20;
	v17 =	vbroadcast v17, $0x0;
	v21 =	vbroadcast v21, $0x0;
	v14 =	vor.u32 v2, v14;
	v4 =	vld.idx.msk [tilespmem:v4+s13+$0x0], $0xffff  }
0x1a9: {  	s21 =	sadd.s32 $0xFFFFFFFF, s20;
	v15 =	vmov s22;
	v42 =	vbroadcast v20, $0x0;
	v16 =	vbroadcast v16, $0x0;
	v13 =	vld.idx.msk [tilespmem:v12+s12+$0x0], $0xffff  }
0x1aa: {  	v9 =	vmov s21;
	v17 =	vor.u32 v2, v17;
	v12 =	vld.idx.msk [tilespmem:v12+s13+$0x0], $0xffff;
	v7 =	vsub.f32 v7, v10  }
0x1ab: {  	v15 =	vand.u32 $0x7B, v15;
	v21 =	vor.u32 v2, v21;
	v10 =	vand.u32 $0x78, v23;
	v38 =	vld.idx.msk [tilespmem:v8+s12+$0x0], $0xffff  }
0x1ac: {  	v5 =	vsub.f32 v18, v5;
	v10 =	vbroadcast v10, $0x0;
	v8 =	vld.idx.msk [tilespmem:v8+s13+$0x0], $0xffff;
	v7 =	vadd.f32 $9.999999970e-07, v7  }
0x1ad: {  	v9 =	vand.u32 $0x7E, v9;
	v40 =	vld.idx.msk [tilespmem:v14+s12+$0x0], $0xffff;
	v18 =	vbroadcast v39, $0x0;
	v4 =	vsub.f32 v22, v4  }
0x1ae: {  	v14 =	vld.idx.msk [tilespmem:v14+s13+$0x0], $0xffff;
	v5 =	vadd.f32 $9.999999970e-07, v5;
	v10 =	vor.u32 v2, v10;
	v7 =	vmul.f32 v7, v7  }
0x1af: {  	v15 =	vbroadcast v15, $0x0;
	v41 =	vld.idx.msk [tilespmem:v17+s12+$0x0], $0xffff;
	v12 =	vsub.f32 v13, v12;
	v13 =	vor.u32 v2, v18  }
0x1b0: {  	s30 =	sadd.s32 $0xFFFFFFFE, s20;
	v17 =	vld.idx.msk [tilespmem:v17+s13+$0x0], $0xffff;
	v4 =	vadd.f32 $9.999999970e-07, v4;
	v5 =	vmul.f32 v5, v5;
	v6 =	vadd.f32 v7, v6  }
0x1b1: {  	v11 =	vmov s30;
	v43 =	vld.idx.msk [tilespmem:v21+s13+$0x0], $0xffff;
	v18 =	vor.u32 v2, v42;
	v8 =	vsub.f32 v38, v8  }
0x1b2: {  	v4 =	vmul.f32 v4, v4;
	v7 =	vld.idx.msk [tilespmem:v21+s12+$0x0], $0xffff;
	v5 =	vadd.f32 v5, v6;
	v6 =	vadd.f32 $9.999999970e-07, v12  }
0x1b3: {  	v11 =	vand.u32 $0x7D, v11;
	v15 =	vor.u32 v2, v15;
	v14 =	vsub.f32 v40, v14;
	v12 =	vld.idx.msk [tilespmem:v10+s12+$0x0], $0xffff  }
0x1b4: {  	v10 =	vld.idx.msk [tilespmem:v10+s13+$0x0], $0xffff;
	v4 =	vadd.f32 v4, v5;
	v5 =	vmul.f32 v6, v6;
	v6 =	vadd.f32 $9.999999970e-07, v8  }
0x1b5: {  	v16 =	vor.u32 v2, v16;
	v11 =	vbroadcast v11, $0x0;
	v17 =	vsub.f32 v41, v17;
	v8 =	vld.idx.msk [tilespmem:v13+s12+$0x0], $0xffff  }
0x1b6: {  	v13 =	vld.idx.msk [tilespmem:v13+s13+$0x0], $0xffff;
	v4 =	vadd.f32 v5, v4;
	v5 =	vmul.f32 v6, v6;
	v6 =	vadd.f32 $9.999999970e-07, v14  }
0x1b7: {  	v9 =	vbroadcast v9, $0x0;
	v11 =	vor.u32 v2, v11;
	v7 =	vsub.f32 v7, v43;
	v14 =	vld.idx.msk [tilespmem:v18+s12+$0x0], $0xffff  }
0x1b8: {  	v18 =	vld.idx.msk [tilespmem:v18+s13+$0x0], $0xffff;
	v4 =	vadd.f32 v5, v4;
	v5 =	vmul.f32 v6, v6;
	v6 =	vadd.f32 $9.999999970e-07, v17  }
0x1b9: {  	v3 =	vbroadcast v3, $0x0;
	v9 =	vor.u32 v2, v9;
	v44 =	vld.idx.msk [tilespmem:v15+s12+$0x0], $0xffff;
	v10 =	vsub.f32 v12, v10  }
0x1ba: {  	v12 =	vld.idx.msk [tilespmem:v15+s13+$0x0], $0xffff;
	v4 =	vadd.f32 v5, v4;
	v5 =	vmul.f32 v6, v6;
	v6 =	vadd.f32 $9.999999970e-07, v7  }
0x1bb: {  	v2 =	vor.u32 v2, v3;
	v3 =	vld.idx.msk [tilespmem:v16+s13+$0x0], $0xffff;
	v8 =	vsub.f32 v8, v13  }
0x1bc: {  	v7 =	vld.idx.msk [tilespmem:v16+s12+$0x0], $0xffff;
	v4 =	vadd.f32 v5, v4;
	v5 =	vmul.f32 v6, v6;
	v6 =	vadd.f32 $9.999999970e-07, v10  }
0x1bd: {  	v13 =	vsub.f32 v14, v18;
	v10 =	vld.idx.msk [tilespmem:v11+s12+$0x0], $0xffff  }
0x1be: {  	v11 =	vld.idx.msk [tilespmem:v11+s13+$0x0], $0xffff;
	v4 =	vadd.f32 v5, v4;
	v5 =	vmul.f32 v6, v6;
	v6 =	vadd.f32 $9.999999970e-07, v8  }
0x1bf: {  	v12 =	vsub.f32 v44, v12;
	v8 =	vld.idx.msk [tilespmem:v9+s12+$0x0], $0xffff  }
0x1c0: {  	v9 =	vld.idx.msk [tilespmem:v9+s13+$0x0], $0xffff;
	v4 =	vadd.f32 v5, v4;
	v5 =	vmul.f32 v6, v6;
	v6 =	vadd.f32 $9.999999970e-07, v13  }
0x1c1: {  	v3 =	vsub.f32 v7, v3;
	v13 =	vld.idx.msk [tilespmem:v2+s12+$0x0], $0xffff  }
0x1c2: {  	v2 =	vld.idx.msk [tilespmem:v2+s13+$0x0], $0xffff;
	v4 =	vadd.f32 v5, v4;
	v5 =	vmul.f32 v6, v6;
	v6 =	vadd.f32 $9.999999970e-07, v12  }
0x1c3: {  	v7 =	vsub.f32 v10, v11  }
0x1c4: {  	v3 =	vadd.f32 $9.999999970e-07, v3;
	v4 =	vadd.f32 v5, v4;
	v5 =	vmul.f32 v6, v6  }
0x1c5: {  	v6 =	vsub.f32 v8, v9  }
0x1c6: {  	v3 =	vmul.f32 v3, v3;
	v4 =	vadd.f32 v5, v4;
	v5 =	vadd.f32 $9.999999970e-07, v7  }
0x1c7: {  	v2 =	vsub.f32 v13, v2  }
0x1c8: {  	v3 =	vadd.f32 v3, v4;
	v4 =	vmul.f32 v5, v5;
	v5 =	vadd.f32 $9.999999970e-07, v6;
	_ =	sdelay $0x1  }
0x1c9: {  	v2 =	vadd.f32 $9.999999970e-07, v2;
	v3 =	vadd.f32 v4, v3;
	v4 =	vmul.f32 v5, v5;
	_ =	sdelay $0x1  }
0x1ca: {  	v2 =	vmul.f32 v2, v2;
	v3 =	vadd.f32 v4, v3;
	_ =	sdelay $0x1  }
0x1cb: {  	v3 =	vadd.f32 v2, v3;
	_ =	sdelay $0x1  }
0x1cc: {  	v2 =	vshra.s32 v3, $0x1;
	v4 =	vmul.f32 $5.000000000e-01, v3  }
0x1cd: {  	v2 =	vsub.s32 $0x5F3759DF, v2  }
0x1ce: {  	v5 =	vmul.f32 v2, v4;
	_ =	sdelay $0x1  }
0x1cf: {  	v5 =	vmul.f32 v2, v5;
	_ =	sdelay $0x1  }
0x1d0: {  	v5 =	vsub.f32 $1.500000000e+00, v5;
	_ =	sdelay $0x1  }
0x1d1: {  	v2 =	vmul.f32 v2, v5;
	_ =	sdelay $0x1  }
0x1d2: {  	v5 =	vmul.f32 v2, v4;
	_ =	sdelay $0x1  }
0x1d3: {  	v5 =	vmul.f32 v5, v2;
	_ =	sdelay $0x1  }
0x1d4: {  	v5 =	vsub.f32 $1.500000000e+00, v5;
	_ =	sdelay $0x1  }
0x1d5: {  	v2 =	vmul.f32 v5, v2;
	_ =	sdelay $0x1  }
0x1d6: {  	v4 =	vmul.f32 v2, v4;
	_ =	sdelay $0x1  }
0x1d7: {  	s31 =	simm.s32 $0x0;
	v4 =	vmul.f32 v4, v2  }
0x1d8: {  	s29 =	simm.s32 $0xB;
	v6 =	vmov s31  }
0x1d9: {  	s22 =	simm.s32 $0x2;
	s21 =	simm.s32 $0x1;
	v15 =	vmov s29;
	v6 =	vand.u32 $0x70, v6;
	v4 =	vsub.f32 $1.500000000e+00, v4  }
0x1da: {  	v8 =	vmov s22;
	v7 =	vmov s21;
	v6 =	vbroadcast v6, $0x0  }
0x1db: {  	v7 =	vand.u32 $0x71, v7;
	v4 =	vmul.f32 v4, v2;
	v2 =	vor.u32 $0x1800, v0  }
0x1dc: {  	s24 =	simm.s32 $0x4;
	v8 =	vand.u32 $0x72, v8;
	v7 =	vbroadcast v7, $0x0;
	v6 =	vor.u32 v2, v6  }
0x1dd: {  	s30 =	simm.s32 $0x3;
	v15 =	vand.u32 $0x7B, v15;
	v10 =	vmov s24;
	v8 =	vbroadcast v8, $0x0  }
0x1de: {  	v5 =	vmov s30;
	v7 =	vor.u32 v2, v7;
	v3 =	vmul.f32 v4, v3  }
0x1df: {  	s26 =	simm.s32 $0xD;
	v15 =	vbroadcast v15, $0x0;
	v10 =	vand.u32 $0x74, v10;
	v5 =	vand.u32 $0x73, v5  }
0x1e0: {  	s28 =	simm.s32 $0x5;
	s24 =	simm.s32 $0xA;
	v12 =	vmov s26;
	v5 =	vbroadcast v5, $0x0;
	v8 =	vor.u32 v2, v8;
	[tilespmem:$0x5120] =	vst v3  }
0x1e1: {  	v49 =	vmov s24;
	s26 =	simm.s32 $0x8;
	v10 =	vbroadcast v10, $0x0;
	v13 =	vmov s28;
	v14 =	vld.idx.msk [tilespmem:v6+s12+$0x0], $0xffff  }
0x1e2: {  	v52 =	vmov s26;
	v13 =	vand.u32 $0x75, v13;
	v5 =	vor.u32 v2, v5;
	v6 =	vld.idx.msk [tilespmem:v6+s13+$0x0], $0xffff  }
0x1e3: {  	s25 =	simm.s32 $0xE;
	v12 =	vand.u32 $0x7D, v12;
	v20 =	vand.u32 $0x7A, v49;
	v13 =	vbroadcast v13, $0x0;
	s31 =	simm.s32 $0x6;
	v47 =	vld.idx.msk [tilespmem:v7+s12+$0x0], $0xffff  }
0x1e4: {  	v46 =	vmov s31;
	v10 =	vor.u32 v2, v10;
	v3 =	vmov s25;
	s25 =	simm.s32 $0x7;
	v7 =	vld.idx.msk [tilespmem:v7+s13+$0x0], $0xffff  }
0x1e5: {  	v57 =	vbroadcast v20, $0x0;
	v17 =	vand.u32 $0x76, v46;
	v50 =	vmov s25;
	v51 =	vld.idx.msk [tilespmem:v8+s12+$0x0], $0xffff  }
0x1e6: {  	s23 =	simm.s32 $0xF;
	v17 =	vbroadcast v17, $0x0;
	v13 =	vor.u32 v2, v13;
	v21 =	vand.u32 $0x77, v50;
	v8 =	vld.idx.msk [tilespmem:v8+s13+$0x0], $0xffff  }
0x1e7: {  	v9 =	vmov s23;
	s23 =	simm.s32 $0x9;
	v12 =	vbroadcast v12, $0x0;
	v11 =	vld.idx.msk [tilespmem:v5+s12+$0x0], $0xffff;
	v21 =	vbroadcast v21, $0x0  }
0x1e8: {  	v48 =	vmov s23;
	v17 =	vor.u32 v2, v17;
	v5 =	vld.idx.msk [tilespmem:v5+s13+$0x0], $0xffff;
	v6 =	vsub.f32 v14, v6  }
0x1e9: {  	v54 =	vand.u32 $0x79, v48;
	v53 =	vld.idx.msk [tilespmem:v10+s12+$0x0], $0xffff;
	v21 =	vor.u32 v2, v21;
	v14 =	vand.u32 $0x78, v52  }
0x1ea: {  	s30 =	simm.s32 $0xC;
	v10 =	vld.idx.msk [tilespmem:v10+s13+$0x0], $0xffff;
	v7 =	vsub.f32 v47, v7;
	v14 =	vbroadcast v14, $0x0;
	v6 =	vadd.f32 $9.999999970e-07, v6  }
0x1eb: {  	v18 =	vbroadcast v54, $0x0;
	v45 =	vmov s30;
	v55 =	vld.idx.msk [tilespmem:v13+s12+$0x0], $0xffff;
	v8 =	vsub.f32 v51, v8  }
0x1ec: {  	v13 =	vld.idx.msk [tilespmem:v13+s13+$0x0], $0xffff;
	v7 =	vadd.f32 $9.999999970e-07, v7;
	v14 =	vor.u32 v2, v14;
	v6 =	vmul.f32 v6, v6  }
0x1ed: {  	v4 =	vimm.f32 $0.0e+00;
	v56 =	vld.idx.msk [tilespmem:v17+s12+$0x0], $0xffff;
	v5 =	vsub.f32 v11, v5;
	v11 =	vor.u32 v2, v18  }
0x1ee: {  	v17 =	vld.idx.msk [tilespmem:v17+s13+$0x0], $0xffff;
	v4 =	vadd.f32 v6, v4;
	v6 =	vmul.f32 v7, v7;
	v7 =	vadd.f32 $9.999999970e-07, v8  }
0x1ef: {  	v16 =	vand.u32 $0x7C, v45;
	v15 =	vor.u32 v2, v15;
	v10 =	vsub.f32 v53, v10;
	v58 =	vld.idx.msk [tilespmem:v21+s13+$0x0], $0xffff  }
0x1f0: {  	v5 =	vadd.f32 $9.999999970e-07, v5;
	v8 =	vld.idx.msk [tilespmem:v21+s12+$0x0], $0xffff;
	v4 =	vadd.f32 v6, v4;
	v6 =	vmul.f32 v7, v7  }
0x1f1: {  	v16 =	vbroadcast v16, $0x0;
	v18 =	vor.u32 v2, v57;
	v13 =	vsub.f32 v55, v13;
	v7 =	vld.idx.msk [tilespmem:v14+s12+$0x0], $0xffff  }
0x1f2: {  	v5 =	vmul.f32 v5, v5;
	v14 =	vld.idx.msk [tilespmem:v14+s13+$0x0], $0xffff;
	v4 =	vadd.f32 v6, v4;
	v6 =	vadd.f32 $9.999999970e-07, v10  }
0x1f3: {  	v16 =	vor.u32 v2, v16;
	v3 =	vand.u32 $0x7E, v3;
	v17 =	vsub.f32 v56, v17;
	v10 =	vld.idx.msk [tilespmem:v11+s12+$0x0], $0xffff  }
0x1f4: {  	v11 =	vld.idx.msk [tilespmem:v11+s13+$0x0], $0xffff;
	v4 =	vadd.f32 v5, v4;
	v5 =	vmul.f32 v6, v6;
	v6 =	vadd.f32 $9.999999970e-07, v13  }
0x1f5: {  	v12 =	vor.u32 v2, v12;
	v3 =	vbroadcast v3, $0x0;
	v59 =	vld.idx.msk [tilespmem:v15+s12+$0x0], $0xffff;
	v8 =	vsub.f32 v8, v58  }
0x1f6: {  	v13 =	vld.idx.msk [tilespmem:v18+s12+$0x0], $0xffff;
	v4 =	vadd.f32 v5, v4;
	v5 =	vmul.f32 v6, v6;
	v6 =	vadd.f32 $9.999999970e-07, v17  }
0x1f7: {  	v9 =	vand.u32 $0x7F, v9;
	v18 =	vld.idx.msk [tilespmem:v18+s13+$0x0], $0xffff;
	v7 =	vsub.f32 v7, v14;
	v14 =	vor.u32 v2, v3  }
0x1f8: {  	v15 =	vld.idx.msk [tilespmem:v15+s13+$0x0], $0xffff;
	v3 =	vadd.f32 v5, v4;
	v4 =	vmul.f32 v6, v6;
	v5 =	vadd.f32 $9.999999970e-07, v8  }
0x1f9: {  	s20 =	simm.s32 $0x1F;
	v10 =	vsub.f32 v10, v11;
	v11 =	vld.idx.msk [tilespmem:v16+s13+$0x0], $0xffff;
	v7 =	vadd.f32 $9.999999970e-07, v7;
	v6 =	vbroadcast v9, $0x0  }
0x1fa: {  	v8 =	vld.idx.msk [tilespmem:v16+s12+$0x0], $0xffff;
	v9 =	vmov s20;
	v4 =	vadd.f32 v4, v3;
	v5 =	vmul.f32 v5, v5  }
0x1fb: {  	v7 =	vmul.f32 v7, v7;
	v10 =	vadd.f32 $9.999999970e-07, v10;
	v60 =	vor.u32 v2, v6;
	v6 =	vld.idx.msk [tilespmem:v12+s12+$0x0], $0xffff  }
0x1fc: {  	v3 =	vand.u32 $0x7F, v9;
	v9 =	vsub.f32 v13, v18;
	v12 =	vld.idx.msk [tilespmem:v12+s13+$0x0], $0xffff;
	v5 =	vadd.f32 v5, v4;
	_ =	sdelay $0x1  }
0x1fd: {  	v9 =	vadd.f32 $9.999999970e-07, v9;
	v5 =	vadd.f32 v7, v5;
	v7 =	vmul.f32 v10, v10  }
0x1fe: {  	s29 =	simm.s32 $0x13;
	v15 =	vsub.f32 v59, v15;
	v61 =	vld.idx.msk [tilespmem:v14+s12+$0x0], $0xffff  }
0x1ff: {  	s31 =	simm.s32 $0x11;
	v13 =	vmov s29;
	v62 =	vld.idx.msk [tilespmem:v14+s13+$0x0], $0xffff;
	v9 =	vmul.f32 v9, v9;
	v7 =	vadd.f32 v7, v5  }
0x200: {  	v11 =	vsub.f32 v8, v11;
	v10 =	vmov s31;
	v8 =	vsub.f32 v6, v12;
	v6 =	vld.idx.msk [tilespmem:v60+s12+$0x0], $0xffff  }
0x201: {  	s30 =	simm.s32 $0x10;
	v14 =	vadd.f32 $9.999999970e-07, v15;
	v5 =	vand.u32 $0x71, v10;
	v10 =	vadd.f32 v9, v7;
	v7 =	vld.idx.msk [tilespmem:v60+s13+$0x0], $0xffff  }
0x202: {  	s28 =	simm.s32 $0x12;
	v63 =	vmov s30;
	v15 =	vand.u32 $0x73, v13  }
0x203: {  	v4 =	vmov s28;
	v13 =	vmul.f32 v14, v14;
	v14 =	vadd.f32 $9.999999970e-07, v11  }
0x204: {  	s21 =	simm.s32 $0x2F;
	v11 =	vand.u32 $0x70, v63;
	v12 =	vbroadcast v15, $0x0;
	v9 =	vsub.f32 v61, v62  }
.LBB2_9:
0x205: {  	p0 =	sne.s32 s21, $0x7F;
	v10 =	vadd.f32 v13, v10;
	v13 =	vmul.f32 v14, v14;
	v8 =	vadd.f32 $9.999999970e-07, v8  }
0x206: {  	v11 =	vbroadcast v11, $0x0;
	v6 =	vsub.f32 v6, v7;
	v12 =	vor.u32 v2, v12  }
0x207: {  	v9 =	vadd.f32 $9.999999970e-07, v9;
	v7 =	vadd.f32 v13, v10;
	v8 =	vmul.f32 v8, v8  }
0x208: {  	v5 =	vbroadcast v5, $0x0;
	v4 =	vand.u32 $0x72, v4;
	v10 =	vor.u32 v2, v11  }
0x209: {  	s22 =	sadd.s32 $0xFFFFFFFF, s20;
	v6 =	vadd.f32 $9.999999970e-07, v6;
	v7 =	vadd.f32 v8, v7;
	v8 =	vmul.f32 v9, v9  }
0x20a: {  	s23 =	sadd.s32 $0xFFFFFFF5, s20;
	v4 =	vbroadcast v4, $0x0;
	v5 =	vor.u32 v2, v5;
	v9 =	vmov s22  }
0x20b: {  	v11 =	vmov s23;
	s22 =	sadd.s32 $0xFFFFFFFE, s20;
	v6 =	vmul.f32 v6, v6;
	v7 =	vadd.f32 v8, v7  }
0x20c: {  	s23 =	sadd.s32 $0xFFFFFFF6, s20;
	v4 =	vor.u32 v2, v4;
	v11 =	vand.u32 $0x74, v11;
	v13 =	vmov s22;
	v8 =	vld.idx.msk [tilespmem:v12+s12+$0x0], $0xffff  }
0x20d: {  	v15 =	vmov s23;
	s23 =	sadd.s32 $0xFFFFFFFD, s20;
	v11 =	vbroadcast v11, $0x0;
	s22 =	sadd.s32 $0xFFFFFFFC, s20;
	v14 =	vld.idx.msk [tilespmem:v10+s12+$0x0], $0xffff;
	v6 =	vadd.f32 v6, v7  }
0x20e: {  	s24 =	sadd.s32 $0xFFFFFFF7, s20;
	v16 =	vmov s23;
	v7 =	vld.idx.msk [tilespmem:v10+s13+$0x0], $0xffff;
	v10 =	vand.u32 $0x75, v15;
	v15 =	vmov s22  }
0x20f: {  	v18 =	vmov s24;
	s23 =	sadd.s32 $0xFFFFFFFB, s20;
	v11 =	vor.u32 v2, v11;
	s22 =	sadd.s32 $0xFFFFFFFA, s20;
	v17 =	vld.idx.msk [tilespmem:v5+s12+$0x0], $0xffff;
	v10 =	vbroadcast v10, $0x0  }
0x210: {  	s24 =	sadd.s32 $0xFFFFFFF8, s20;
	v18 =	vand.u32 $0x76, v18;
	v20 =	vmov s23;
	v19 =	vmov s22;
	v5 =	vld.idx.msk [tilespmem:v5+s13+$0x0], $0xffff  }
0x211: {  	v22 =	vmov s24;
	v18 =	vbroadcast v18, $0x0;
	s22 =	sadd.s32 $0xFFFFFFF9, s20;
	s20 =	smov.u32 s21;
	v21 =	vld.idx.msk [tilespmem:v4+s12+$0x0], $0xffff;
	v10 =	vor.u32 v2, v10  }
0x212: {  	v22 =	vand.u32 $0x77, v22;
	v9 =	vand.u32 $0x7E, v9;
	v23 =	vmov s22;
	v4 =	vld.idx.msk [tilespmem:v4+s13+$0x0], $0xffff  }
0x213: {  	v22 =	vbroadcast v22, $0x0;
	v18 =	vor.u32 v2, v18;
	v13 =	vand.u32 $0x7D, v13;
	v12 =	vld.idx.msk [tilespmem:v12+s13+$0x0], $0xffff  }
0x214: {  	v16 =	vand.u32 $0x7C, v16;
	v23 =	vand.u32 $0x78, v23;
	v7 =	vsub.f32 v14, v7;
	v14 =	vld.idx.msk [tilespmem:v11+s12+$0x0], $0xffff  }
0x215: {  	v22 =	vor.u32 v2, v22;
	v15 =	vand.u32 $0x7B, v15;
	v23 =	vbroadcast v23, $0x0;
	v11 =	vld.idx.msk [tilespmem:v11+s13+$0x0], $0xffff  }
0x216: {  	v19 =	vand.u32 $0x79, v19;
	v7 =	vadd.f32 $9.999999970e-07, v7;
	v5 =	vsub.f32 v17, v5;
	v17 =	vld.idx.msk [tilespmem:v10+s12+$0x0], $0xffff  }
0x217: {  	v20 =	vand.u32 $0x7A, v20;
	v19 =	vbroadcast v19, $0x0;
	v23 =	vor.u32 v2, v23;
	v10 =	vld.idx.msk [tilespmem:v10+s13+$0x0], $0xffff  }
0x218: {  	v7 =	vmul.f32 v7, v7;
	v5 =	vadd.f32 $9.999999970e-07, v5;
	v4 =	vsub.f32 v21, v4;
	v21 =	vld.idx.msk [tilespmem:v18+s12+$0x0], $0xffff  }
0x219: {  	v8 =	vsub.f32 v8, v12;
	v12 =	vld.idx.msk [tilespmem:v18+s13+$0x0], $0xffff;
	v18 =	vor.u32 v2, v19;
	v19 =	vbroadcast v20, $0x0  }
0x21a: {  	v6 =	vadd.f32 v7, v6;
	v5 =	vmul.f32 v5, v5;
	v4 =	vadd.f32 $9.999999970e-07, v4;
	v7 =	vld.idx.msk [tilespmem:v22+s12+$0x0], $0xffff  }
0x21b: {  	v15 =	vbroadcast v15, $0x0;
	v11 =	vsub.f32 v14, v11;
	v14 =	vld.idx.msk [tilespmem:v22+s13+$0x0], $0xffff;
	v19 =	vor.u32 v2, v19  }
0x21c: {  	v5 =	vadd.f32 v5, v6;
	v4 =	vmul.f32 v4, v4;
	v6 =	vadd.f32 $9.999999970e-07, v8;
	v8 =	vld.idx.msk [tilespmem:v23+s12+$0x0], $0xffff  }
0x21d: {  	v16 =	vbroadcast v16, $0x0;
	v15 =	vor.u32 v2, v15;
	v10 =	vsub.f32 v17, v10;
	v17 =	vld.idx.msk [tilespmem:v23+s13+$0x0], $0xffff  }
0x21e: {  	v4 =	vadd.f32 v4, v5;
	v5 =	vmul.f32 v6, v6;
	v6 =	vadd.f32 $9.999999970e-07, v11;
	v11 =	vld.idx.msk [tilespmem:v18+s12+$0x0], $0xffff  }
0x21f: {  	v13 =	vbroadcast v13, $0x0;
	v16 =	vor.u32 v2, v16;
	v12 =	vsub.f32 v21, v12;
	v18 =	vld.idx.msk [tilespmem:v18+s13+$0x0], $0xffff  }
0x220: {  	v4 =	vadd.f32 v5, v4;
	v5 =	vmul.f32 v6, v6;
	v6 =	vadd.f32 $9.999999970e-07, v10;
	v10 =	vld.idx.msk [tilespmem:v19+s12+$0x0], $0xffff  }
0x221: {  	v9 =	vbroadcast v9, $0x0;
	v13 =	vor.u32 v2, v13;
	v7 =	vsub.f32 v7, v14;
	v14 =	vld.idx.msk [tilespmem:v19+s13+$0x0], $0xffff  }
0x222: {  	v4 =	vadd.f32 v5, v4;
	v5 =	vmul.f32 v6, v6;
	v6 =	vadd.f32 $9.999999970e-07, v12;
	v12 =	vld.idx.msk [tilespmem:v15+s12+$0x0], $0xffff  }
0x223: {  	v3 =	vbroadcast v3, $0x0;
	v9 =	vor.u32 v2, v9;
	v8 =	vsub.f32 v8, v17;
	v15 =	vld.idx.msk [tilespmem:v15+s13+$0x0], $0xffff  }
0x224: {  	v4 =	vadd.f32 v5, v4;
	v5 =	vmul.f32 v6, v6;
	v6 =	vadd.f32 $9.999999970e-07, v7;
	v7 =	vld.idx.msk [tilespmem:v16+s12+$0x0], $0xffff  }
0x225: {  	v17 =	vmov s21;
	v11 =	vsub.f32 v11, v18;
	v18 =	vor.u32 v2, v3;
	v16 =	vld.idx.msk [tilespmem:v16+s13+$0x0], $0xffff  }
0x226: {  	v4 =	vadd.f32 v5, v4;
	v5 =	vmul.f32 v6, v6;
	v6 =	vadd.f32 $9.999999970e-07, v8;
	v8 =	vld.idx.msk [tilespmem:v13+s12+$0x0], $0xffff  }
0x227: {  	v3 =	vand.u32 $0x7F, v17;
	v10 =	vsub.f32 v10, v14;
	v13 =	vld.idx.msk [tilespmem:v13+s13+$0x0], $0xffff  }
0x228: {  	s23 =	sadd.s32 $0xFFFFFFF4, s21;
	s22 =	sadd.s32 $0xFFFFFFF3, s21;
	v11 =	vadd.f32 $9.999999970e-07, v11;
	v5 =	vadd.f32 v5, v4;
	v6 =	vmul.f32 v6, v6;
	v17 =	vld.idx.msk [tilespmem:v9+s12+$0x0], $0xffff  }
0x229: {  	v14 =	vmov s23;
	v4 =	vmov s22;
	v12 =	vsub.f32 v12, v15;
	v9 =	vld.idx.msk [tilespmem:v9+s13+$0x0], $0xffff  }
0x22a: {  	s23 =	sadd.s32 $0xFFFFFFF2, s21;
	s22 =	sadd.s32 $0xFFFFFFF1, s21;
	v11 =	vmul.f32 v11, v11;
	v10 =	vadd.f32 $9.999999970e-07, v10;
	v5 =	vadd.f32 v6, v5;
	v6 =	vld.idx.msk [tilespmem:v18+s12+$0x0], $0xffff  }
.Ltmp3:
0x22b: {  	v19 =	vmov s23;
	v15 =	vmov s22;
	v16 =	vsub.f32 v7, v16;
	v7 =	vld.idx.msk [tilespmem:v18+s13+$0x0], $0xffff;
	(pc) =	sbr.rel @p0 .LBB2_9-.Ltmp3, $4  }
0x22c: {  	v10 =	vmul.f32 v10, v10;
	v12 =	vadd.f32 $9.999999970e-07, v12;
	v11 =	vadd.f32 v11, v5  }
0x22d: {  	v5 =	vand.u32 $0x71, v19;
	v18 =	vand.u32 $0x73, v14;
	v8 =	vsub.f32 v8, v13  }
0x22e: {  	v13 =	vmul.f32 v12, v12;
	v14 =	vadd.f32 $9.999999970e-07, v16;
	v10 =	vadd.f32 v10, v11  }
0x22f: {  	s21 =	sadd.s32 $0x10, s21;
	v12 =	vbroadcast v18, $0x0;
	v11 =	vand.u32 $0x70, v15;
	v9 =	vsub.f32 v17, v9  }
0x230: {  	v10 =	vadd.f32 v13, v10;
	v13 =	vmul.f32 v14, v14;
	v8 =	vadd.f32 $9.999999970e-07, v8  }
0x231: {  	v11 =	vbroadcast v11, $0x0;
	v6 =	vsub.f32 v6, v7;
	v5 =	vbroadcast v5, $0x0  }
0x232: {  	v4 =	vand.u32 $0x72, v4;
	v12 =	vor.u32 v2, v12;
	v9 =	vadd.f32 $9.999999970e-07, v9  }
0x233: {  	s31 =	sadd.s32 $0xFFFFFFF6, s20;
	v7 =	vadd.f32 v13, v10;
	v8 =	vmul.f32 v8, v8;
	v5 =	vor.u32 v2, v5  }
0x234: {  	v4 =	vbroadcast v4, $0x0;
	v14 =	vmov s31;
	v10 =	vor.u32 v2, v11  }
0x235: {  	s22 =	sadd.s32 $0xFFFFFFF5, s20;
	s24 =	sadd.s32 $0xFFFFFFFD, s20;
	s23 =	sadd.s32 $0xFFFFFFF7, s20;
	v6 =	vadd.f32 $9.999999970e-07, v6;
	v7 =	vadd.f32 v8, v7;
	v8 =	vmul.f32 v9, v9  }
0x236: {  	v16 =	vmov s24;
	v17 =	vmov s23;
	v11 =	vmov s22  }
0x237: {  	s25 =	sadd.s32 $0xFFFFFFFA, s20;
	s26 =	sadd.s32 $0xFFFFFFFB, s20;
	v4 =	vor.u32 v2, v4;
	v6 =	vmul.f32 v6, v6;
	v7 =	vadd.f32 v8, v7  }
0x238: {  	s28 =	sadd.s32 $0xFFFFFFF8, s20;
	v19 =	vmov s25;
	v20 =	vmov s26;
	v8 =	vand.u32 $0x74, v11;
	v18 =	vld.idx.msk [tilespmem:v5+s12+$0x0], $0xffff  }
0x239: {  	s29 =	sadd.s32 $0xFFFFFFF9, s20;
	v21 =	vmov s28;
	v8 =	vbroadcast v8, $0x0;
	v6 =	vadd.f32 v6, v7;
	v7 =	vld.idx.msk [tilespmem:v10+s12+$0x0], $0xffff  }
0x23a: {  	v23 =	vmov s29;
	v14 =	vand.u32 $0x75, v14;
	v17 =	vand.u32 $0x76, v17;
	v10 =	vld.idx.msk [tilespmem:v10+s13+$0x0], $0xffff  }
0x23b: {  	v21 =	vand.u32 $0x77, v21;
	v14 =	vbroadcast v14, $0x0;
	v5 =	vld.idx.msk [tilespmem:v5+s13+$0x0], $0xffff;
	v8 =	vor.u32 v2, v8  }
0x23c: {  	v16 =	vand.u32 $0x7C, v16;
	v39 =	vand.u32 $0x79, v19;
	v20 =	vand.u32 $0x7A, v20;
	v22 =	vld.idx.msk [tilespmem:v4+s12+$0x0], $0xffff  }
0x23d: {  	s22 =	sadd.s32 $0xFFFFFFFC, s20;
	v17 =	vbroadcast v17, $0x0;
	v21 =	vbroadcast v21, $0x0;
	v14 =	vor.u32 v2, v14;
	v4 =	vld.idx.msk [tilespmem:v4+s13+$0x0], $0xffff  }
0x23e: {  	s21 =	sadd.s32 $0xFFFFFFFF, s20;
	v15 =	vmov s22;
	v42 =	vbroadcast v20, $0x0;
	v16 =	vbroadcast v16, $0x0;
	v13 =	vld.idx.msk [tilespmem:v12+s12+$0x0], $0xffff  }
0x23f: {  	v9 =	vmov s21;
	v17 =	vor.u32 v2, v17;
	v12 =	vld.idx.msk [tilespmem:v12+s13+$0x0], $0xffff;
	v7 =	vsub.f32 v7, v10  }
0x240: {  	v15 =	vand.u32 $0x7B, v15;
	v21 =	vor.u32 v2, v21;
	v10 =	vand.u32 $0x78, v23;
	v38 =	vld.idx.msk [tilespmem:v8+s12+$0x0], $0xffff  }
0x241: {  	v5 =	vsub.f32 v18, v5;
	v10 =	vbroadcast v10, $0x0;
	v8 =	vld.idx.msk [tilespmem:v8+s13+$0x0], $0xffff;
	v7 =	vadd.f32 $9.999999970e-07, v7  }
0x242: {  	v9 =	vand.u32 $0x7E, v9;
	v40 =	vld.idx.msk [tilespmem:v14+s12+$0x0], $0xffff;
	v18 =	vbroadcast v39, $0x0;
	v4 =	vsub.f32 v22, v4  }
0x243: {  	v14 =	vld.idx.msk [tilespmem:v14+s13+$0x0], $0xffff;
	v5 =	vadd.f32 $9.999999970e-07, v5;
	v10 =	vor.u32 v2, v10;
	v7 =	vmul.f32 v7, v7  }
0x244: {  	v15 =	vbroadcast v15, $0x0;
	v41 =	vld.idx.msk [tilespmem:v17+s12+$0x0], $0xffff;
	v12 =	vsub.f32 v13, v12;
	v13 =	vor.u32 v2, v18  }
0x245: {  	s30 =	sadd.s32 $0xFFFFFFFE, s20;
	v17 =	vld.idx.msk [tilespmem:v17+s13+$0x0], $0xffff;
	v4 =	vadd.f32 $9.999999970e-07, v4;
	v5 =	vmul.f32 v5, v5;
	v6 =	vadd.f32 v7, v6  }
0x246: {  	v11 =	vmov s30;
	v43 =	vld.idx.msk [tilespmem:v21+s13+$0x0], $0xffff;
	v18 =	vor.u32 v2, v42;
	v8 =	vsub.f32 v38, v8  }
0x247: {  	v4 =	vmul.f32 v4, v4;
	v7 =	vld.idx.msk [tilespmem:v21+s12+$0x0], $0xffff;
	v5 =	vadd.f32 v5, v6;
	v6 =	vadd.f32 $9.999999970e-07, v12  }
0x248: {  	v11 =	vand.u32 $0x7D, v11;
	v15 =	vor.u32 v2, v15;
	v14 =	vsub.f32 v40, v14;
	v12 =	vld.idx.msk [tilespmem:v10+s12+$0x0], $0xffff  }
0x249: {  	v10 =	vld.idx.msk [tilespmem:v10+s13+$0x0], $0xffff;
	v4 =	vadd.f32 v4, v5;
	v5 =	vmul.f32 v6, v6;
	v6 =	vadd.f32 $9.999999970e-07, v8  }
0x24a: {  	v16 =	vor.u32 v2, v16;
	v11 =	vbroadcast v11, $0x0;
	v17 =	vsub.f32 v41, v17;
	v8 =	vld.idx.msk [tilespmem:v13+s12+$0x0], $0xffff  }
0x24b: {  	v13 =	vld.idx.msk [tilespmem:v13+s13+$0x0], $0xffff;
	v4 =	vadd.f32 v5, v4;
	v5 =	vmul.f32 v6, v6;
	v6 =	vadd.f32 $9.999999970e-07, v14  }
0x24c: {  	v9 =	vbroadcast v9, $0x0;
	v11 =	vor.u32 v2, v11;
	v7 =	vsub.f32 v7, v43;
	v14 =	vld.idx.msk [tilespmem:v18+s12+$0x0], $0xffff  }
0x24d: {  	v18 =	vld.idx.msk [tilespmem:v18+s13+$0x0], $0xffff;
	v4 =	vadd.f32 v5, v4;
	v5 =	vmul.f32 v6, v6;
	v6 =	vadd.f32 $9.999999970e-07, v17  }
0x24e: {  	v3 =	vbroadcast v3, $0x0;
	v9 =	vor.u32 v2, v9;
	v44 =	vld.idx.msk [tilespmem:v15+s12+$0x0], $0xffff;
	v10 =	vsub.f32 v12, v10  }
0x24f: {  	v12 =	vld.idx.msk [tilespmem:v15+s13+$0x0], $0xffff;
	v4 =	vadd.f32 v5, v4;
	v5 =	vmul.f32 v6, v6;
	v6 =	vadd.f32 $9.999999970e-07, v7  }
0x250: {  	v2 =	vor.u32 v2, v3;
	v3 =	vld.idx.msk [tilespmem:v16+s13+$0x0], $0xffff;
	v8 =	vsub.f32 v8, v13  }
0x251: {  	v7 =	vld.idx.msk [tilespmem:v16+s12+$0x0], $0xffff;
	v4 =	vadd.f32 v5, v4;
	v5 =	vmul.f32 v6, v6;
	v6 =	vadd.f32 $9.999999970e-07, v10  }
0x252: {  	v13 =	vsub.f32 v14, v18;
	v10 =	vld.idx.msk [tilespmem:v11+s12+$0x0], $0xffff  }
0x253: {  	v11 =	vld.idx.msk [tilespmem:v11+s13+$0x0], $0xffff;
	v4 =	vadd.f32 v5, v4;
	v5 =	vmul.f32 v6, v6;
	v6 =	vadd.f32 $9.999999970e-07, v8  }
0x254: {  	v12 =	vsub.f32 v44, v12;
	v8 =	vld.idx.msk [tilespmem:v9+s12+$0x0], $0xffff  }
0x255: {  	v9 =	vld.idx.msk [tilespmem:v9+s13+$0x0], $0xffff;
	v4 =	vadd.f32 v5, v4;
	v5 =	vmul.f32 v6, v6;
	v6 =	vadd.f32 $9.999999970e-07, v13  }
0x256: {  	v3 =	vsub.f32 v7, v3;
	v13 =	vld.idx.msk [tilespmem:v2+s12+$0x0], $0xffff  }
0x257: {  	v2 =	vld.idx.msk [tilespmem:v2+s13+$0x0], $0xffff;
	v4 =	vadd.f32 v5, v4;
	v5 =	vmul.f32 v6, v6;
	v6 =	vadd.f32 $9.999999970e-07, v12  }
0x258: {  	v7 =	vsub.f32 v10, v11  }
0x259: {  	v3 =	vadd.f32 $9.999999970e-07, v3;
	v4 =	vadd.f32 v5, v4;
	v5 =	vmul.f32 v6, v6  }
0x25a: {  	v6 =	vsub.f32 v8, v9  }
0x25b: {  	v3 =	vmul.f32 v3, v3;
	v4 =	vadd.f32 v5, v4;
	v5 =	vadd.f32 $9.999999970e-07, v7  }
0x25c: {  	v2 =	vsub.f32 v13, v2  }
0x25d: {  	v3 =	vadd.f32 v3, v4;
	v4 =	vmul.f32 v5, v5;
	v5 =	vadd.f32 $9.999999970e-07, v6;
	_ =	sdelay $0x1  }
0x25e: {  	v2 =	vadd.f32 $9.999999970e-07, v2;
	v3 =	vadd.f32 v4, v3;
	v4 =	vmul.f32 v5, v5;
	_ =	sdelay $0x1  }
0x25f: {  	v2 =	vmul.f32 v2, v2;
	v3 =	vadd.f32 v4, v3;
	_ =	sdelay $0x1  }
0x260: {  	v3 =	vadd.f32 v2, v3;
	_ =	sdelay $0x1  }
0x261: {  	v2 =	vshra.s32 v3, $0x1;
	v4 =	vmul.f32 $5.000000000e-01, v3  }
0x262: {  	v2 =	vsub.s32 $0x5F3759DF, v2  }
0x263: {  	v5 =	vmul.f32 v2, v4;
	_ =	sdelay $0x1  }
0x264: {  	v5 =	vmul.f32 v2, v5;
	_ =	sdelay $0x1  }
0x265: {  	v5 =	vsub.f32 $1.500000000e+00, v5;
	_ =	sdelay $0x1  }
0x266: {  	v2 =	vmul.f32 v2, v5;
	_ =	sdelay $0x1  }
0x267: {  	v5 =	vmul.f32 v2, v4;
	_ =	sdelay $0x1  }
0x268: {  	v5 =	vmul.f32 v5, v2;
	_ =	sdelay $0x1  }
0x269: {  	v5 =	vsub.f32 $1.500000000e+00, v5;
	_ =	sdelay $0x1  }
0x26a: {  	v2 =	vmul.f32 v5, v2;
	_ =	sdelay $0x1  }
0x26b: {  	v4 =	vmul.f32 v2, v4;
	_ =	sdelay $0x1  }
0x26c: {  	s31 =	simm.s32 $0x0;
	v4 =	vmul.f32 v4, v2  }
0x26d: {  	s29 =	simm.s32 $0xB;
	v6 =	vmov s31  }
0x26e: {  	s22 =	simm.s32 $0x2;
	s21 =	simm.s32 $0x1;
	v15 =	vmov s29;
	v6 =	vand.u32 $0x70, v6;
	v4 =	vsub.f32 $1.500000000e+00, v4  }
0x26f: {  	v8 =	vmov s22;
	v7 =	vmov s21;
	v6 =	vbroadcast v6, $0x0  }
0x270: {  	v7 =	vand.u32 $0x71, v7;
	v4 =	vmul.f32 v4, v2;
	v2 =	vor.u32 $0x2000, v0  }
0x271: {  	s24 =	simm.s32 $0x4;
	v8 =	vand.u32 $0x72, v8;
	v7 =	vbroadcast v7, $0x0;
	v6 =	vor.u32 v2, v6  }
0x272: {  	s30 =	simm.s32 $0x3;
	v15 =	vand.u32 $0x7B, v15;
	v10 =	vmov s24;
	v8 =	vbroadcast v8, $0x0  }
0x273: {  	v5 =	vmov s30;
	v7 =	vor.u32 v2, v7;
	v3 =	vmul.f32 v4, v3  }
0x274: {  	s26 =	simm.s32 $0xD;
	v15 =	vbroadcast v15, $0x0;
	v10 =	vand.u32 $0x74, v10;
	v5 =	vand.u32 $0x73, v5  }
0x275: {  	s28 =	simm.s32 $0x5;
	s24 =	simm.s32 $0xA;
	v12 =	vmov s26;
	v5 =	vbroadcast v5, $0x0;
	v8 =	vor.u32 v2, v8;
	[tilespmem:$0x5130] =	vst v3  }
0x276: {  	v49 =	vmov s24;
	s26 =	simm.s32 $0x8;
	v10 =	vbroadcast v10, $0x0;
	v13 =	vmov s28;
	v14 =	vld.idx.msk [tilespmem:v6+s12+$0x0], $0xffff  }
0x277: {  	v52 =	vmov s26;
	v13 =	vand.u32 $0x75, v13;
	v5 =	vor.u32 v2, v5;
	v6 =	vld.idx.msk [tilespmem:v6+s13+$0x0], $0xffff  }
0x278: {  	s25 =	simm.s32 $0xE;
	v12 =	vand.u32 $0x7D, v12;
	v20 =	vand.u32 $0x7A, v49;
	v13 =	vbroadcast v13, $0x0;
	s31 =	simm.s32 $0x6;
	v47 =	vld.idx.msk [tilespmem:v7+s12+$0x0], $0xffff  }
0x279: {  	v46 =	vmov s31;
	v10 =	vor.u32 v2, v10;
	v3 =	vmov s25;
	s25 =	simm.s32 $0x7;
	v7 =	vld.idx.msk [tilespmem:v7+s13+$0x0], $0xffff  }
0x27a: {  	v57 =	vbroadcast v20, $0x0;
	v17 =	vand.u32 $0x76, v46;
	v50 =	vmov s25;
	v51 =	vld.idx.msk [tilespmem:v8+s12+$0x0], $0xffff  }
0x27b: {  	s23 =	simm.s32 $0xF;
	v17 =	vbroadcast v17, $0x0;
	v13 =	vor.u32 v2, v13;
	v21 =	vand.u32 $0x77, v50;
	v8 =	vld.idx.msk [tilespmem:v8+s13+$0x0], $0xffff  }
0x27c: {  	v9 =	vmov s23;
	s23 =	simm.s32 $0x9;
	v12 =	vbroadcast v12, $0x0;
	v11 =	vld.idx.msk [tilespmem:v5+s12+$0x0], $0xffff;
	v21 =	vbroadcast v21, $0x0  }
0x27d: {  	v48 =	vmov s23;
	v17 =	vor.u32 v2, v17;
	v5 =	vld.idx.msk [tilespmem:v5+s13+$0x0], $0xffff;
	v6 =	vsub.f32 v14, v6  }
0x27e: {  	v54 =	vand.u32 $0x79, v48;
	v53 =	vld.idx.msk [tilespmem:v10+s12+$0x0], $0xffff;
	v21 =	vor.u32 v2, v21;
	v14 =	vand.u32 $0x78, v52  }
0x27f: {  	s30 =	simm.s32 $0xC;
	v10 =	vld.idx.msk [tilespmem:v10+s13+$0x0], $0xffff;
	v7 =	vsub.f32 v47, v7;
	v14 =	vbroadcast v14, $0x0;
	v6 =	vadd.f32 $9.999999970e-07, v6  }
0x280: {  	v18 =	vbroadcast v54, $0x0;
	v45 =	vmov s30;
	v55 =	vld.idx.msk [tilespmem:v13+s12+$0x0], $0xffff;
	v8 =	vsub.f32 v51, v8  }
0x281: {  	v13 =	vld.idx.msk [tilespmem:v13+s13+$0x0], $0xffff;
	v7 =	vadd.f32 $9.999999970e-07, v7;
	v14 =	vor.u32 v2, v14;
	v6 =	vmul.f32 v6, v6  }
0x282: {  	v4 =	vimm.f32 $0.0e+00;
	v56 =	vld.idx.msk [tilespmem:v17+s12+$0x0], $0xffff;
	v5 =	vsub.f32 v11, v5;
	v11 =	vor.u32 v2, v18  }
0x283: {  	v17 =	vld.idx.msk [tilespmem:v17+s13+$0x0], $0xffff;
	v4 =	vadd.f32 v6, v4;
	v6 =	vmul.f32 v7, v7;
	v7 =	vadd.f32 $9.999999970e-07, v8  }
0x284: {  	v16 =	vand.u32 $0x7C, v45;
	v15 =	vor.u32 v2, v15;
	v10 =	vsub.f32 v53, v10;
	v58 =	vld.idx.msk [tilespmem:v21+s13+$0x0], $0xffff  }
0x285: {  	v5 =	vadd.f32 $9.999999970e-07, v5;
	v8 =	vld.idx.msk [tilespmem:v21+s12+$0x0], $0xffff;
	v4 =	vadd.f32 v6, v4;
	v6 =	vmul.f32 v7, v7  }
0x286: {  	v16 =	vbroadcast v16, $0x0;
	v18 =	vor.u32 v2, v57;
	v13 =	vsub.f32 v55, v13;
	v7 =	vld.idx.msk [tilespmem:v14+s12+$0x0], $0xffff  }
0x287: {  	v5 =	vmul.f32 v5, v5;
	v14 =	vld.idx.msk [tilespmem:v14+s13+$0x0], $0xffff;
	v4 =	vadd.f32 v6, v4;
	v6 =	vadd.f32 $9.999999970e-07, v10  }
0x288: {  	v16 =	vor.u32 v2, v16;
	v3 =	vand.u32 $0x7E, v3;
	v17 =	vsub.f32 v56, v17;
	v10 =	vld.idx.msk [tilespmem:v11+s12+$0x0], $0xffff  }
0x289: {  	v11 =	vld.idx.msk [tilespmem:v11+s13+$0x0], $0xffff;
	v4 =	vadd.f32 v5, v4;
	v5 =	vmul.f32 v6, v6;
	v6 =	vadd.f32 $9.999999970e-07, v13  }
0x28a: {  	v12 =	vor.u32 v2, v12;
	v3 =	vbroadcast v3, $0x0;
	v59 =	vld.idx.msk [tilespmem:v15+s12+$0x0], $0xffff;
	v8 =	vsub.f32 v8, v58  }
0x28b: {  	v13 =	vld.idx.msk [tilespmem:v18+s12+$0x0], $0xffff;
	v4 =	vadd.f32 v5, v4;
	v5 =	vmul.f32 v6, v6;
	v6 =	vadd.f32 $9.999999970e-07, v17  }
0x28c: {  	v9 =	vand.u32 $0x7F, v9;
	v18 =	vld.idx.msk [tilespmem:v18+s13+$0x0], $0xffff;
	v7 =	vsub.f32 v7, v14;
	v14 =	vor.u32 v2, v3  }
0x28d: {  	v15 =	vld.idx.msk [tilespmem:v15+s13+$0x0], $0xffff;
	v3 =	vadd.f32 v5, v4;
	v4 =	vmul.f32 v6, v6;
	v5 =	vadd.f32 $9.999999970e-07, v8  }
0x28e: {  	s20 =	simm.s32 $0x1F;
	v10 =	vsub.f32 v10, v11;
	v11 =	vld.idx.msk [tilespmem:v16+s13+$0x0], $0xffff;
	v7 =	vadd.f32 $9.999999970e-07, v7;
	v6 =	vbroadcast v9, $0x0  }
0x28f: {  	v8 =	vld.idx.msk [tilespmem:v16+s12+$0x0], $0xffff;
	v9 =	vmov s20;
	v4 =	vadd.f32 v4, v3;
	v5 =	vmul.f32 v5, v5  }
0x290: {  	v7 =	vmul.f32 v7, v7;
	v10 =	vadd.f32 $9.999999970e-07, v10;
	v60 =	vor.u32 v2, v6;
	v6 =	vld.idx.msk [tilespmem:v12+s12+$0x0], $0xffff  }
0x291: {  	v3 =	vand.u32 $0x7F, v9;
	v9 =	vsub.f32 v13, v18;
	v12 =	vld.idx.msk [tilespmem:v12+s13+$0x0], $0xffff;
	v5 =	vadd.f32 v5, v4;
	_ =	sdelay $0x1  }
0x292: {  	v9 =	vadd.f32 $9.999999970e-07, v9;
	v5 =	vadd.f32 v7, v5;
	v7 =	vmul.f32 v10, v10  }
0x293: {  	s29 =	simm.s32 $0x13;
	v15 =	vsub.f32 v59, v15;
	v61 =	vld.idx.msk [tilespmem:v14+s12+$0x0], $0xffff  }
0x294: {  	s31 =	simm.s32 $0x11;
	v13 =	vmov s29;
	v62 =	vld.idx.msk [tilespmem:v14+s13+$0x0], $0xffff;
	v9 =	vmul.f32 v9, v9;
	v7 =	vadd.f32 v7, v5  }
0x295: {  	v11 =	vsub.f32 v8, v11;
	v10 =	vmov s31;
	v8 =	vsub.f32 v6, v12;
	v6 =	vld.idx.msk [tilespmem:v60+s12+$0x0], $0xffff  }
0x296: {  	s30 =	simm.s32 $0x10;
	v14 =	vadd.f32 $9.999999970e-07, v15;
	v5 =	vand.u32 $0x71, v10;
	v10 =	vadd.f32 v9, v7;
	v7 =	vld.idx.msk [tilespmem:v60+s13+$0x0], $0xffff  }
0x297: {  	s28 =	simm.s32 $0x12;
	v63 =	vmov s30;
	v15 =	vand.u32 $0x73, v13  }
0x298: {  	v4 =	vmov s28;
	v13 =	vmul.f32 v14, v14;
	v14 =	vadd.f32 $9.999999970e-07, v11  }
0x299: {  	s21 =	simm.s32 $0x2F;
	v11 =	vand.u32 $0x70, v63;
	v12 =	vbroadcast v15, $0x0;
	v9 =	vsub.f32 v61, v62  }
.LBB2_11:
0x29a: {  	p0 =	sne.s32 s21, $0x7F;
	v10 =	vadd.f32 v13, v10;
	v13 =	vmul.f32 v14, v14;
	v8 =	vadd.f32 $9.999999970e-07, v8  }
0x29b: {  	v11 =	vbroadcast v11, $0x0;
	v6 =	vsub.f32 v6, v7;
	v12 =	vor.u32 v2, v12  }
0x29c: {  	v9 =	vadd.f32 $9.999999970e-07, v9;
	v7 =	vadd.f32 v13, v10;
	v8 =	vmul.f32 v8, v8  }
0x29d: {  	v5 =	vbroadcast v5, $0x0;
	v4 =	vand.u32 $0x72, v4;
	v10 =	vor.u32 v2, v11  }
0x29e: {  	s22 =	sadd.s32 $0xFFFFFFFF, s20;
	v6 =	vadd.f32 $9.999999970e-07, v6;
	v7 =	vadd.f32 v8, v7;
	v8 =	vmul.f32 v9, v9  }
0x29f: {  	s23 =	sadd.s32 $0xFFFFFFF5, s20;
	v4 =	vbroadcast v4, $0x0;
	v5 =	vor.u32 v2, v5;
	v9 =	vmov s22  }
0x2a0: {  	v11 =	vmov s23;
	s22 =	sadd.s32 $0xFFFFFFFE, s20;
	v6 =	vmul.f32 v6, v6;
	v7 =	vadd.f32 v8, v7  }
0x2a1: {  	s23 =	sadd.s32 $0xFFFFFFF6, s20;
	v4 =	vor.u32 v2, v4;
	v11 =	vand.u32 $0x74, v11;
	v13 =	vmov s22;
	v8 =	vld.idx.msk [tilespmem:v12+s12+$0x0], $0xffff  }
0x2a2: {  	v15 =	vmov s23;
	s23 =	sadd.s32 $0xFFFFFFFD, s20;
	v11 =	vbroadcast v11, $0x0;
	s22 =	sadd.s32 $0xFFFFFFFC, s20;
	v14 =	vld.idx.msk [tilespmem:v10+s12+$0x0], $0xffff;
	v6 =	vadd.f32 v6, v7  }
0x2a3: {  	s24 =	sadd.s32 $0xFFFFFFF7, s20;
	v16 =	vmov s23;
	v7 =	vld.idx.msk [tilespmem:v10+s13+$0x0], $0xffff;
	v10 =	vand.u32 $0x75, v15;
	v15 =	vmov s22  }
0x2a4: {  	v18 =	vmov s24;
	s23 =	sadd.s32 $0xFFFFFFFB, s20;
	v11 =	vor.u32 v2, v11;
	s22 =	sadd.s32 $0xFFFFFFFA, s20;
	v17 =	vld.idx.msk [tilespmem:v5+s12+$0x0], $0xffff;
	v10 =	vbroadcast v10, $0x0  }
0x2a5: {  	s24 =	sadd.s32 $0xFFFFFFF8, s20;
	v18 =	vand.u32 $0x76, v18;
	v20 =	vmov s23;
	v19 =	vmov s22;
	v5 =	vld.idx.msk [tilespmem:v5+s13+$0x0], $0xffff  }
0x2a6: {  	v22 =	vmov s24;
	v18 =	vbroadcast v18, $0x0;
	s22 =	sadd.s32 $0xFFFFFFF9, s20;
	s20 =	smov.u32 s21;
	v21 =	vld.idx.msk [tilespmem:v4+s12+$0x0], $0xffff;
	v10 =	vor.u32 v2, v10  }
0x2a7: {  	v22 =	vand.u32 $0x77, v22;
	v9 =	vand.u32 $0x7E, v9;
	v23 =	vmov s22;
	v4 =	vld.idx.msk [tilespmem:v4+s13+$0x0], $0xffff  }
0x2a8: {  	v22 =	vbroadcast v22, $0x0;
	v18 =	vor.u32 v2, v18;
	v13 =	vand.u32 $0x7D, v13;
	v12 =	vld.idx.msk [tilespmem:v12+s13+$0x0], $0xffff  }
0x2a9: {  	v16 =	vand.u32 $0x7C, v16;
	v23 =	vand.u32 $0x78, v23;
	v7 =	vsub.f32 v14, v7;
	v14 =	vld.idx.msk [tilespmem:v11+s12+$0x0], $0xffff  }
0x2aa: {  	v22 =	vor.u32 v2, v22;
	v15 =	vand.u32 $0x7B, v15;
	v23 =	vbroadcast v23, $0x0;
	v11 =	vld.idx.msk [tilespmem:v11+s13+$0x0], $0xffff  }
0x2ab: {  	v19 =	vand.u32 $0x79, v19;
	v7 =	vadd.f32 $9.999999970e-07, v7;
	v5 =	vsub.f32 v17, v5;
	v17 =	vld.idx.msk [tilespmem:v10+s12+$0x0], $0xffff  }
0x2ac: {  	v20 =	vand.u32 $0x7A, v20;
	v19 =	vbroadcast v19, $0x0;
	v23 =	vor.u32 v2, v23;
	v10 =	vld.idx.msk [tilespmem:v10+s13+$0x0], $0xffff  }
0x2ad: {  	v7 =	vmul.f32 v7, v7;
	v5 =	vadd.f32 $9.999999970e-07, v5;
	v4 =	vsub.f32 v21, v4;
	v21 =	vld.idx.msk [tilespmem:v18+s12+$0x0], $0xffff  }
0x2ae: {  	v8 =	vsub.f32 v8, v12;
	v12 =	vld.idx.msk [tilespmem:v18+s13+$0x0], $0xffff;
	v18 =	vor.u32 v2, v19;
	v19 =	vbroadcast v20, $0x0  }
0x2af: {  	v6 =	vadd.f32 v7, v6;
	v5 =	vmul.f32 v5, v5;
	v4 =	vadd.f32 $9.999999970e-07, v4;
	v7 =	vld.idx.msk [tilespmem:v22+s12+$0x0], $0xffff  }
0x2b0: {  	v15 =	vbroadcast v15, $0x0;
	v11 =	vsub.f32 v14, v11;
	v14 =	vld.idx.msk [tilespmem:v22+s13+$0x0], $0xffff;
	v19 =	vor.u32 v2, v19  }
0x2b1: {  	v5 =	vadd.f32 v5, v6;
	v4 =	vmul.f32 v4, v4;
	v6 =	vadd.f32 $9.999999970e-07, v8;
	v8 =	vld.idx.msk [tilespmem:v23+s12+$0x0], $0xffff  }
0x2b2: {  	v16 =	vbroadcast v16, $0x0;
	v15 =	vor.u32 v2, v15;
	v10 =	vsub.f32 v17, v10;
	v17 =	vld.idx.msk [tilespmem:v23+s13+$0x0], $0xffff  }
0x2b3: {  	v4 =	vadd.f32 v4, v5;
	v5 =	vmul.f32 v6, v6;
	v6 =	vadd.f32 $9.999999970e-07, v11;
	v11 =	vld.idx.msk [tilespmem:v18+s12+$0x0], $0xffff  }
0x2b4: {  	v13 =	vbroadcast v13, $0x0;
	v16 =	vor.u32 v2, v16;
	v12 =	vsub.f32 v21, v12;
	v18 =	vld.idx.msk [tilespmem:v18+s13+$0x0], $0xffff  }
0x2b5: {  	v4 =	vadd.f32 v5, v4;
	v5 =	vmul.f32 v6, v6;
	v6 =	vadd.f32 $9.999999970e-07, v10;
	v10 =	vld.idx.msk [tilespmem:v19+s12+$0x0], $0xffff  }
0x2b6: {  	v9 =	vbroadcast v9, $0x0;
	v13 =	vor.u32 v2, v13;
	v7 =	vsub.f32 v7, v14;
	v14 =	vld.idx.msk [tilespmem:v19+s13+$0x0], $0xffff  }
0x2b7: {  	v4 =	vadd.f32 v5, v4;
	v5 =	vmul.f32 v6, v6;
	v6 =	vadd.f32 $9.999999970e-07, v12;
	v12 =	vld.idx.msk [tilespmem:v15+s12+$0x0], $0xffff  }
0x2b8: {  	v3 =	vbroadcast v3, $0x0;
	v9 =	vor.u32 v2, v9;
	v8 =	vsub.f32 v8, v17;
	v15 =	vld.idx.msk [tilespmem:v15+s13+$0x0], $0xffff  }
0x2b9: {  	v4 =	vadd.f32 v5, v4;
	v5 =	vmul.f32 v6, v6;
	v6 =	vadd.f32 $9.999999970e-07, v7;
	v7 =	vld.idx.msk [tilespmem:v16+s12+$0x0], $0xffff  }
0x2ba: {  	v17 =	vmov s21;
	v11 =	vsub.f32 v11, v18;
	v18 =	vor.u32 v2, v3;
	v16 =	vld.idx.msk [tilespmem:v16+s13+$0x0], $0xffff  }
0x2bb: {  	v4 =	vadd.f32 v5, v4;
	v5 =	vmul.f32 v6, v6;
	v6 =	vadd.f32 $9.999999970e-07, v8;
	v8 =	vld.idx.msk [tilespmem:v13+s12+$0x0], $0xffff  }
0x2bc: {  	v3 =	vand.u32 $0x7F, v17;
	v10 =	vsub.f32 v10, v14;
	v13 =	vld.idx.msk [tilespmem:v13+s13+$0x0], $0xffff  }
0x2bd: {  	s23 =	sadd.s32 $0xFFFFFFF4, s21;
	s22 =	sadd.s32 $0xFFFFFFF3, s21;
	v11 =	vadd.f32 $9.999999970e-07, v11;
	v5 =	vadd.f32 v5, v4;
	v6 =	vmul.f32 v6, v6;
	v17 =	vld.idx.msk [tilespmem:v9+s12+$0x0], $0xffff  }
0x2be: {  	v14 =	vmov s23;
	v4 =	vmov s22;
	v12 =	vsub.f32 v12, v15;
	v9 =	vld.idx.msk [tilespmem:v9+s13+$0x0], $0xffff  }
0x2bf: {  	s23 =	sadd.s32 $0xFFFFFFF2, s21;
	s22 =	sadd.s32 $0xFFFFFFF1, s21;
	v11 =	vmul.f32 v11, v11;
	v10 =	vadd.f32 $9.999999970e-07, v10;
	v5 =	vadd.f32 v6, v5;
	v6 =	vld.idx.msk [tilespmem:v18+s12+$0x0], $0xffff  }
.Ltmp4:
0x2c0: {  	v19 =	vmov s23;
	v15 =	vmov s22;
	v16 =	vsub.f32 v7, v16;
	v7 =	vld.idx.msk [tilespmem:v18+s13+$0x0], $0xffff;
	(pc) =	sbr.rel @p0 .LBB2_11-.Ltmp4, $4  }
0x2c1: {  	v10 =	vmul.f32 v10, v10;
	v12 =	vadd.f32 $9.999999970e-07, v12;
	v11 =	vadd.f32 v11, v5  }
0x2c2: {  	v5 =	vand.u32 $0x71, v19;
	v18 =	vand.u32 $0x73, v14;
	v8 =	vsub.f32 v8, v13  }
0x2c3: {  	v13 =	vmul.f32 v12, v12;
	v14 =	vadd.f32 $9.999999970e-07, v16;
	v10 =	vadd.f32 v10, v11  }
0x2c4: {  	s21 =	sadd.s32 $0x10, s21;
	v12 =	vbroadcast v18, $0x0;
	v11 =	vand.u32 $0x70, v15;
	v9 =	vsub.f32 v17, v9  }
0x2c5: {  	v10 =	vadd.f32 v13, v10;
	v48 =	vmul.f32 v14, v14;
	v8 =	vadd.f32 $9.999999970e-07, v8  }
0x2c6: {  	v11 =	vbroadcast v11, $0x0;
	v6 =	vsub.f32 v6, v7;
	v5 =	vbroadcast v5, $0x0  }
0x2c7: {  	v4 =	vand.u32 $0x72, v4;
	s21 =	sadd.s32 $0xFFFFFFFF, s20;
	v12 =	vor.u32 v2, v12;
	v9 =	vadd.f32 $9.999999970e-07, v9  }
0x2c8: {  	s22 =	sadd.s32 $0xFFFFFFF5, s20;
	s23 =	sadd.s32 $0xFFFFFFFE, s20;
	s24 =	sadd.s32 $0xFFFFFFF6, s20;
	v4 =	vbroadcast v4, $0x0;
	v52 =	vmov s21;
	v50 =	vor.u32 v2, v11  }
0x2c9: {  	s25 =	sadd.s32 $0xFFFFFFFC, s20;
	s26 =	sadd.s32 $0xFFFFFFFD, s20;
	v53 =	vmov s22;
	v55 =	vmov s23;
	v57 =	vmov s24  }
0x2ca: {  	s28 =	sadd.s32 $0xFFFFFFFA, s20;
	s29 =	sadd.s32 $0xFFFFFFFB, s20;
	s30 =	sadd.s32 $0xFFFFFFF8, s20;
	v15 =	vmov s25;
	v16 =	vmov s26;
	v5 =	vor.u32 v2, v5  }
0x2cb: {  	s31 =	sadd.s32 $0xFFFFFFF9, s20;
	v19 =	vmov s28;
	v20 =	vmov s29;
	v21 =	vmov s30  }
0x2cc: {  	v23 =	vmov s31;
	v49 =	vadd.f32 v48, v10;
	v4 =	vor.u32 v2, v4  }
0x2cd: {  	s23 =	sadd.s32 $0xFFFFFFF7, s20;
	v8 =	vmul.f32 v8, v8;
	v6 =	vadd.f32 $9.999999970e-07, v6;
	v14 =	vand.u32 $0x75, v57;
	v58 =	vld.idx.msk [tilespmem:v50+s12+$0x0], $0xffff  }
0x2ce: {  	v54 =	vand.u32 $0x74, v53;
	v17 =	vmov s23;
	v14 =	vbroadcast v14, $0x0;
	v10 =	vld.idx.msk [tilespmem:v50+s13+$0x0], $0xffff  }
0x2cf: {  	v21 =	vand.u32 $0x77, v21;
	v7 =	vadd.f32 v8, v49;
	v8 =	vbroadcast v54, $0x0;
	v18 =	vld.idx.msk [tilespmem:v5+s12+$0x0], $0xffff  }
0x2d0: {  	v11 =	vand.u32 $0x7D, v55;
	v51 =	vmul.f32 v9, v9;
	v14 =	vor.u32 v2, v14;
	v5 =	vld.idx.msk [tilespmem:v5+s13+$0x0], $0xffff  }
0x2d1: {  	v59 =	vand.u32 $0x78, v23;
	v17 =	vand.u32 $0x76, v17;
	v8 =	vor.u32 v2, v8;
	v22 =	vld.idx.msk [tilespmem:v4+s12+$0x0], $0xffff  }
0x2d2: {  	v6 =	vmul.f32 v6, v6;
	v17 =	vbroadcast v17, $0x0;
	v7 =	vadd.f32 v51, v7;
	v4 =	vld.idx.msk [tilespmem:v4+s13+$0x0], $0xffff  }
0x2d3: {  	v16 =	vand.u32 $0x7C, v16;
	v15 =	vand.u32 $0x7B, v15;
	v21 =	vbroadcast v21, $0x0;
	v56 =	vld.idx.msk [tilespmem:v12+s12+$0x0], $0xffff  }
0x2d4: {  	v17 =	vor.u32 v2, v17;
	v12 =	vld.idx.msk [tilespmem:v12+s13+$0x0], $0xffff;
	v6 =	vadd.f32 v6, v7;
	v7 =	vsub.f32 v58, v10  }
0x2d5: {  	v61 =	vand.u32 $0x79, v19;
	v20 =	vand.u32 $0x7A, v20;
	v21 =	vor.u32 v2, v21;
	v62 =	vld.idx.msk [tilespmem:v14+s12+$0x0], $0xffff  }
0x2d6: {  	v60 =	vld.idx.msk [tilespmem:v8+s12+$0x0], $0xffff;
	v10 =	vbroadcast v59, $0x0;
	v5 =	vsub.f32 v18, v5;
	v7 =	vadd.f32 $9.999999970e-07, v7  }
0x2d7: {  	v9 =	vand.u32 $0x7E, v52;
	v8 =	vld.idx.msk [tilespmem:v8+s13+$0x0], $0xffff;
	v18 =	vbroadcast v61, $0x0;
	v4 =	vsub.f32 v22, v4  }
0x2d8: {  	v14 =	vld.idx.msk [tilespmem:v14+s13+$0x0], $0xffff;
	v10 =	vor.u32 v2, v10;
	v5 =	vadd.f32 $9.999999970e-07, v5;
	v7 =	vmul.f32 v7, v7  }
0x2d9: {  	v25 =	vbroadcast v20, $0x0;
	v63 =	vld.idx.msk [tilespmem:v17+s12+$0x0], $0xffff;
	v12 =	vsub.f32 v56, v12;
	v24 =	vor.u32 v2, v18  }
0x2da: {  	v17 =	vld.idx.msk [tilespmem:v17+s13+$0x0], $0xffff;
	v4 =	vadd.f32 $9.999999970e-07, v4;
	v5 =	vmul.f32 v5, v5;
	v6 =	vadd.f32 v7, v6  }
0x2db: {  	v15 =	vbroadcast v15, $0x0;
	v26 =	vld.idx.msk [tilespmem:v21+s12+$0x0], $0xffff;
	v28 =	vadd.f32 $9.999999970e-07, v12;
	v18 =	vor.u32 v2, v25  }
0x2dc: {  	v27 =	vld.idx.msk [tilespmem:v21+s13+$0x0], $0xffff;
	v8 =	vsub.f32 v60, v8;
	v4 =	vmul.f32 v4, v4;
	v5 =	vadd.f32 v5, v6  }
0x2dd: {  	v16 =	vbroadcast v16, $0x0;
	v15 =	vor.u32 v2, v15;
	v14 =	vsub.f32 v62, v14;
	v29 =	vld.idx.msk [tilespmem:v10+s12+$0x0], $0xffff  }
0x2de: {  	v30 =	vmul.f32 v28, v28;
	v31 =	vadd.f32 $9.999999970e-07, v8;
	v10 =	vld.idx.msk [tilespmem:v10+s13+$0x0], $0xffff;
	v4 =	vadd.f32 v4, v5  }
0x2df: {  	v11 =	vbroadcast v11, $0x0;
	v16 =	vor.u32 v2, v16;
	v17 =	vsub.f32 v63, v17;
	v32 =	vld.idx.msk [tilespmem:v24+s12+$0x0], $0xffff  }
0x2e0: {  	v34 =	vadd.f32 $9.999999970e-07, v14;
	v13 =	vld.idx.msk [tilespmem:v24+s13+$0x0], $0xffff;
	v33 =	vmul.f32 v31, v31;
	v4 =	vadd.f32 v30, v4  }
0x2e1: {  	v9 =	vbroadcast v9, $0x0;
	v11 =	vor.u32 v2, v11;
	v7 =	vsub.f32 v26, v27;
	v35 =	vld.idx.msk [tilespmem:v18+s12+$0x0], $0xffff  }
0x2e2: {  	v37 =	vadd.f32 $9.999999970e-07, v17;
	v18 =	vld.idx.msk [tilespmem:v18+s13+$0x0], $0xffff;
	v36 =	vmul.f32 v34, v34;
	v4 =	vadd.f32 v33, v4  }
0x2e3: {  	v9 =	vor.u32 v2, v9;
	v38 =	vld.idx.msk [tilespmem:v15+s12+$0x0], $0xffff;
	v41 =	vadd.f32 $9.999999970e-07, v7  }
0x2e4: {  	v39 =	vld.idx.msk [tilespmem:v15+s13+$0x0], $0xffff;
	v40 =	vmul.f32 v37, v37;
	v10 =	vsub.f32 v29, v10;
	v4 =	vadd.f32 v36, v4  }
0x2e5: {  	v3 =	vbroadcast v3, $0x0;
	v42 =	vld.idx.msk [tilespmem:v16+s12+$0x0], $0xffff;
	v8 =	vsub.f32 v32, v13  }
0x2e6: {  	v45 =	vld.idx.msk [tilespmem:v11+s12+$0x0], $0xffff;
	v43 =	vmul.f32 v41, v41;
	v44 =	vadd.f32 $9.999999970e-07, v10;
	v4 =	vadd.f32 v40, v4  }
0x2e7: {  	v2 =	vor.u32 v2, v3;
	v3 =	vld.idx.msk [tilespmem:v16+s13+$0x0], $0xffff;
	v46 =	vsub.f32 v35, v18  }
0x2e8: {  	v11 =	vld.idx.msk [tilespmem:v11+s13+$0x0], $0xffff;
	v48 =	vadd.f32 $9.999999970e-07, v8;
	v47 =	vmul.f32 v44, v44;
	v4 =	vadd.f32 v43, v4  }
0x2e9: {  	v49 =	vld.idx.msk [tilespmem:v9+s12+$0x0], $0xffff;
	v12 =	vsub.f32 v38, v39  }
0x2ea: {  	v9 =	vld.idx.msk [tilespmem:v9+s13+$0x0], $0xffff;
	v51 =	vadd.f32 $9.999999970e-07, v46;
	v50 =	vmul.f32 v48, v48;
	v4 =	vadd.f32 v47, v4  }
0x2eb: {  	v54 =	vadd.f32 $9.999999970e-07, v12  }
0x2ec: {  	v52 =	vld.idx.msk [tilespmem:v2+s12+$0x0], $0xffff;
	v3 =	vsub.f32 v42, v3;
	v53 =	vmul.f32 v51, v51;
	v4 =	vadd.f32 v50, v4  }
0x2ed: {  	v55 =	vsub.f32 v45, v11;
	v2 =	vld.idx.msk [tilespmem:v2+s13+$0x0], $0xffff  }
0x2ee: {  	v56 =	vmul.f32 v54, v54;
	v3 =	vadd.f32 $9.999999970e-07, v3;
	v4 =	vadd.f32 v53, v4  }
0x2ef: {  	v57 =	vsub.f32 v49, v9  }
0x2f0: {  	v58 =	vadd.f32 $9.999999970e-07, v55;
	v3 =	vmul.f32 v3, v3;
	v4 =	vadd.f32 v56, v4  }
0x2f1: {  	v60 =	vadd.f32 $9.999999970e-07, v57  }
0x2f2: {  	v59 =	vmul.f32 v58, v58;
	v2 =	vsub.f32 v52, v2;
	v3 =	vadd.f32 v3, v4;
	_ =	sdelay $0x1  }
0x2f3: {  	v61 =	vmul.f32 v60, v60;
	v2 =	vadd.f32 $9.999999970e-07, v2;
	v3 =	vadd.f32 v59, v3;
	_ =	sdelay $0x1  }
0x2f4: {  	v2 =	vmul.f32 v2, v2;
	v3 =	vadd.f32 v61, v3;
	_ =	sdelay $0x1  }
0x2f5: {  	v2 =	vadd.f32 v2, v3;
	_ =	sdelay $0x1  }
0x2f6: {  	v3 =	vshra.s32 v2, $0x1;
	v62 =	vmul.f32 $5.000000000e-01, v2  }
0x2f7: {  	v3 =	vsub.s32 $0x5F3759DF, v3  }
0x2f8: {  	v63 =	vmul.f32 v3, v62;
	_ =	sdelay $0x1  }
0x2f9: {  	v5 =	vmul.f32 v3, v63;
	_ =	sdelay $0x1  }
0x2fa: {  	v5 =	vsub.f32 $1.500000000e+00, v5;
	_ =	sdelay $0x1  }
0x2fb: {  	v3 =	vmul.f32 v3, v5;
	_ =	sdelay $0x1  }
0x2fc: {  	v5 =	vmul.f32 v3, v62;
	_ =	sdelay $0x1  }
0x2fd: {  	v5 =	vmul.f32 v5, v3;
	_ =	sdelay $0x1  }
0x2fe: {  	v5 =	vsub.f32 $1.500000000e+00, v5;
	_ =	sdelay $0x1  }
0x2ff: {  	v3 =	vmul.f32 v5, v3;
	_ =	sdelay $0x1  }
0x300: {  	v4 =	vmul.f32 v3, v62;
	_ =	sdelay $0x1  }
0x301: {  	v4 =	vmul.f32 v4, v3;
	_ =	sdelay $0x1  }
0x302: {  	v4 =	vsub.f32 $1.500000000e+00, v4;
	_ =	sdelay $0x1  }
0x303: {  	v3 =	vmul.f32 v4, v3;
	_ =	sdelay $0x1  }
0x304: {  	s18 =	sadd.s32 $0x1, s18;
	v2 =	vmul.f32 v3, v2  }
0x305: {  	p0 =	sne.s32 s18, $0x7D  }
.Ltmp5:
0x306: {  	s19 =	sadd.s32 s3, s19;
	[tilespmem:$0x5140] =	vst v2;
	(pc) =	sbr.rel @p0 .LBB2_2-.Ltmp5, $4  }
0x307: {  	[hbm4b:s19+s5] =	stream.linear.scatter [tilespmem:s16], [sflag:$0x3], $0x50, $0x38;
	[tilespmem:$0x5180] =	vst v63  }
0x308: {  	_ =	swait.ge [sflag:s9], $0x50  }
0x309: {  	[sflag:s9] =	ssyncset.done $0x0  }
0x30a: {  	[sflag:s9] =	ssyncadd.s32 $0xFFFFFFB0  }
0x30b: {  	s17 =	sadd.s32 $0x1, s17  }
0x30c: {  	p0 =	sne.s32 s17, s8  }
.Ltmp6:
0x30d: {  	_ = 	snop;
	(pc) =	sbr.rel @p0 .LBB2_1-.Ltmp6, $1  }
0x30e: {  	_ =	sdelay $0x3  }
0x30f: {  	_ =	sfence.sel $0x180000  }
0x310: {  	[bflag:$0x0] =	sbarrier.arrive $0xFFFF  }
0x311: {  	p0 =	sne.s32 s4, $0x0;
	_ =	strace $0x90000047  }
0x312: {  	s0 =	sadd.s32 @!p0 $0x100000, s0;
	[bflag:$0x2] =	sbarrier.arrive $0xFFFF  }
0x313: {  	[sflag:s0] =	ssyncadd.tile.s32 @!p0 $0x1;
	_ =	shalt  }
.Lfunc_end2:
_tile_overlayer_lowered:
.L_overlay_start_2:
0x314: {  	(tag) =	ssettag $0x2  }
0x315: {  	s0 =	rddreg [dreg:$0x0];
	s2 =	stileid.u32  }
0x316: {  	s1 =	rddreg [dreg:$0x1];
	p0 =	sne.s32 s2, $0x0  }
0x317: {  	s3 =	rddreg [dreg:$0x2];
	[bflag:$0x3] =	sbarrier.arrive $0xFFFF;
	s2 =	simm.s32 @!p0 $0x1C03  }
0x318: {  	[timem:s3], [sflag:s2] =	dma.local @!p0 [hbm:s0], s1  }
0x319: {  	s0 =	simm.s32 @!p0 $0x3  }
0x31a: {  	_ =	swait.ge @!p0 [sflag:s0], s1  }
0x31b: {  	s1 =	ssub.s32 @!p0 $0x0, s1;
	[sflag:s0] =	ssyncset.done @!p0 $0x0  }
0x31c: {  	[sflag:s0] =	ssyncadd.s32 @!p0 s1  }
0x31d: {  	[bflag:$0x3] =	sbarrier.arrive $0xFFFF  }
0x31e: {  	_ =	shalt  }

</sc_bundles>
